<compile_context>
chip_gen: v7x
topology: tpu7x:2x2x1
jax: 0.10.2.dev20260603
libtpu: 0.0.44.dev20260713+nightly
codegen_flags: <defaults>
</compile_context>

<pallas_src>
import functools

import jax
import jax.numpy as jnp
from jax import lax
from jax.experimental import pallas as pl
from jax.experimental.pallas import tpu as pltpu
from jax.experimental.pallas import tpu_sc as plsc

B, S, D = 4096, 50, 128
MINUTE, HOUR, WEEKDAY, DAY, MONTH, YEAR = 60, 24, 7, 32, 12, 20
NTOK = B * S
NF = 6

NC, NS, L = 2, 16, 16
NW = NC * NS
TOK_PER_W = NTOK // NW
CH = 128
NCHUNK = TOK_PER_W // CH

V1 = MINUTE * WEEKDAY * YEAR
V2 = HOUR * DAY * MONTH

_mesh = plsc.VectorSubcoreMesh(core_axis_name="c", subcore_axis_name="s")

BPW = B // NW
RCB = 4
RROWS = RCB * S
NRCH = BPW // RCB


@functools.partial(
    pl.kernel,
    out_type=jax.ShapeDtypeStruct((B, S, D), jnp.float32),
    mesh=_mesh,
    scratch_types=[
        [pltpu.VMEM((RROWS, D), jnp.float32)] * 4,
        [pltpu.SemaphoreType.DMA] * 4,
        [pltpu.SemaphoreType.DMA] * 4,
    ],
    compiler_params=pltpu.CompilerParams(use_tc_tiling_on_sc=True),
)
def _sc_relayout(a_hbm, out_hbm, buf, semI, semO):
    wid = lax.axis_index("s") * NC + lax.axis_index("c")

    def row0(k):
        return wid * TOK_PER_W + k * RROWS

    def bb0(k):
        return wid * BPW + k * RCB

    def in_start(k, b):
        pltpu.async_copy(a_hbm.at[pl.ds(row0(k), RROWS), :], buf[b], semI[b])

    def in_wait(b):
        pltpu.make_async_copy(a_hbm.at[pl.ds(0, RROWS), :], buf[b],
                              semI[b]).wait()

    def out_start(k, b):
        for j in range(RCB):
            pltpu.async_copy(buf[b].at[pl.ds(j * S, S), :],
                             out_hbm.at[bb0(k) + j, :, :], semO[b])

    def out_wait(b):
        for j in range(RCB):
            pltpu.make_async_copy(buf[b].at[pl.ds(j * S, S), :],
                                  out_hbm.at[0, :, :], semO[b]).wait()

    for s in range(4):
        in_start(s, s)

    @pl.loop(0, NRCH, step=4)
    def rl_loop(c4):
        for b in (0, 1, 2, 3):
            k = c4 + b
            in_wait(b)
            out_start(k, b)

            @pl.when(k + 4 < NRCH)
            def _():
                out_wait(b)
                in_start(k + 4, b)

    for s in range(4):
        out_wait(s)


@functools.partial(
    pl.kernel,
    out_type=jax.ShapeDtypeStruct((NTOK, D), jnp.float32),
    mesh=_mesh,
    scratch_types=[
        [pltpu.VMEM((NF, CH), jnp.int32)] * 2,
        [pltpu.VMEM((CH,), jnp.int32)] * 2,
        [pltpu.VMEM((CH,), jnp.int32)] * 2,
        [pltpu.VMEM((CH, D), jnp.float32)] * 2,
        [pltpu.VMEM((CH, D), jnp.float32)] * 2,
        [pltpu.SemaphoreType.DMA] * 2,
        [pltpu.SemaphoreType.DMA] * 2,
        [pltpu.SemaphoreType.DMA] * 2,
        [pltpu.SemaphoreType.DMA] * 2,
    ],
)
def _sc_embed(w1_hbm, w2_hbm, xt_hbm, out_hbm, fld, idx1, idx2, bufA, bufB,
              semF, semGA, semGB, semO):
    wid = lax.axis_index("s") * NC + lax.axis_index("c")
    wbase = wid * TOK_PER_W

    def tok_base(k):
        return wbase + k * CH

    def fields_start(k, b):
        pltpu.async_copy(xt_hbm.at[:, pl.ds(tok_base(k), CH)], fld[b], semF[b])

    def fields_wait(b):
        pltpu.make_async_copy(xt_hbm.at[:, pl.ds(0, CH)], fld[b],
                              semF[b]).wait()

    def idx_compute(b):
        for j in range(CH // L):
            sl = pl.ds(j * L, L)
            yr = fld[b][0, sl]
            mo = fld[b][1, sl]
            wd = fld[b][2, sl]
            dy = fld[b][3, sl]
            hr = fld[b][4, sl]
            mi = fld[b][5, sl]
            idx1[b][sl] = mi * (WEEKDAY * YEAR) + wd * YEAR + (yr - 2024)
            idx2[b][sl] = hr * (DAY * MONTH) + dy * MONTH + mo

    def gathers_start(b):
        pltpu.async_copy(w1_hbm.at[idx1[b]], bufA[b], semGA[b])
        pltpu.async_copy(w2_hbm.at[idx2[b]], bufB[b], semGB[b])

    def gathers_wait(b):
        pltpu.make_async_copy(w1_hbm.at[idx1[b]], bufA[b], semGA[b]).wait()
        pltpu.make_async_copy(w2_hbm.at[idx2[b]], bufB[b], semGB[b]).wait()

    def accumulate(b):
        def add_body(t, _):
            for cc in range(D // L):
                sl2 = pl.ds(cc * L, L)
                plsc.addupdate(bufA[b].at[t, sl2], bufB[b][t, sl2])
            return ()
        lax.fori_loop(0, CH, add_body, (), unroll=2)

    def out_start(k, b):
        pltpu.async_copy(bufA[b], out_hbm.at[pl.ds(tok_base(k), CH), :],
                         semO[b])

    def out_wait(b):
        pltpu.make_async_copy(bufA[b], out_hbm.at[pl.ds(0, CH), :],
                              semO[b]).wait()

    fields_start(0, 0)

    @pl.loop(0, NCHUNK, step=2)
    def chunk_loop(c2):
        for b in (0, 1):
            k = c2 + b
            o = 1 - b
            fields_wait(b)
            idx_compute(b)

            @pl.when(k >= 2)
            def _():
                out_wait(b)

            gathers_start(b)

            @pl.when(k + 1 < NCHUNK)
            def _():
                fields_start(k + 1, o)

            @pl.when(k >= 1)
            def _():
                gathers_wait(o)
                accumulate(o)
                out_start(k - 1, o)

    gathers_wait(1)
    accumulate(1)
    out_start(NCHUNK - 1, 1)
    out_wait(0)
    out_wait(1)


def kernel(x, minute_W, hour_W, weekday_W, day_W, month_W, year_W):
    w1 = (minute_W[:, None, None, :] + weekday_W[None, :, None, :]
          + year_W[None, None, :, :]).reshape(V1, D)
    w2 = (hour_W[:, None, None, :] + day_W[None, :, None, :]
          + month_W[None, None, :, :]).reshape(V2, D)
    xt = x.reshape(NTOK, NF).astype(jnp.int32).T
    out = _sc_embed(w1, w2, xt)
    return _sc_relayout(out)

# --- scband reference (transcript-rebuilt; emitter-appended) ---
"""Pipeline reference for scband-temporal-embedding-70824010711194 (READ-ONLY COPY).

The authoritative reference and input builder live on the scoring server;
editing this copy changes nothing except your own understanding.
"""

import jax, jax.numpy as jnp
import numpy as np

B, S, D = 4096, 50, 128
MINUTE, HOUR, WEEKDAY, DAY, MONTH, YEAR = 60, 24, 7, 32, 12, 20


def setup_inputs(seed: int = 0) -> dict:
    key = jax.random.key(seed)
    ks = jax.random.split(key, 12)
    year = jax.random.randint(ks[0], (B, S), 2024, 2024 + YEAR, dtype=jnp.int32)
    month = jax.random.randint(ks[1], (B, S), 0, MONTH, dtype=jnp.int32)
    weekday = jax.random.randint(ks[2], (B, S), 0, WEEKDAY, dtype=jnp.int32)
    day = jax.random.randint(ks[3], (B, S), 0, DAY, dtype=jnp.int32)
    hour = jax.random.randint(ks[4], (B, S), 0, HOUR, dtype=jnp.int32)
    minute = jax.random.randint(ks[5], (B, S), 0, MINUTE, dtype=jnp.int32)
    x = jnp.stack([year, month, weekday, day, hour, minute], axis=-1)
    minute_W = jax.random.normal(ks[6], (MINUTE, D), dtype=jnp.float32)
    hour_W = jax.random.normal(ks[7], (HOUR, D), dtype=jnp.float32)
    weekday_W = jax.random.normal(ks[8], (WEEKDAY, D), dtype=jnp.float32)
    day_W = jax.random.normal(ks[9], (DAY, D), dtype=jnp.float32)
    month_W = jax.random.normal(ks[10], (MONTH, D), dtype=jnp.float32)
    year_W = jax.random.normal(ks[11], (YEAR, D), dtype=jnp.float32)
    return {"x": x, "minute_W": minute_W, "hour_W": hour_W, "weekday_W": weekday_W,
            "day_W": day_W, "month_W": month_W, "year_W": year_W}


def reference(x, minute_W, hour_W, weekday_W, day_W, month_W, year_W):
    x = x.astype(jnp.int32)
    minute = jnp.take(minute_W, x[:, :, 5], axis=0)
    hour = jnp.take(hour_W, x[:, :, 4], axis=0)
    weekday = jnp.take(weekday_W, x[:, :, 2], axis=0)
    day = jnp.take(day_W, x[:, :, 3], axis=0)
    month = jnp.take(month_W, x[:, :, 1], axis=0)
    year = jnp.take(year_W, x[:, :, 0] - 2024, axis=0)
    return minute + hour + weekday + day + month + year

if __name__ == "__main__":
    import jax
    _d = setup_inputs()
    print(jax.jit(kernel)(*tuple(_d.values())))

</pallas_src>

<mosaic_0001>
#map = affine_map<(d0, d1) -> (0, 0)>
#map1 = affine_map<(d0, d1) -> (0, 0, 0)>
module attributes {stable_mosaic.version = 14 : i64} {
  func.func @_sc_relayout(%arg0: i32, %arg1: i32, %arg2: memref<204800x128xf32, #tpu.memory_space<hbm>>, %arg3: memref<4096x50x128xf32, #tpu.memory_space<hbm>>, %arg4: memref<200x128xf32, #tpu.memory_space<vmem>>, %arg5: memref<200x128xf32, #tpu.memory_space<vmem>>, %arg6: memref<200x128xf32, #tpu.memory_space<vmem>>, %arg7: memref<200x128xf32, #tpu.memory_space<vmem>>, %arg8: memref<!tpu.dma_semaphore, #tpu.memory_space<semaphore_mem>>, %arg9: memref<!tpu.dma_semaphore, #tpu.memory_space<semaphore_mem>>, %arg10: memref<!tpu.dma_semaphore, #tpu.memory_space<semaphore_mem>>, %arg11: memref<!tpu.dma_semaphore, #tpu.memory_space<semaphore_mem>>, %arg12: memref<!tpu.dma_semaphore, #tpu.memory_space<semaphore_mem>>, %arg13: memref<!tpu.dma_semaphore, #tpu.memory_space<semaphore_mem>>, %arg14: memref<!tpu.dma_semaphore, #tpu.memory_space<semaphore_mem>>, %arg15: memref<!tpu.dma_semaphore, #tpu.memory_space<semaphore_mem>>) attributes {dimension_semantics = [#tpu.dimension_semantics<core_parallel>, #tpu.dimension_semantics<subcore_parallel>], iteration_bounds = array<i64: 2, 16>, scalar_prefetch = 0 : i64, scratch_operands = 12 : i64, tpu.core_type = #tpu.core_type<sc_vector_subcore>, window_params = [{transform_indices = #map}, {transform_indices = #map1}]} {
    %mul3A = arith.constant 2 : i32
    %mul3A_0 = arith.muli %arg1, %mul3A : i32
    %add3A = arith.addi %mul3A_0, %arg0 : i32
    %mul3A_1 = arith.constant 6400 : i32
    %mul3A_2 = arith.muli %add3A, %mul3A_1 : i32
    %add3A_3 = arith.constant 0 : i32
    %add3A_4 = arith.addi %mul3A_2, %add3A_3 : i32
    %dma_start3A = arith.constant 0 : i32
    %dma_start3A_5 = tpu.memref_slice %arg2[%add3A_4, %dma_start3A] : memref<204800x128xf32, #tpu.memory_space<hbm>> -> memref<200x128xf32, #tpu.memory_space<hbm>>
    %dma_start3A_6 = arith.constant 0 : i32
    %dma_start3A_7 = tpu.memref_slice %arg2[%add3A_4, %dma_start3A_6] : memref<204800x128xf32, #tpu.memory_space<hbm>> -> memref<200x128xf32, #tpu.memory_space<hbm>>
    tpu.enqueue_dma source(%dma_start3A_7 : memref<200x128xf32, #tpu.memory_space<hbm>>) target(%arg4 : memref<200x128xf32, #tpu.memory_space<vmem>>) target_semaphore(%arg8 : memref<!tpu.dma_semaphore, #tpu.memory_space<semaphore_mem>>)
    %mul3A_8 = arith.constant 6400 : i32
    %mul3A_9 = arith.muli %add3A, %mul3A_8 : i32
    %add3A_10 = arith.constant 200 : i32
    %add3A_11 = arith.addi %mul3A_9, %add3A_10 : i32
    %dma_start3A_12 = arith.constant 0 : i32
    %dma_start3A_13 = tpu.memref_slice %arg2[%add3A_11, %dma_start3A_12] : memref<204800x128xf32, #tpu.memory_space<hbm>> -> memref<200x128xf32, #tpu.memory_space<hbm>>
    %dma_start3A_14 = arith.constant 0 : i32
    %dma_start3A_15 = tpu.memref_slice %arg2[%add3A_11, %dma_start3A_14] : memref<204800x128xf32, #tpu.memory_space<hbm>> -> memref<200x128xf32, #tpu.memory_space<hbm>>
    tpu.enqueue_dma source(%dma_start3A_15 : memref<200x128xf32, #tpu.memory_space<hbm>>) target(%arg5 : memref<200x128xf32, #tpu.memory_space<vmem>>) target_semaphore(%arg9 : memref<!tpu.dma_semaphore, #tpu.memory_space<semaphore_mem>>)
    %mul3A_16 = arith.constant 6400 : i32
    %mul3A_17 = arith.muli %add3A, %mul3A_16 : i32
    %add3A_18 = arith.constant 400 : i32
    %add3A_19 = arith.addi %mul3A_17, %add3A_18 : i32
    %dma_start3A_20 = arith.constant 0 : i32
    %dma_start3A_21 = tpu.memref_slice %arg2[%add3A_19, %dma_start3A_20] : memref<204800x128xf32, #tpu.memory_space<hbm>> -> memref<200x128xf32, #tpu.memory_space<hbm>>
    %dma_start3A_22 = arith.constant 0 : i32
    %dma_start3A_23 = tpu.memref_slice %arg2[%add3A_19, %dma_start3A_22] : memref<204800x128xf32, #tpu.memory_space<hbm>> -> memref<200x128xf32, #tpu.memory_space<hbm>>
    tpu.enqueue_dma source(%dma_start3A_23 : memref<200x128xf32, #tpu.memory_space<hbm>>) target(%arg6 : memref<200x128xf32, #tpu.memory_space<vmem>>) target_semaphore(%arg10 : memref<!tpu.dma_semaphore, #tpu.memory_space<semaphore_mem>>)
    %mul3A_24 = arith.constant 6400 : i32
    %mul3A_25 = arith.muli %add3A, %mul3A_24 : i32
    %add3A_26 = arith.constant 600 : i32
    %add3A_27 = arith.addi %mul3A_25, %add3A_26 : i32
    %dma_start3A_28 = arith.constant 0 : i32
    %dma_start3A_29 = tpu.memref_slice %arg2[%add3A_27, %dma_start3A_28] : memref<204800x128xf32, #tpu.memory_space<hbm>> -> memref<200x128xf32, #tpu.memory_space<hbm>>
    %dma_start3A_30 = arith.constant 0 : i32
    %dma_start3A_31 = tpu.memref_slice %arg2[%add3A_27, %dma_start3A_30] : memref<204800x128xf32, #tpu.memory_space<hbm>> -> memref<200x128xf32, #tpu.memory_space<hbm>>
    tpu.enqueue_dma source(%dma_start3A_31 : memref<200x128xf32, #tpu.memory_space<hbm>>) target(%arg7 : memref<200x128xf32, #tpu.memory_space<vmem>>) target_semaphore(%arg11 : memref<!tpu.dma_semaphore, #tpu.memory_space<semaphore_mem>>)
    %scan3A = arith.constant 0 : i32
    %scan3A_32 = arith.constant 8 : i32
    %scan3A_33 = arith.addi %scan3A, %scan3A_32 : i32
    %scan3A_34 = arith.constant 1 : i32
    scf.for %scan3A_275 = %scan3A to %scan3A_33 step %scan3A_34  : i32 {
      %mul3A_276 = arith.constant 4 : i32
      %mul3A_277 = arith.muli %scan3A_275, %mul3A_276 : i32
      %add3A_278 = arith.constant 0 : i32
      %add3A_279 = arith.addi %add3A_278, %mul3A_277 : i32
      %add3A_280 = arith.constant 0 : i32
      %add3A_281 = arith.addi %add3A_279, %add3A_280 : i32
      %dma_wait3A_282 = arith.constant 0 : i32
      %dma_wait3A_283 = arith.constant 0 : i32
      %dma_wait3A_284 = tpu.memref_slice %arg2[%dma_wait3A_282, %dma_wait3A_283] : memref<204800x128xf32, #tpu.memory_space<hbm>> -> memref<200x128xf32, #tpu.memory_space<hbm>>
      %dma_wait3A_285 = arith.constant 0 : i32
      %dma_wait3A_286 = arith.constant 0 : i32
      %dma_wait3A_287 = tpu.memref_slice %arg2[%dma_wait3A_285, %dma_wait3A_286] : memref<204800x128xf32, #tpu.memory_space<hbm>> -> memref<200x128xf32, #tpu.memory_space<hbm>>
      tpu.wait_dma2 semaphore(%arg8 : memref<!tpu.dma_semaphore, #tpu.memory_space<semaphore_mem>>) src(%dma_wait3A_287 : memref<200x128xf32, #tpu.memory_space<hbm>>) dst(%arg4 : memref<200x128xf32, #tpu.memory_space<vmem>>)
      %mul3A_288 = arith.constant 128 : i32
      %mul3A_289 = arith.muli %add3A, %mul3A_288 : i32
      %mul3A_290 = arith.constant 4 : i32
      %mul3A_291 = arith.muli %add3A_281, %mul3A_290 : i32
      %add3A_292 = arith.addi %mul3A_289, %mul3A_291 : i32
      %add3A_293 = arith.constant 0 : i32
      %add3A_294 = arith.addi %add3A_292, %add3A_293 : i32
      %dma_start3A_295 = arith.constant 0 : i32
      %dma_start3A_296 = arith.constant 0 : i32
      %dma_start3A_297 = tpu.memref_slice %arg4[%dma_start3A_295, %dma_start3A_296] : memref<200x128xf32, #tpu.memory_space<vmem>> -> memref<50x128xf32, #tpu.memory_space<vmem>>
      %dma_start3A_298 = arith.constant 0 : i32
      %dma_start3A_299 = arith.constant 0 : i32
      %dma_start3A_300 = tpu.memref_slice %arg3[%add3A_294, %dma_start3A_298, %dma_start3A_299] : memref<4096x50x128xf32, #tpu.memory_space<hbm>> -> memref<1x50x128xf32, #tpu.memory_space<hbm>>
      %dma_start3A_301 = tpu.memref_squeeze %dma_start3A_300 : memref<1x50x128xf32, #tpu.memory_space<hbm>> -> memref<50x128xf32, #tpu.memory_space<hbm>>
      %dma_start3A_302 = arith.constant 0 : i32
      %dma_start3A_303 = arith.constant 0 : i32
      %dma_start3A_304 = tpu.memref_slice %arg3[%add3A_294, %dma_start3A_302, %dma_start3A_303] : memref<4096x50x128xf32, #tpu.memory_space<hbm>> -> memref<1x50x128xf32, #tpu.memory_space<hbm>>
      %dma_start3A_305 = tpu.memref_squeeze %dma_start3A_304 : memref<1x50x128xf32, #tpu.memory_space<hbm>> -> memref<50x128xf32, #tpu.memory_space<hbm>>
      %dma_start3A_306 = arith.constant 0 : i32
      %dma_start3A_307 = arith.constant 0 : i32
      %dma_start3A_308 = tpu.memref_slice %arg4[%dma_start3A_306, %dma_start3A_307] : memref<200x128xf32, #tpu.memory_space<vmem>> -> memref<50x128xf32, #tpu.memory_space<vmem>>
      tpu.enqueue_dma source(%dma_start3A_308 : memref<50x128xf32, #tpu.memory_space<vmem>>) target(%dma_start3A_305 : memref<50x128xf32, #tpu.memory_space<hbm>>) target_semaphore(%arg12 : memref<!tpu.dma_semaphore, #tpu.memory_space<semaphore_mem>>)
      %mul3A_309 = arith.constant 128 : i32
      %mul3A_310 = arith.muli %add3A, %mul3A_309 : i32
      %mul3A_311 = arith.constant 4 : i32
      %mul3A_312 = arith.muli %add3A_281, %mul3A_311 : i32
      %add3A_313 = arith.addi %mul3A_310, %mul3A_312 : i32
      %add3A_314 = arith.constant 1 : i32
      %add3A_315 = arith.addi %add3A_313, %add3A_314 : i32
      %dma_start3A_316 = arith.constant 50 : i32
      %dma_start3A_317 = arith.constant 0 : i32
      %dma_start3A_318 = tpu.memref_slice %arg4[%dma_start3A_316, %dma_start3A_317] : memref<200x128xf32, #tpu.memory_space<vmem>> -> memref<50x128xf32, #tpu.memory_space<vmem>>
      %dma_start3A_319 = arith.constant 0 : i32
      %dma_start3A_320 = arith.constant 0 : i32
      %dma_start3A_321 = tpu.memref_slice %arg3[%add3A_315, %dma_start3A_319, %dma_start3A_320] : memref<4096x50x128xf32, #tpu.memory_space<hbm>> -> memref<1x50x128xf32, #tpu.memory_space<hbm>>
      %dma_start3A_322 = tpu.memref_squeeze %dma_start3A_321 : memref<1x50x128xf32, #tpu.memory_space<hbm>> -> memref<50x128xf32, #tpu.memory_space<hbm>>
      %dma_start3A_323 = arith.constant 0 : i32
      %dma_start3A_324 = arith.constant 0 : i32
      %dma_start3A_325 = tpu.memref_slice %arg3[%add3A_315, %dma_start3A_323, %dma_start3A_324] : memref<4096x50x128xf32, #tpu.memory_space<hbm>> -> memref<1x50x128xf32, #tpu.memory_space<hbm>>
      %dma_start3A_326 = tpu.memref_squeeze %dma_start3A_325 : memref<1x50x128xf32, #tpu.memory_space<hbm>> -> memref<50x128xf32, #tpu.memory_space<hbm>>
      %dma_start3A_327 = arith.constant 50 : i32
      %dma_start3A_328 = arith.constant 0 : i32
      %dma_start3A_329 = tpu.memref_slice %arg4[%dma_start3A_327, %dma_start3A_328] : memref<200x128xf32, #tpu.memory_space<vmem>> -> memref<50x128xf32, #tpu.memory_space<vmem>>
      tpu.enqueue_dma source(%dma_start3A_329 : memref<50x128xf32, #tpu.memory_space<vmem>>) target(%dma_start3A_326 : memref<50x128xf32, #tpu.memory_space<hbm>>) target_semaphore(%arg12 : memref<!tpu.dma_semaphore, #tpu.memory_space<semaphore_mem>>)
      %mul3A_330 = arith.constant 128 : i32
      %mul3A_331 = arith.muli %add3A, %mul3A_330 : i32
      %mul3A_332 = arith.constant 4 : i32
      %mul3A_333 = arith.muli %add3A_281, %mul3A_332 : i32
      %add3A_334 = arith.addi %mul3A_331, %mul3A_333 : i32
      %add3A_335 = arith.constant 2 : i32
      %add3A_336 = arith.addi %add3A_334, %add3A_335 : i32
      %dma_start3A_337 = arith.constant 100 : i32
      %dma_start3A_338 = arith.constant 0 : i32
      %dma_start3A_339 = tpu.memref_slice %arg4[%dma_start3A_337, %dma_start3A_338] : memref<200x128xf32, #tpu.memory_space<vmem>> -> memref<50x128xf32, #tpu.memory_space<vmem>>
      %dma_start3A_340 = arith.constant 0 : i32
      %dma_start3A_341 = arith.constant 0 : i32
      %dma_start3A_342 = tpu.memref_slice %arg3[%add3A_336, %dma_start3A_340, %dma_start3A_341] : memref<4096x50x128xf32, #tpu.memory_space<hbm>> -> memref<1x50x128xf32, #tpu.memory_space<hbm>>
      %dma_start3A_343 = tpu.memref_squeeze %dma_start3A_342 : memref<1x50x128xf32, #tpu.memory_space<hbm>> -> memref<50x128xf32, #tpu.memory_space<hbm>>
      %dma_start3A_344 = arith.constant 0 : i32
      %dma_start3A_345 = arith.constant 0 : i32
      %dma_start3A_346 = tpu.memref_slice %arg3[%add3A_336, %dma_start3A_344, %dma_start3A_345] : memref<4096x50x128xf32, #tpu.memory_space<hbm>> -> memref<1x50x128xf32, #tpu.memory_space<hbm>>
      %dma_start3A_347 = tpu.memref_squeeze %dma_start3A_346 : memref<1x50x128xf32, #tpu.memory_space<hbm>> -> memref<50x128xf32, #tpu.memory_space<hbm>>
      %dma_start3A_348 = arith.constant 100 : i32
      %dma_start3A_349 = arith.constant 0 : i32
      %dma_start3A_350 = tpu.memref_slice %arg4[%dma_start3A_348, %dma_start3A_349] : memref<200x128xf32, #tpu.memory_space<vmem>> -> memref<50x128xf32, #tpu.memory_space<vmem>>
      tpu.enqueue_dma source(%dma_start3A_350 : memref<50x128xf32, #tpu.memory_space<vmem>>) target(%dma_start3A_347 : memref<50x128xf32, #tpu.memory_space<hbm>>) target_semaphore(%arg12 : memref<!tpu.dma_semaphore, #tpu.memory_space<semaphore_mem>>)
      %mul3A_351 = arith.constant 128 : i32
      %mul3A_352 = arith.muli %add3A, %mul3A_351 : i32
      %mul3A_353 = arith.constant 4 : i32
      %mul3A_354 = arith.muli %add3A_281, %mul3A_353 : i32
      %add3A_355 = arith.addi %mul3A_352, %mul3A_354 : i32
      %add3A_356 = arith.constant 3 : i32
      %add3A_357 = arith.addi %add3A_355, %add3A_356 : i32
      %dma_start3A_358 = arith.constant 150 : i32
      %dma_start3A_359 = arith.constant 0 : i32
      %dma_start3A_360 = tpu.memref_slice %arg4[%dma_start3A_358, %dma_start3A_359] : memref<200x128xf32, #tpu.memory_space<vmem>> -> memref<50x128xf32, #tpu.memory_space<vmem>>
      %dma_start3A_361 = arith.constant 0 : i32
      %dma_start3A_362 = arith.constant 0 : i32
      %dma_start3A_363 = tpu.memref_slice %arg3[%add3A_357, %dma_start3A_361, %dma_start3A_362] : memref<4096x50x128xf32, #tpu.memory_space<hbm>> -> memref<1x50x128xf32, #tpu.memory_space<hbm>>
      %dma_start3A_364 = tpu.memref_squeeze %dma_start3A_363 : memref<1x50x128xf32, #tpu.memory_space<hbm>> -> memref<50x128xf32, #tpu.memory_space<hbm>>
      %dma_start3A_365 = arith.constant 0 : i32
      %dma_start3A_366 = arith.constant 0 : i32
      %dma_start3A_367 = tpu.memref_slice %arg3[%add3A_357, %dma_start3A_365, %dma_start3A_366] : memref<4096x50x128xf32, #tpu.memory_space<hbm>> -> memref<1x50x128xf32, #tpu.memory_space<hbm>>
      %dma_start3A_368 = tpu.memref_squeeze %dma_start3A_367 : memref<1x50x128xf32, #tpu.memory_space<hbm>> -> memref<50x128xf32, #tpu.memory_space<hbm>>
      %dma_start3A_369 = arith.constant 150 : i32
      %dma_start3A_370 = arith.constant 0 : i32
      %dma_start3A_371 = tpu.memref_slice %arg4[%dma_start3A_369, %dma_start3A_370] : memref<200x128xf32, #tpu.memory_space<vmem>> -> memref<50x128xf32, #tpu.memory_space<vmem>>
      tpu.enqueue_dma source(%dma_start3A_371 : memref<50x128xf32, #tpu.memory_space<vmem>>) target(%dma_start3A_368 : memref<50x128xf32, #tpu.memory_space<hbm>>) target_semaphore(%arg12 : memref<!tpu.dma_semaphore, #tpu.memory_space<semaphore_mem>>)
      %add3A_372 = arith.constant 4 : i32
      %add3A_373 = arith.addi %add3A_281, %add3A_372 : i32
      %lt3A = arith.constant 32 : i32
      %lt3A_374 = arith.cmpi slt, %add3A_373, %lt3A : i32
      %convert_element_type3A = arith.extui %lt3A_374 : i1 to i32
      %cond3A = arith.constant 0 : i32
      %cond3A_375 = arith.cmpi ne, %convert_element_type3A, %cond3A : i32
      scf.if %cond3A_375 {
        %dma_wait3A_673 = arith.constant 0 : i32
        %dma_wait3A_674 = arith.constant 0 : i32
        %dma_wait3A_675 = arith.constant 0 : i32
        %dma_wait3A_676 = tpu.memref_slice %arg4[%dma_wait3A_674, %dma_wait3A_675] : memref<200x128xf32, #tpu.memory_space<vmem>> -> memref<50x128xf32, #tpu.memory_space<vmem>>
        %dma_wait3A_677 = arith.constant 0 : i32
        %dma_wait3A_678 = arith.constant 0 : i32
        %dma_wait3A_679 = tpu.memref_slice %arg3[%dma_wait3A_673, %dma_wait3A_677, %dma_wait3A_678] : memref<4096x50x128xf32, #tpu.memory_space<hbm>> -> memref<1x50x128xf32, #tpu.memory_space<hbm>>
        %dma_wait3A_680 = tpu.memref_squeeze %dma_wait3A_679 : memref<1x50x128xf32, #tpu.memory_space<hbm>> -> memref<50x128xf32, #tpu.memory_space<hbm>>
        %dma_wait3A_681 = arith.constant 0 : i32
        %dma_wait3A_682 = arith.constant 0 : i32
        %dma_wait3A_683 = tpu.memref_slice %arg3[%dma_wait3A_673, %dma_wait3A_681, %dma_wait3A_682] : memref<4096x50x128xf32, #tpu.memory_space<hbm>> -> memref<1x50x128xf32, #tpu.memory_space<hbm>>
        %dma_wait3A_684 = tpu.memref_squeeze %dma_wait3A_683 : memref<1x50x128xf32, #tpu.memory_space<hbm>> -> memref<50x128xf32, #tpu.memory_space<hbm>>
        %dma_wait3A_685 = arith.constant 0 : i32
        %dma_wait3A_686 = arith.constant 0 : i32
        %dma_wait3A_687 = tpu.memref_slice %arg4[%dma_wait3A_685, %dma_wait3A_686] : memref<200x128xf32, #tpu.memory_space<vmem>> -> memref<50x128xf32, #tpu.memory_space<vmem>>
        tpu.wait_dma2 semaphore(%arg12 : memref<!tpu.dma_semaphore, #tpu.memory_space<semaphore_mem>>) src(%dma_wait3A_687 : memref<50x128xf32, #tpu.memory_space<vmem>>) dst(%dma_wait3A_684 : memref<50x128xf32, #tpu.memory_space<hbm>>)
        %dma_wait3A_688 = arith.constant 0 : i32
        %dma_wait3A_689 = arith.constant 50 : i32
        %dma_wait3A_690 = arith.constant 0 : i32
        %dma_wait3A_691 = tpu.memref_slice %arg4[%dma_wait3A_689, %dma_wait3A_690] : memref<200x128xf32, #tpu.memory_space<vmem>> -> memref<50x128xf32, #tpu.memory_space<vmem>>
        %dma_wait3A_692 = arith.constant 0 : i32
        %dma_wait3A_693 = arith.constant 0 : i32
        %dma_wait3A_694 = tpu.memref_slice %arg3[%dma_wait3A_688, %dma_wait3A_692, %dma_wait3A_693] : memref<4096x50x128xf32, #tpu.memory_space<hbm>> -> memref<1x50x128xf32, #tpu.memory_space<hbm>>
        %dma_wait3A_695 = tpu.memref_squeeze %dma_wait3A_694 : memref<1x50x128xf32, #tpu.memory_space<hbm>> -> memref<50x128xf32, #tpu.memory_space<hbm>>
        %dma_wait3A_696 = arith.constant 0 : i32
        %dma_wait3A_697 = arith.constant 0 : i32
        %dma_wait3A_698 = tpu.memref_slice %arg3[%dma_wait3A_688, %dma_wait3A_696, %dma_wait3A_697] : memref<4096x50x128xf32, #tpu.memory_space<hbm>> -> memref<1x50x128xf32, #tpu.memory_space<hbm>>
        %dma_wait3A_699 = tpu.memref_squeeze %dma_wait3A_698 : memref<1x50x128xf32, #tpu.memory_space<hbm>> -> memref<50x128xf32, #tpu.memory_space<hbm>>
        %dma_wait3A_700 = arith.constant 50 : i32
        %dma_wait3A_701 = arith.constant 0 : i32
        %dma_wait3A_702 = tpu.memref_slice %arg4[%dma_wait3A_700, %dma_wait3A_701] : memref<200x128xf32, #tpu.memory_space<vmem>> -> memref<50x128xf32, #tpu.memory_space<vmem>>
        tpu.wait_dma2 semaphore(%arg12 : memref<!tpu.dma_semaphore, #tpu.memory_space<semaphore_mem>>) src(%dma_wait3A_702 : memref<50x128xf32, #tpu.memory_space<vmem>>) dst(%dma_wait3A_699 : memref<50x128xf32, #tpu.memory_space<hbm>>)
        %dma_wait3A_703 = arith.constant 0 : i32
        %dma_wait3A_704 = arith.constant 100 : i32
        %dma_wait3A_705 = arith.constant 0 : i32
        %dma_wait3A_706 = tpu.memref_slice %arg4[%dma_wait3A_704, %dma_wait3A_705] : memref<200x128xf32, #tpu.memory_space<vmem>> -> memref<50x128xf32, #tpu.memory_space<vmem>>
        %dma_wait3A_707 = arith.constant 0 : i32
        %dma_wait3A_708 = arith.constant 0 : i32
        %dma_wait3A_709 = tpu.memref_slice %arg3[%dma_wait3A_703, %dma_wait3A_707, %dma_wait3A_708] : memref<4096x50x128xf32, #tpu.memory_space<hbm>> -> memref<1x50x128xf32, #tpu.memory_space<hbm>>
        %dma_wait3A_710 = tpu.memref_squeeze %dma_wait3A_709 : memref<1x50x128xf32, #tpu.memory_space<hbm>> -> memref<50x128xf32, #tpu.memory_space<hbm>>
        %dma_wait3A_711 = arith.constant 0 : i32
        %dma_wait3A_712 = arith.constant 0 : i32
        %dma_wait3A_713 = tpu.memref_slice %arg3[%dma_wait3A_703, %dma_wait3A_711, %dma_wait3A_712] : memref<4096x50x128xf32, #tpu.memory_space<hbm>> -> memref<1x50x128xf32, #tpu.memory_space<hbm>>
        %dma_wait3A_714 = tpu.memref_squeeze %dma_wait3A_713 : memref<1x50x128xf32, #tpu.memory_space<hbm>> -> memref<50x128xf32, #tpu.memory_space<hbm>>
        %dma_wait3A_715 = arith.constant 100 : i32
        %dma_wait3A_716 = arith.constant 0 : i32
        %dma_wait3A_717 = tpu.memref_slice %arg4[%dma_wait3A_715, %dma_wait3A_716] : memref<200x128xf32, #tpu.memory_space<vmem>> -> memref<50x128xf32, #tpu.memory_space<vmem>>
        tpu.wait_dma2 semaphore(%arg12 : memref<!tpu.dma_semaphore, #tpu.memory_space<semaphore_mem>>) src(%dma_wait3A_717 : memref<50x128xf32, #tpu.memory_space<vmem>>) dst(%dma_wait3A_714 : memref<50x128xf32, #tpu.memory_space<hbm>>)
        %dma_wait3A_718 = arith.constant 0 : i32
        %dma_wait3A_719 = arith.constant 150 : i32
        %dma_wait3A_720 = arith.constant 0 : i32
        %dma_wait3A_721 = tpu.memref_slice %arg4[%dma_wait3A_719, %dma_wait3A_720] : memref<200x128xf32, #tpu.memory_space<vmem>> -> memref<50x128xf32, #tpu.memory_space<vmem>>
        %dma_wait3A_722 = arith.constant 0 : i32
        %dma_wait3A_723 = arith.constant 0 : i32
        %dma_wait3A_724 = tpu.memref_slice %arg3[%dma_wait3A_718, %dma_wait3A_722, %dma_wait3A_723] : memref<4096x50x128xf32, #tpu.memory_space<hbm>> -> memref<1x50x128xf32, #tpu.memory_space<hbm>>
        %dma_wait3A_725 = tpu.memref_squeeze %dma_wait3A_724 : memref<1x50x128xf32, #tpu.memory_space<hbm>> -> memref<50x128xf32, #tpu.memory_space<hbm>>
        %dma_wait3A_726 = arith.constant 0 : i32
        %dma_wait3A_727 = arith.constant 0 : i32
        %dma_wait3A_728 = tpu.memref_slice %arg3[%dma_wait3A_718, %dma_wait3A_726, %dma_wait3A_727] : memref<4096x50x128xf32, #tpu.memory_space<hbm>> -> memref<1x50x128xf32, #tpu.memory_space<hbm>>
        %dma_wait3A_729 = tpu.memref_squeeze %dma_wait3A_728 : memref<1x50x128xf32, #tpu.memory_space<hbm>> -> memref<50x128xf32, #tpu.memory_space<hbm>>
        %dma_wait3A_730 = arith.constant 150 : i32
        %dma_wait3A_731 = arith.constant 0 : i32
        %dma_wait3A_732 = tpu.memref_slice %arg4[%dma_wait3A_730, %dma_wait3A_731] : memref<200x128xf32, #tpu.memory_space<vmem>> -> memref<50x128xf32, #tpu.memory_space<vmem>>
        tpu.wait_dma2 semaphore(%arg12 : memref<!tpu.dma_semaphore, #tpu.memory_space<semaphore_mem>>) src(%dma_wait3A_732 : memref<50x128xf32, #tpu.memory_space<vmem>>) dst(%dma_wait3A_729 : memref<50x128xf32, #tpu.memory_space<hbm>>)
        %add3A_733 = arith.constant 4 : i32
        %add3A_734 = arith.addi %add3A_281, %add3A_733 : i32
        %mul3A_735 = arith.constant 6400 : i32
        %mul3A_736 = arith.muli %add3A, %mul3A_735 : i32
        %mul3A_737 = arith.constant 200 : i32
        %mul3A_738 = arith.muli %add3A_734, %mul3A_737 : i32
        %add3A_739 = arith.addi %mul3A_736, %mul3A_738 : i32
        %dma_start3A_740 = arith.constant 0 : i32
        %dma_start3A_741 = tpu.memref_slice %arg2[%add3A_739, %dma_start3A_740] : memref<204800x128xf32, #tpu.memory_space<hbm>> -> memref<200x128xf32, #tpu.memory_space<hbm>>
        %dma_start3A_742 = arith.constant 0 : i32
        %dma_start3A_743 = tpu.memref_slice %arg2[%add3A_739, %dma_start3A_742] : memref<204800x128xf32, #tpu.memory_space<hbm>> -> memref<200x128xf32, #tpu.memory_space<hbm>>
        tpu.enqueue_dma source(%dma_start3A_743 : memref<200x128xf32, #tpu.memory_space<hbm>>) target(%arg4 : memref<200x128xf32, #tpu.memory_space<vmem>>) target_semaphore(%arg8 : memref<!tpu.dma_semaphore, #tpu.memory_space<semaphore_mem>>)
      } else {
      }
      %add3A_376 = arith.constant 1 : i32
      %add3A_377 = arith.addi %add3A_279, %add3A_376 : i32
      %dma_wait3A_378 = arith.constant 0 : i32
      %dma_wait3A_379 = arith.constant 0 : i32
      %dma_wait3A_380 = tpu.memref_slice %arg2[%dma_wait3A_378, %dma_wait3A_379] : memref<204800x128xf32, #tpu.memory_space<hbm>> -> memref<200x128xf32, #tpu.memory_space<hbm>>
      %dma_wait3A_381 = arith.constant 0 : i32
      %dma_wait3A_382 = arith.constant 0 : i32
      %dma_wait3A_383 = tpu.memref_slice %arg2[%dma_wait3A_381, %dma_wait3A_382] : memref<204800x128xf32, #tpu.memory_space<hbm>> -> memref<200x128xf32, #tpu.memory_space<hbm>>
      tpu.wait_dma2 semaphore(%arg9 : memref<!tpu.dma_semaphore, #tpu.memory_space<semaphore_mem>>) src(%dma_wait3A_383 : memref<200x128xf32, #tpu.memory_space<hbm>>) dst(%arg5 : memref<200x128xf32, #tpu.memory_space<vmem>>)
      %mul3A_384 = arith.constant 128 : i32
      %mul3A_385 = arith.muli %add3A, %mul3A_384 : i32
      %mul3A_386 = arith.constant 4 : i32
      %mul3A_387 = arith.muli %add3A_377, %mul3A_386 : i32
      %add3A_388 = arith.addi %mul3A_385, %mul3A_387 : i32
      %add3A_389 = arith.constant 0 : i32
      %add3A_390 = arith.addi %add3A_388, %add3A_389 : i32
      %dma_start3A_391 = arith.constant 0 : i32
      %dma_start3A_392 = arith.constant 0 : i32
      %dma_start3A_393 = tpu.memref_slice %arg5[%dma_start3A_391, %dma_start3A_392] : memref<200x128xf32, #tpu.memory_space<vmem>> -> memref<50x128xf32, #tpu.memory_space<vmem>>
      %dma_start3A_394 = arith.constant 0 : i32
      %dma_start3A_395 = arith.constant 0 : i32
      %dma_start3A_396 = tpu.memref_slice %arg3[%add3A_390, %dma_start3A_394, %dma_start3A_395] : memref<4096x50x128xf32, #tpu.memory_space<hbm>> -> memref<1x50x128xf32, #tpu.memory_space<hbm>>
      %dma_start3A_397 = tpu.memref_squeeze %dma_start3A_396 : memref<1x50x128xf32, #tpu.memory_space<hbm>> -> memref<50x128xf32, #tpu.memory_space<hbm>>
      %dma_start3A_398 = arith.constant 0 : i32
      %dma_start3A_399 = arith.constant 0 : i32
      %dma_start3A_400 = tpu.memref_slice %arg3[%add3A_390, %dma_start3A_398, %dma_start3A_399] : memref<4096x50x128xf32, #tpu.memory_space<hbm>> -> memref<1x50x128xf32, #tpu.memory_space<hbm>>
      %dma_start3A_401 = tpu.memref_squeeze %dma_start3A_400 : memref<1x50x128xf32, #tpu.memory_space<hbm>> -> memref<50x128xf32, #tpu.memory_space<hbm>>
      %dma_start3A_402 = arith.constant 0 : i32
      %dma_start3A_403 = arith.constant 0 : i32
      %dma_start3A_404 = tpu.memref_slice %arg5[%dma_start3A_402, %dma_start3A_403] : memref<200x128xf32, #tpu.memory_space<vmem>> -> memref<50x128xf32, #tpu.memory_space<vmem>>
      tpu.enqueue_dma source(%dma_start3A_404 : memref<50x128xf32, #tpu.memory_space<vmem>>) target(%dma_start3A_401 : memref<50x128xf32, #tpu.memory_space<hbm>>) target_semaphore(%arg13 : memref<!tpu.dma_semaphore, #tpu.memory_space<semaphore_mem>>)
      %mul3A_405 = arith.constant 128 : i32
      %mul3A_406 = arith.muli %add3A, %mul3A_405 : i32
      %mul3A_407 = arith.constant 4 : i32
      %mul3A_408 = arith.muli %add3A_377, %mul3A_407 : i32
      %add3A_409 = arith.addi %mul3A_406, %mul3A_408 : i32
      %add3A_410 = arith.constant 1 : i32
      %add3A_411 = arith.addi %add3A_409, %add3A_410 : i32
      %dma_start3A_412 = arith.constant 50 : i32
      %dma_start3A_413 = arith.constant 0 : i32
      %dma_start3A_414 = tpu.memref_slice %arg5[%dma_start3A_412, %dma_start3A_413] : memref<200x128xf32, #tpu.memory_space<vmem>> -> memref<50x128xf32, #tpu.memory_space<vmem>>
      %dma_start3A_415 = arith.constant 0 : i32
      %dma_start3A_416 = arith.constant 0 : i32
      %dma_start3A_417 = tpu.memref_slice %arg3[%add3A_411, %dma_start3A_415, %dma_start3A_416] : memref<4096x50x128xf32, #tpu.memory_space<hbm>> -> memref<1x50x128xf32, #tpu.memory_space<hbm>>
      %dma_start3A_418 = tpu.memref_squeeze %dma_start3A_417 : memref<1x50x128xf32, #tpu.memory_space<hbm>> -> memref<50x128xf32, #tpu.memory_space<hbm>>
      %dma_start3A_419 = arith.constant 0 : i32
      %dma_start3A_420 = arith.constant 0 : i32
      %dma_start3A_421 = tpu.memref_slice %arg3[%add3A_411, %dma_start3A_419, %dma_start3A_420] : memref<4096x50x128xf32, #tpu.memory_space<hbm>> -> memref<1x50x128xf32, #tpu.memory_space<hbm>>
      %dma_start3A_422 = tpu.memref_squeeze %dma_start3A_421 : memref<1x50x128xf32, #tpu.memory_space<hbm>> -> memref<50x128xf32, #tpu.memory_space<hbm>>
      %dma_start3A_423 = arith.constant 50 : i32
      %dma_start3A_424 = arith.constant 0 : i32
      %dma_start3A_425 = tpu.memref_slice %arg5[%dma_start3A_423, %dma_start3A_424] : memref<200x128xf32, #tpu.memory_space<vmem>> -> memref<50x128xf32, #tpu.memory_space<vmem>>
      tpu.enqueue_dma source(%dma_start3A_425 : memref<50x128xf32, #tpu.memory_space<vmem>>) target(%dma_start3A_422 : memref<50x128xf32, #tpu.memory_space<hbm>>) target_semaphore(%arg13 : memref<!tpu.dma_semaphore, #tpu.memory_space<semaphore_mem>>)
      %mul3A_426 = arith.constant 128 : i32
      %mul3A_427 = arith.muli %add3A, %mul3A_426 : i32
      %mul3A_428 = arith.constant 4 : i32
      %mul3A_429 = arith.muli %add3A_377, %mul3A_428 : i32
      %add3A_430 = arith.addi %mul3A_427, %mul3A_429 : i32
      %add3A_431 = arith.constant 2 : i32
      %add3A_432 = arith.addi %add3A_430, %add3A_431 : i32
      %dma_start3A_433 = arith.constant 100 : i32
      %dma_start3A_434 = arith.constant 0 : i32
      %dma_start3A_435 = tpu.memref_slice %arg5[%dma_start3A_433, %dma_start3A_434] : memref<200x128xf32, #tpu.memory_space<vmem>> -> memref<50x128xf32, #tpu.memory_space<vmem>>
      %dma_start3A_436 = arith.constant 0 : i32
      %dma_start3A_437 = arith.constant 0 : i32
      %dma_start3A_438 = tpu.memref_slice %arg3[%add3A_432, %dma_start3A_436, %dma_start3A_437] : memref<4096x50x128xf32, #tpu.memory_space<hbm>> -> memref<1x50x128xf32, #tpu.memory_space<hbm>>
      %dma_start3A_439 = tpu.memref_squeeze %dma_start3A_438 : memref<1x50x128xf32, #tpu.memory_space<hbm>> -> memref<50x128xf32, #tpu.memory_space<hbm>>
      %dma_start3A_440 = arith.constant 0 : i32
      %dma_start3A_441 = arith.constant 0 : i32
      %dma_start3A_442 = tpu.memref_slice %arg3[%add3A_432, %dma_start3A_440, %dma_start3A_441] : memref<4096x50x128xf32, #tpu.memory_space<hbm>> -> memref<1x50x128xf32, #tpu.memory_space<hbm>>
      %dma_start3A_443 = tpu.memref_squeeze %dma_start3A_442 : memref<1x50x128xf32, #tpu.memory_space<hbm>> -> memref<50x128xf32, #tpu.memory_space<hbm>>
      %dma_start3A_444 = arith.constant 100 : i32
      %dma_start3A_445 = arith.constant 0 : i32
      %dma_start3A_446 = tpu.memref_slice %arg5[%dma_start3A_444, %dma_start3A_445] : memref<200x128xf32, #tpu.memory_space<vmem>> -> memref<50x128xf32, #tpu.memory_space<vmem>>
      tpu.enqueue_dma source(%dma_start3A_446 : memref<50x128xf32, #tpu.memory_space<vmem>>) target(%dma_start3A_443 : memref<50x128xf32, #tpu.memory_space<hbm>>) target_semaphore(%arg13 : memref<!tpu.dma_semaphore, #tpu.memory_space<semaphore_mem>>)
      %mul3A_447 = arith.constant 128 : i32
      %mul3A_448 = arith.muli %add3A, %mul3A_447 : i32
      %mul3A_449 = arith.constant 4 : i32
      %mul3A_450 = arith.muli %add3A_377, %mul3A_449 : i32
      %add3A_451 = arith.addi %mul3A_448, %mul3A_450 : i32
      %add3A_452 = arith.constant 3 : i32
      %add3A_453 = arith.addi %add3A_451, %add3A_452 : i32
      %dma_start3A_454 = arith.constant 150 : i32
      %dma_start3A_455 = arith.constant 0 : i32
      %dma_start3A_456 = tpu.memref_slice %arg5[%dma_start3A_454, %dma_start3A_455] : memref<200x128xf32, #tpu.memory_space<vmem>> -> memref<50x128xf32, #tpu.memory_space<vmem>>
      %dma_start3A_457 = arith.constant 0 : i32
      %dma_start3A_458 = arith.constant 0 : i32
      %dma_start3A_459 = tpu.memref_slice %arg3[%add3A_453, %dma_start3A_457, %dma_start3A_458] : memref<4096x50x128xf32, #tpu.memory_space<hbm>> -> memref<1x50x128xf32, #tpu.memory_space<hbm>>
      %dma_start3A_460 = tpu.memref_squeeze %dma_start3A_459 : memref<1x50x128xf32, #tpu.memory_space<hbm>> -> memref<50x128xf32, #tpu.memory_space<hbm>>
      %dma_start3A_461 = arith.constant 0 : i32
      %dma_start3A_462 = arith.constant 0 : i32
      %dma_start3A_463 = tpu.memref_slice %arg3[%add3A_453, %dma_start3A_461, %dma_start3A_462] : memref<4096x50x128xf32, #tpu.memory_space<hbm>> -> memref<1x50x128xf32, #tpu.memory_space<hbm>>
      %dma_start3A_464 = tpu.memref_squeeze %dma_start3A_463 : memref<1x50x128xf32, #tpu.memory_space<hbm>> -> memref<50x128xf32, #tpu.memory_space<hbm>>
      %dma_start3A_465 = arith.constant 150 : i32
      %dma_start3A_466 = arith.constant 0 : i32
      %dma_start3A_467 = tpu.memref_slice %arg5[%dma_start3A_465, %dma_start3A_466] : memref<200x128xf32, #tpu.memory_space<vmem>> -> memref<50x128xf32, #tpu.memory_space<vmem>>
      tpu.enqueue_dma source(%dma_start3A_467 : memref<50x128xf32, #tpu.memory_space<vmem>>) target(%dma_start3A_464 : memref<50x128xf32, #tpu.memory_space<hbm>>) target_semaphore(%arg13 : memref<!tpu.dma_semaphore, #tpu.memory_space<semaphore_mem>>)
      %add3A_468 = arith.constant 4 : i32
      %add3A_469 = arith.addi %add3A_377, %add3A_468 : i32
      %lt3A_470 = arith.constant 32 : i32
      %lt3A_471 = arith.cmpi slt, %add3A_469, %lt3A_470 : i32
      %convert_element_type3A_472 = arith.extui %lt3A_471 : i1 to i32
      %cond3A_473 = arith.constant 0 : i32
      %cond3A_474 = arith.cmpi ne, %convert_element_type3A_472, %cond3A_473 : i32
      scf.if %cond3A_474 {
        %dma_wait3A_673 = arith.constant 0 : i32
        %dma_wait3A_674 = arith.constant 0 : i32
        %dma_wait3A_675 = arith.constant 0 : i32
        %dma_wait3A_676 = tpu.memref_slice %arg5[%dma_wait3A_674, %dma_wait3A_675] : memref<200x128xf32, #tpu.memory_space<vmem>> -> memref<50x128xf32, #tpu.memory_space<vmem>>
        %dma_wait3A_677 = arith.constant 0 : i32
        %dma_wait3A_678 = arith.constant 0 : i32
        %dma_wait3A_679 = tpu.memref_slice %arg3[%dma_wait3A_673, %dma_wait3A_677, %dma_wait3A_678] : memref<4096x50x128xf32, #tpu.memory_space<hbm>> -> memref<1x50x128xf32, #tpu.memory_space<hbm>>
        %dma_wait3A_680 = tpu.memref_squeeze %dma_wait3A_679 : memref<1x50x128xf32, #tpu.memory_space<hbm>> -> memref<50x128xf32, #tpu.memory_space<hbm>>
        %dma_wait3A_681 = arith.constant 0 : i32
        %dma_wait3A_682 = arith.constant 0 : i32
        %dma_wait3A_683 = tpu.memref_slice %arg3[%dma_wait3A_673, %dma_wait3A_681, %dma_wait3A_682] : memref<4096x50x128xf32, #tpu.memory_space<hbm>> -> memref<1x50x128xf32, #tpu.memory_space<hbm>>
        %dma_wait3A_684 = tpu.memref_squeeze %dma_wait3A_683 : memref<1x50x128xf32, #tpu.memory_space<hbm>> -> memref<50x128xf32, #tpu.memory_space<hbm>>
        %dma_wait3A_685 = arith.constant 0 : i32
        %dma_wait3A_686 = arith.constant 0 : i32
        %dma_wait3A_687 = tpu.memref_slice %arg5[%dma_wait3A_685, %dma_wait3A_686] : memref<200x128xf32, #tpu.memory_space<vmem>> -> memref<50x128xf32, #tpu.memory_space<vmem>>
        tpu.wait_dma2 semaphore(%arg13 : memref<!tpu.dma_semaphore, #tpu.memory_space<semaphore_mem>>) src(%dma_wait3A_687 : memref<50x128xf32, #tpu.memory_space<vmem>>) dst(%dma_wait3A_684 : memref<50x128xf32, #tpu.memory_space<hbm>>)
        %dma_wait3A_688 = arith.constant 0 : i32
        %dma_wait3A_689 = arith.constant 50 : i32
        %dma_wait3A_690 = arith.constant 0 : i32
        %dma_wait3A_691 = tpu.memref_slice %arg5[%dma_wait3A_689, %dma_wait3A_690] : memref<200x128xf32, #tpu.memory_space<vmem>> -> memref<50x128xf32, #tpu.memory_space<vmem>>
        %dma_wait3A_692 = arith.constant 0 : i32
        %dma_wait3A_693 = arith.constant 0 : i32
        %dma_wait3A_694 = tpu.memref_slice %arg3[%dma_wait3A_688, %dma_wait3A_692, %dma_wait3A_693] : memref<4096x50x128xf32, #tpu.memory_space<hbm>> -> memref<1x50x128xf32, #tpu.memory_space<hbm>>
        %dma_wait3A_695 = tpu.memref_squeeze %dma_wait3A_694 : memref<1x50x128xf32, #tpu.memory_space<hbm>> -> memref<50x128xf32, #tpu.memory_space<hbm>>
        %dma_wait3A_696 = arith.constant 0 : i32
        %dma_wait3A_697 = arith.constant 0 : i32
        %dma_wait3A_698 = tpu.memref_slice %arg3[%dma_wait3A_688, %dma_wait3A_696, %dma_wait3A_697] : memref<4096x50x128xf32, #tpu.memory_space<hbm>> -> memref<1x50x128xf32, #tpu.memory_space<hbm>>
        %dma_wait3A_699 = tpu.memref_squeeze %dma_wait3A_698 : memref<1x50x128xf32, #tpu.memory_space<hbm>> -> memref<50x128xf32, #tpu.memory_space<hbm>>
        %dma_wait3A_700 = arith.constant 50 : i32
        %dma_wait3A_701 = arith.constant 0 : i32
        %dma_wait3A_702 = tpu.memref_slice %arg5[%dma_wait3A_700, %dma_wait3A_701] : memref<200x128xf32, #tpu.memory_space<vmem>> -> memref<50x128xf32, #tpu.memory_space<vmem>>
        tpu.wait_dma2 semaphore(%arg13 : memref<!tpu.dma_semaphore, #tpu.memory_space<semaphore_mem>>) src(%dma_wait3A_702 : memref<50x128xf32, #tpu.memory_space<vmem>>) dst(%dma_wait3A_699 : memref<50x128xf32, #tpu.memory_space<hbm>>)
        %dma_wait3A_703 = arith.constant 0 : i32
        %dma_wait3A_704 = arith.constant 100 : i32
        %dma_wait3A_705 = arith.constant 0 : i32
        %dma_wait3A_706 = tpu.memref_slice %arg5[%dma_wait3A_704, %dma_wait3A_705] : memref<200x128xf32, #tpu.memory_space<vmem>> -> memref<50x128xf32, #tpu.memory_space<vmem>>
        %dma_wait3A_707 = arith.constant 0 : i32
        %dma_wait3A_708 = arith.constant 0 : i32
        %dma_wait3A_709 = tpu.memref_slice %arg3[%dma_wait3A_703, %dma_wait3A_707, %dma_wait3A_708] : memref<4096x50x128xf32, #tpu.memory_space<hbm>> -> memref<1x50x128xf32, #tpu.memory_space<hbm>>
        %dma_wait3A_710 = tpu.memref_squeeze %dma_wait3A_709 : memref<1x50x128xf32, #tpu.memory_space<hbm>> -> memref<50x128xf32, #tpu.memory_space<hbm>>
        %dma_wait3A_711 = arith.constant 0 : i32
        %dma_wait3A_712 = arith.constant 0 : i32
        %dma_wait3A_713 = tpu.memref_slice %arg3[%dma_wait3A_703, %dma_wait3A_711, %dma_wait3A_712] : memref<4096x50x128xf32, #tpu.memory_space<hbm>> -> memref<1x50x128xf32, #tpu.memory_space<hbm>>
        %dma_wait3A_714 = tpu.memref_squeeze %dma_wait3A_713 : memref<1x50x128xf32, #tpu.memory_space<hbm>> -> memref<50x128xf32, #tpu.memory_space<hbm>>
        %dma_wait3A_715 = arith.constant 100 : i32
        %dma_wait3A_716 = arith.constant 0 : i32
        %dma_wait3A_717 = tpu.memref_slice %arg5[%dma_wait3A_715, %dma_wait3A_716] : memref<200x128xf32, #tpu.memory_space<vmem>> -> memref<50x128xf32, #tpu.memory_space<vmem>>
        tpu.wait_dma2 semaphore(%arg13 : memref<!tpu.dma_semaphore, #tpu.memory_space<semaphore_mem>>) src(%dma_wait3A_717 : memref<50x128xf32, #tpu.memory_space<vmem>>) dst(%dma_wait3A_714 : memref<50x128xf32, #tpu.memory_space<hbm>>)
        %dma_wait3A_718 = arith.constant 0 : i32
        %dma_wait3A_719 = arith.constant 150 : i32
        %dma_wait3A_720 = arith.constant 0 : i32
        %dma_wait3A_721 = tpu.memref_slice %arg5[%dma_wait3A_719, %dma_wait3A_720] : memref<200x128xf32, #tpu.memory_space<vmem>> -> memref<50x128xf32, #tpu.memory_space<vmem>>
        %dma_wait3A_722 = arith.constant 0 : i32
        %dma_wait3A_723 = arith.constant 0 : i32
        %dma_wait3A_724 = tpu.memref_slice %arg3[%dma_wait3A_718, %dma_wait3A_722, %dma_wait3A_723] : memref<4096x50x128xf32, #tpu.memory_space<hbm>> -> memref<1x50x128xf32, #tpu.memory_space<hbm>>
        %dma_wait3A_725 = tpu.memref_squeeze %dma_wait3A_724 : memref<1x50x128xf32, #tpu.memory_space<hbm>> -> memref<50x128xf32, #tpu.memory_space<hbm>>
        %dma_wait3A_726 = arith.constant 0 : i32
        %dma_wait3A_727 = arith.constant 0 : i32
        %dma_wait3A_728 = tpu.memref_slice %arg3[%dma_wait3A_718, %dma_wait3A_726, %dma_wait3A_727] : memref<4096x50x128xf32, #tpu.memory_space<hbm>> -> memref<1x50x128xf32, #tpu.memory_space<hbm>>
        %dma_wait3A_729 = tpu.memref_squeeze %dma_wait3A_728 : memref<1x50x128xf32, #tpu.memory_space<hbm>> -> memref<50x128xf32, #tpu.memory_space<hbm>>
        %dma_wait3A_730 = arith.constant 150 : i32
        %dma_wait3A_731 = arith.constant 0 : i32
        %dma_wait3A_732 = tpu.memref_slice %arg5[%dma_wait3A_730, %dma_wait3A_731] : memref<200x128xf32, #tpu.memory_space<vmem>> -> memref<50x128xf32, #tpu.memory_space<vmem>>
        tpu.wait_dma2 semaphore(%arg13 : memref<!tpu.dma_semaphore, #tpu.memory_space<semaphore_mem>>) src(%dma_wait3A_732 : memref<50x128xf32, #tpu.memory_space<vmem>>) dst(%dma_wait3A_729 : memref<50x128xf32, #tpu.memory_space<hbm>>)
        %add3A_733 = arith.constant 4 : i32
        %add3A_734 = arith.addi %add3A_377, %add3A_733 : i32
        %mul3A_735 = arith.constant 6400 : i32
        %mul3A_736 = arith.muli %add3A, %mul3A_735 : i32
        %mul3A_737 = arith.constant 200 : i32
        %mul3A_738 = arith.muli %add3A_734, %mul3A_737 : i32
        %add3A_739 = arith.addi %mul3A_736, %mul3A_738 : i32
        %dma_start3A_740 = arith.constant 0 : i32
        %dma_start3A_741 = tpu.memref_slice %arg2[%add3A_739, %dma_start3A_740] : memref<204800x128xf32, #tpu.memory_space<hbm>> -> memref<200x128xf32, #tpu.memory_space<hbm>>
        %dma_start3A_742 = arith.constant 0 : i32
        %dma_start3A_743 = tpu.memref_slice %arg2[%add3A_739, %dma_start3A_742] : memref<204800x128xf32, #tpu.memory_space<hbm>> -> memref<200x128xf32, #tpu.memory_space<hbm>>
        tpu.enqueue_dma source(%dma_start3A_743 : memref<200x128xf32, #tpu.memory_space<hbm>>) target(%arg5 : memref<200x128xf32, #tpu.memory_space<vmem>>) target_semaphore(%arg9 : memref<!tpu.dma_semaphore, #tpu.memory_space<semaphore_mem>>)
      } else {
      }
      %add3A_475 = arith.constant 2 : i32
      %add3A_476 = arith.addi %add3A_279, %add3A_475 : i32
      %dma_wait3A_477 = arith.constant 0 : i32
      %dma_wait3A_478 = arith.constant 0 : i32
      %dma_wait3A_479 = tpu.memref_slice %arg2[%dma_wait3A_477, %dma_wait3A_478] : memref<204800x128xf32, #tpu.memory_space<hbm>> -> memref<200x128xf32, #tpu.memory_space<hbm>>
      %dma_wait3A_480 = arith.constant 0 : i32
      %dma_wait3A_481 = arith.constant 0 : i32
      %dma_wait3A_482 = tpu.memref_slice %arg2[%dma_wait3A_480, %dma_wait3A_481] : memref<204800x128xf32, #tpu.memory_space<hbm>> -> memref<200x128xf32, #tpu.memory_space<hbm>>
      tpu.wait_dma2 semaphore(%arg10 : memref<!tpu.dma_semaphore, #tpu.memory_space<semaphore_mem>>) src(%dma_wait3A_482 : memref<200x128xf32, #tpu.memory_space<hbm>>) dst(%arg6 : memref<200x128xf32, #tpu.memory_space<vmem>>)
      %mul3A_483 = arith.constant 128 : i32
      %mul3A_484 = arith.muli %add3A, %mul3A_483 : i32
      %mul3A_485 = arith.constant 4 : i32
      %mul3A_486 = arith.muli %add3A_476, %mul3A_485 : i32
      %add3A_487 = arith.addi %mul3A_484, %mul3A_486 : i32
      %add3A_488 = arith.constant 0 : i32
      %add3A_489 = arith.addi %add3A_487, %add3A_488 : i32
      %dma_start3A_490 = arith.constant 0 : i32
      %dma_start3A_491 = arith.constant 0 : i32
      %dma_start3A_492 = tpu.memref_slice %arg6[%dma_start3A_490, %dma_start3A_491] : memref<200x128xf32, #tpu.memory_space<vmem>> -> memref<50x128xf32, #tpu.memory_space<vmem>>
      %dma_start3A_493 = arith.constant 0 : i32
      %dma_start3A_494 = arith.constant 0 : i32
      %dma_start3A_495 = tpu.memref_slice %arg3[%add3A_489, %dma_start3A_493, %dma_start3A_494] : memref<4096x50x128xf32, #tpu.memory_space<hbm>> -> memref<1x50x128xf32, #tpu.memory_space<hbm>>
      %dma_start3A_496 = tpu.memref_squeeze %dma_start3A_495 : memref<1x50x128xf32, #tpu.memory_space<hbm>> -> memref<50x128xf32, #tpu.memory_space<hbm>>
      %dma_start3A_497 = arith.constant 0 : i32
      %dma_start3A_498 = arith.constant 0 : i32
      %dma_start3A_499 = tpu.memref_slice %arg3[%add3A_489, %dma_start3A_497, %dma_start3A_498] : memref<4096x50x128xf32, #tpu.memory_space<hbm>> -> memref<1x50x128xf32, #tpu.memory_space<hbm>>
      %dma_start3A_500 = tpu.memref_squeeze %dma_start3A_499 : memref<1x50x128xf32, #tpu.memory_space<hbm>> -> memref<50x128xf32, #tpu.memory_space<hbm>>
      %dma_start3A_501 = arith.constant 0 : i32
      %dma_start3A_502 = arith.constant 0 : i32
      %dma_start3A_503 = tpu.memref_slice %arg6[%dma_start3A_501, %dma_start3A_502] : memref<200x128xf32, #tpu.memory_space<vmem>> -> memref<50x128xf32, #tpu.memory_space<vmem>>
      tpu.enqueue_dma source(%dma_start3A_503 : memref<50x128xf32, #tpu.memory_space<vmem>>) target(%dma_start3A_500 : memref<50x128xf32, #tpu.memory_space<hbm>>) target_semaphore(%arg14 : memref<!tpu.dma_semaphore, #tpu.memory_space<semaphore_mem>>)
      %mul3A_504 = arith.constant 128 : i32
      %mul3A_505 = arith.muli %add3A, %mul3A_504 : i32
      %mul3A_506 = arith.constant 4 : i32
      %mul3A_507 = arith.muli %add3A_476, %mul3A_506 : i32
      %add3A_508 = arith.addi %mul3A_505, %mul3A_507 : i32
      %add3A_509 = arith.constant 1 : i32
      %add3A_510 = arith.addi %add3A_508, %add3A_509 : i32
      %dma_start3A_511 = arith.constant 50 : i32
      %dma_start3A_512 = arith.constant 0 : i32
      %dma_start3A_513 = tpu.memref_slice %arg6[%dma_start3A_511, %dma_start3A_512] : memref<200x128xf32, #tpu.memory_space<vmem>> -> memref<50x128xf32, #tpu.memory_space<vmem>>
      %dma_start3A_514 = arith.constant 0 : i32
      %dma_start3A_515 = arith.constant 0 : i32
      %dma_start3A_516 = tpu.memref_slice %arg3[%add3A_510, %dma_start3A_514, %dma_start3A_515] : memref<4096x50x128xf32, #tpu.memory_space<hbm>> -> memref<1x50x128xf32, #tpu.memory_space<hbm>>
      %dma_start3A_517 = tpu.memref_squeeze %dma_start3A_516 : memref<1x50x128xf32, #tpu.memory_space<hbm>> -> memref<50x128xf32, #tpu.memory_space<hbm>>
      %dma_start3A_518 = arith.constant 0 : i32
      %dma_start3A_519 = arith.constant 0 : i32
      %dma_start3A_520 = tpu.memref_slice %arg3[%add3A_510, %dma_start3A_518, %dma_start3A_519] : memref<4096x50x128xf32, #tpu.memory_space<hbm>> -> memref<1x50x128xf32, #tpu.memory_space<hbm>>
      %dma_start3A_521 = tpu.memref_squeeze %dma_start3A_520 : memref<1x50x128xf32, #tpu.memory_space<hbm>> -> memref<50x128xf32, #tpu.memory_space<hbm>>
      %dma_start3A_522 = arith.constant 50 : i32
      %dma_start3A_523 = arith.constant 0 : i32
      %dma_start3A_524 = tpu.memref_slice %arg6[%dma_start3A_522, %dma_start3A_523] : memref<200x128xf32, #tpu.memory_space<vmem>> -> memref<50x128xf32, #tpu.memory_space<vmem>>
      tpu.enqueue_dma source(%dma_start3A_524 : memref<50x128xf32, #tpu.memory_space<vmem>>) target(%dma_start3A_521 : memref<50x128xf32, #tpu.memory_space<hbm>>) target_semaphore(%arg14 : memref<!tpu.dma_semaphore, #tpu.memory_space<semaphore_mem>>)
      %mul3A_525 = arith.constant 128 : i32
      %mul3A_526 = arith.muli %add3A, %mul3A_525 : i32
      %mul3A_527 = arith.constant 4 : i32
      %mul3A_528 = arith.muli %add3A_476, %mul3A_527 : i32
      %add3A_529 = arith.addi %mul3A_526, %mul3A_528 : i32
      %add3A_530 = arith.constant 2 : i32
      %add3A_531 = arith.addi %add3A_529, %add3A_530 : i32
      %dma_start3A_532 = arith.constant 100 : i32
      %dma_start3A_533 = arith.constant 0 : i32
      %dma_start3A_534 = tpu.memref_slice %arg6[%dma_start3A_532, %dma_start3A_533] : memref<200x128xf32, #tpu.memory_space<vmem>> -> memref<50x128xf32, #tpu.memory_space<vmem>>
      %dma_start3A_535 = arith.constant 0 : i32
      %dma_start3A_536 = arith.constant 0 : i32
      %dma_start3A_537 = tpu.memref_slice %arg3[%add3A_531, %dma_start3A_535, %dma_start3A_536] : memref<4096x50x128xf32, #tpu.memory_space<hbm>> -> memref<1x50x128xf32, #tpu.memory_space<hbm>>
      %dma_start3A_538 = tpu.memref_squeeze %dma_start3A_537 : memref<1x50x128xf32, #tpu.memory_space<hbm>> -> memref<50x128xf32, #tpu.memory_space<hbm>>
      %dma_start3A_539 = arith.constant 0 : i32
      %dma_start3A_540 = arith.constant 0 : i32
      %dma_start3A_541 = tpu.memref_slice %arg3[%add3A_531, %dma_start3A_539, %dma_start3A_540] : memref<4096x50x128xf32, #tpu.memory_space<hbm>> -> memref<1x50x128xf32, #tpu.memory_space<hbm>>
      %dma_start3A_542 = tpu.memref_squeeze %dma_start3A_541 : memref<1x50x128xf32, #tpu.memory_space<hbm>> -> memref<50x128xf32, #tpu.memory_space<hbm>>
      %dma_start3A_543 = arith.constant 100 : i32
      %dma_start3A_544 = arith.constant 0 : i32
      %dma_start3A_545 = tpu.memref_slice %arg6[%dma_start3A_543, %dma_start3A_544] : memref<200x128xf32, #tpu.memory_space<vmem>> -> memref<50x128xf32, #tpu.memory_space<vmem>>
      tpu.enqueue_dma source(%dma_start3A_545 : memref<50x128xf32, #tpu.memory_space<vmem>>) target(%dma_start3A_542 : memref<50x128xf32, #tpu.memory_space<hbm>>) target_semaphore(%arg14 : memref<!tpu.dma_semaphore, #tpu.memory_space<semaphore_mem>>)
      %mul3A_546 = arith.constant 128 : i32
      %mul3A_547 = arith.muli %add3A, %mul3A_546 : i32
      %mul3A_548 = arith.constant 4 : i32
      %mul3A_549 = arith.muli %add3A_476, %mul3A_548 : i32
      %add3A_550 = arith.addi %mul3A_547, %mul3A_549 : i32
      %add3A_551 = arith.constant 3 : i32
      %add3A_552 = arith.addi %add3A_550, %add3A_551 : i32
      %dma_start3A_553 = arith.constant 150 : i32
      %dma_start3A_554 = arith.constant 0 : i32
      %dma_start3A_555 = tpu.memref_slice %arg6[%dma_start3A_553, %dma_start3A_554] : memref<200x128xf32, #tpu.memory_space<vmem>> -> memref<50x128xf32, #tpu.memory_space<vmem>>
      %dma_start3A_556 = arith.constant 0 : i32
      %dma_start3A_557 = arith.constant 0 : i32
      %dma_start3A_558 = tpu.memref_slice %arg3[%add3A_552, %dma_start3A_556, %dma_start3A_557] : memref<4096x50x128xf32, #tpu.memory_space<hbm>> -> memref<1x50x128xf32, #tpu.memory_space<hbm>>
      %dma_start3A_559 = tpu.memref_squeeze %dma_start3A_558 : memref<1x50x128xf32, #tpu.memory_space<hbm>> -> memref<50x128xf32, #tpu.memory_space<hbm>>
      %dma_start3A_560 = arith.constant 0 : i32
      %dma_start3A_561 = arith.constant 0 : i32
      %dma_start3A_562 = tpu.memref_slice %arg3[%add3A_552, %dma_start3A_560, %dma_start3A_561] : memref<4096x50x128xf32, #tpu.memory_space<hbm>> -> memref<1x50x128xf32, #tpu.memory_space<hbm>>
      %dma_start3A_563 = tpu.memref_squeeze %dma_start3A_562 : memref<1x50x128xf32, #tpu.memory_space<hbm>> -> memref<50x128xf32, #tpu.memory_space<hbm>>
      %dma_start3A_564 = arith.constant 150 : i32
      %dma_start3A_565 = arith.constant 0 : i32
      %dma_start3A_566 = tpu.memref_slice %arg6[%dma_start3A_564, %dma_start3A_565] : memref<200x128xf32, #tpu.memory_space<vmem>> -> memref<50x128xf32, #tpu.memory_space<vmem>>
      tpu.enqueue_dma source(%dma_start3A_566 : memref<50x128xf32, #tpu.memory_space<vmem>>) target(%dma_start3A_563 : memref<50x128xf32, #tpu.memory_space<hbm>>) target_semaphore(%arg14 : memref<!tpu.dma_semaphore, #tpu.memory_space<semaphore_mem>>)
      %add3A_567 = arith.constant 4 : i32
      %add3A_568 = arith.addi %add3A_476, %add3A_567 : i32
      %lt3A_569 = arith.constant 32 : i32
      %lt3A_570 = arith.cmpi slt, %add3A_568, %lt3A_569 : i32
      %convert_element_type3A_571 = arith.extui %lt3A_570 : i1 to i32
      %cond3A_572 = arith.constant 0 : i32
      %cond3A_573 = arith.cmpi ne, %convert_element_type3A_571, %cond3A_572 : i32
      scf.if %cond3A_573 {
        %dma_wait3A_673 = arith.constant 0 : i32
        %dma_wait3A_674 = arith.constant 0 : i32
        %dma_wait3A_675 = arith.constant 0 : i32
        %dma_wait3A_676 = tpu.memref_slice %arg6[%dma_wait3A_674, %dma_wait3A_675] : memref<200x128xf32, #tpu.memory_space<vmem>> -> memref<50x128xf32, #tpu.memory_space<vmem>>
        %dma_wait3A_677 = arith.constant 0 : i32
        %dma_wait3A_678 = arith.constant 0 : i32
        %dma_wait3A_679 = tpu.memref_slice %arg3[%dma_wait3A_673, %dma_wait3A_677, %dma_wait3A_678] : memref<4096x50x128xf32, #tpu.memory_space<hbm>> -> memref<1x50x128xf32, #tpu.memory_space<hbm>>
        %dma_wait3A_680 = tpu.memref_squeeze %dma_wait3A_679 : memref<1x50x128xf32, #tpu.memory_space<hbm>> -> memref<50x128xf32, #tpu.memory_space<hbm>>
        %dma_wait3A_681 = arith.constant 0 : i32
        %dma_wait3A_682 = arith.constant 0 : i32
        %dma_wait3A_683 = tpu.memref_slice %arg3[%dma_wait3A_673, %dma_wait3A_681, %dma_wait3A_682] : memref<4096x50x128xf32, #tpu.memory_space<hbm>> -> memref<1x50x128xf32, #tpu.memory_space<hbm>>
        %dma_wait3A_684 = tpu.memref_squeeze %dma_wait3A_683 : memref<1x50x128xf32, #tpu.memory_space<hbm>> -> memref<50x128xf32, #tpu.memory_space<hbm>>
        %dma_wait3A_685 = arith.constant 0 : i32
        %dma_wait3A_686 = arith.constant 0 : i32
        %dma_wait3A_687 = tpu.memref_slice %arg6[%dma_wait3A_685, %dma_wait3A_686] : memref<200x128xf32, #tpu.memory_space<vmem>> -> memref<50x128xf32, #tpu.memory_space<vmem>>
        tpu.wait_dma2 semaphore(%arg14 : memref<!tpu.dma_semaphore, #tpu.memory_space<semaphore_mem>>) src(%dma_wait3A_687 : memref<50x128xf32, #tpu.memory_space<vmem>>) dst(%dma_wait3A_684 : memref<50x128xf32, #tpu.memory_space<hbm>>)
        %dma_wait3A_688 = arith.constant 0 : i32
        %dma_wait3A_689 = arith.constant 50 : i32
        %dma_wait3A_690 = arith.constant 0 : i32
        %dma_wait3A_691 = tpu.memref_slice %arg6[%dma_wait3A_689, %dma_wait3A_690] : memref<200x128xf32, #tpu.memory_space<vmem>> -> memref<50x128xf32, #tpu.memory_space<vmem>>
        %dma_wait3A_692 = arith.constant 0 : i32
        %dma_wait3A_693 = arith.constant 0 : i32
        %dma_wait3A_694 = tpu.memref_slice %arg3[%dma_wait3A_688, %dma_wait3A_692, %dma_wait3A_693] : memref<4096x50x128xf32, #tpu.memory_space<hbm>> -> memref<1x50x128xf32, #tpu.memory_space<hbm>>
        %dma_wait3A_695 = tpu.memref_squeeze %dma_wait3A_694 : memref<1x50x128xf32, #tpu.memory_space<hbm>> -> memref<50x128xf32, #tpu.memory_space<hbm>>
        %dma_wait3A_696 = arith.constant 0 : i32
        %dma_wait3A_697 = arith.constant 0 : i32
        %dma_wait3A_698 = tpu.memref_slice %arg3[%dma_wait3A_688, %dma_wait3A_696, %dma_wait3A_697] : memref<4096x50x128xf32, #tpu.memory_space<hbm>> -> memref<1x50x128xf32, #tpu.memory_space<hbm>>
        %dma_wait3A_699 = tpu.memref_squeeze %dma_wait3A_698 : memref<1x50x128xf32, #tpu.memory_space<hbm>> -> memref<50x128xf32, #tpu.memory_space<hbm>>
        %dma_wait3A_700 = arith.constant 50 : i32
        %dma_wait3A_701 = arith.constant 0 : i32
        %dma_wait3A_702 = tpu.memref_slice %arg6[%dma_wait3A_700, %dma_wait3A_701] : memref<200x128xf32, #tpu.memory_space<vmem>> -> memref<50x128xf32, #tpu.memory_space<vmem>>
        tpu.wait_dma2 semaphore(%arg14 : memref<!tpu.dma_semaphore, #tpu.memory_space<semaphore_mem>>) src(%dma_wait3A_702 : memref<50x128xf32, #tpu.memory_space<vmem>>) dst(%dma_wait3A_699 : memref<50x128xf32, #tpu.memory_space<hbm>>)
        %dma_wait3A_703 = arith.constant 0 : i32
        %dma_wait3A_704 = arith.constant 100 : i32
        %dma_wait3A_705 = arith.constant 0 : i32
        %dma_wait3A_706 = tpu.memref_slice %arg6[%dma_wait3A_704, %dma_wait3A_705] : memref<200x128xf32, #tpu.memory_space<vmem>> -> memref<50x128xf32, #tpu.memory_space<vmem>>
        %dma_wait3A_707 = arith.constant 0 : i32
        %dma_wait3A_708 = arith.constant 0 : i32
        %dma_wait3A_709 = tpu.memref_slice %arg3[%dma_wait3A_703, %dma_wait3A_707, %dma_wait3A_708] : memref<4096x50x128xf32, #tpu.memory_space<hbm>> -> memref<1x50x128xf32, #tpu.memory_space<hbm>>
        %dma_wait3A_710 = tpu.memref_squeeze %dma_wait3A_709 : memref<1x50x128xf32, #tpu.memory_space<hbm>> -> memref<50x128xf32, #tpu.memory_space<hbm>>
        %dma_wait3A_711 = arith.constant 0 : i32
        %dma_wait3A_712 = arith.constant 0 : i32
        %dma_wait3A_713 = tpu.memref_slice %arg3[%dma_wait3A_703, %dma_wait3A_711, %dma_wait3A_712] : memref<4096x50x128xf32, #tpu.memory_space<hbm>> -> memref<1x50x128xf32, #tpu.memory_space<hbm>>
        %dma_wait3A_714 = tpu.memref_squeeze %dma_wait3A_713 : memref<1x50x128xf32, #tpu.memory_space<hbm>> -> memref<50x128xf32, #tpu.memory_space<hbm>>
        %dma_wait3A_715 = arith.constant 100 : i32
        %dma_wait3A_716 = arith.constant 0 : i32
        %dma_wait3A_717 = tpu.memref_slice %arg6[%dma_wait3A_715, %dma_wait3A_716] : memref<200x128xf32, #tpu.memory_space<vmem>> -> memref<50x128xf32, #tpu.memory_space<vmem>>
        tpu.wait_dma2 semaphore(%arg14 : memref<!tpu.dma_semaphore, #tpu.memory_space<semaphore_mem>>) src(%dma_wait3A_717 : memref<50x128xf32, #tpu.memory_space<vmem>>) dst(%dma_wait3A_714 : memref<50x128xf32, #tpu.memory_space<hbm>>)
        %dma_wait3A_718 = arith.constant 0 : i32
        %dma_wait3A_719 = arith.constant 150 : i32
        %dma_wait3A_720 = arith.constant 0 : i32
        %dma_wait3A_721 = tpu.memref_slice %arg6[%dma_wait3A_719, %dma_wait3A_720] : memref<200x128xf32, #tpu.memory_space<vmem>> -> memref<50x128xf32, #tpu.memory_space<vmem>>
        %dma_wait3A_722 = arith.constant 0 : i32
        %dma_wait3A_723 = arith.constant 0 : i32
        %dma_wait3A_724 = tpu.memref_slice %arg3[%dma_wait3A_718, %dma_wait3A_722, %dma_wait3A_723] : memref<4096x50x128xf32, #tpu.memory_space<hbm>> -> memref<1x50x128xf32, #tpu.memory_space<hbm>>
        %dma_wait3A_725 = tpu.memref_squeeze %dma_wait3A_724 : memref<1x50x128xf32, #tpu.memory_space<hbm>> -> memref<50x128xf32, #tpu.memory_space<hbm>>
        %dma_wait3A_726 = arith.constant 0 : i32
        %dma_wait3A_727 = arith.constant 0 : i32
        %dma_wait3A_728 = tpu.memref_slice %arg3[%dma_wait3A_718, %dma_wait3A_726, %dma_wait3A_727] : memref<4096x50x128xf32, #tpu.memory_space<hbm>> -> memref<1x50x128xf32, #tpu.memory_space<hbm>>
        %dma_wait3A_729 = tpu.memref_squeeze %dma_wait3A_728 : memref<1x50x128xf32, #tpu.memory_space<hbm>> -> memref<50x128xf32, #tpu.memory_space<hbm>>
        %dma_wait3A_730 = arith.constant 150 : i32
        %dma_wait3A_731 = arith.constant 0 : i32
        %dma_wait3A_732 = tpu.memref_slice %arg6[%dma_wait3A_730, %dma_wait3A_731] : memref<200x128xf32, #tpu.memory_space<vmem>> -> memref<50x128xf32, #tpu.memory_space<vmem>>
        tpu.wait_dma2 semaphore(%arg14 : memref<!tpu.dma_semaphore, #tpu.memory_space<semaphore_mem>>) src(%dma_wait3A_732 : memref<50x128xf32, #tpu.memory_space<vmem>>) dst(%dma_wait3A_729 : memref<50x128xf32, #tpu.memory_space<hbm>>)
        %add3A_733 = arith.constant 4 : i32
        %add3A_734 = arith.addi %add3A_476, %add3A_733 : i32
        %mul3A_735 = arith.constant 6400 : i32
        %mul3A_736 = arith.muli %add3A, %mul3A_735 : i32
        %mul3A_737 = arith.constant 200 : i32
        %mul3A_738 = arith.muli %add3A_734, %mul3A_737 : i32
        %add3A_739 = arith.addi %mul3A_736, %mul3A_738 : i32
        %dma_start3A_740 = arith.constant 0 : i32
        %dma_start3A_741 = tpu.memref_slice %arg2[%add3A_739, %dma_start3A_740] : memref<204800x128xf32, #tpu.memory_space<hbm>> -> memref<200x128xf32, #tpu.memory_space<hbm>>
        %dma_start3A_742 = arith.constant 0 : i32
        %dma_start3A_743 = tpu.memref_slice %arg2[%add3A_739, %dma_start3A_742] : memref<204800x128xf32, #tpu.memory_space<hbm>> -> memref<200x128xf32, #tpu.memory_space<hbm>>
        tpu.enqueue_dma source(%dma_start3A_743 : memref<200x128xf32, #tpu.memory_space<hbm>>) target(%arg6 : memref<200x128xf32, #tpu.memory_space<vmem>>) target_semaphore(%arg10 : memref<!tpu.dma_semaphore, #tpu.memory_space<semaphore_mem>>)
      } else {
      }
      %add3A_574 = arith.constant 3 : i32
      %add3A_575 = arith.addi %add3A_279, %add3A_574 : i32
      %dma_wait3A_576 = arith.constant 0 : i32
      %dma_wait3A_577 = arith.constant 0 : i32
      %dma_wait3A_578 = tpu.memref_slice %arg2[%dma_wait3A_576, %dma_wait3A_577] : memref<204800x128xf32, #tpu.memory_space<hbm>> -> memref<200x128xf32, #tpu.memory_space<hbm>>
      %dma_wait3A_579 = arith.constant 0 : i32
      %dma_wait3A_580 = arith.constant 0 : i32
      %dma_wait3A_581 = tpu.memref_slice %arg2[%dma_wait3A_579, %dma_wait3A_580] : memref<204800x128xf32, #tpu.memory_space<hbm>> -> memref<200x128xf32, #tpu.memory_space<hbm>>
      tpu.wait_dma2 semaphore(%arg11 : memref<!tpu.dma_semaphore, #tpu.memory_space<semaphore_mem>>) src(%dma_wait3A_581 : memref<200x128xf32, #tpu.memory_space<hbm>>) dst(%arg7 : memref<200x128xf32, #tpu.memory_space<vmem>>)
      %mul3A_582 = arith.constant 128 : i32
      %mul3A_583 = arith.muli %add3A, %mul3A_582 : i32
      %mul3A_584 = arith.constant 4 : i32
      %mul3A_585 = arith.muli %add3A_575, %mul3A_584 : i32
      %add3A_586 = arith.addi %mul3A_583, %mul3A_585 : i32
      %add3A_587 = arith.constant 0 : i32
      %add3A_588 = arith.addi %add3A_586, %add3A_587 : i32
      %dma_start3A_589 = arith.constant 0 : i32
      %dma_start3A_590 = arith.constant 0 : i32
      %dma_start3A_591 = tpu.memref_slice %arg7[%dma_start3A_589, %dma_start3A_590] : memref<200x128xf32, #tpu.memory_space<vmem>> -> memref<50x128xf32, #tpu.memory_space<vmem>>
      %dma_start3A_592 = arith.constant 0 : i32
      %dma_start3A_593 = arith.constant 0 : i32
      %dma_start3A_594 = tpu.memref_slice %arg3[%add3A_588, %dma_start3A_592, %dma_start3A_593] : memref<4096x50x128xf32, #tpu.memory_space<hbm>> -> memref<1x50x128xf32, #tpu.memory_space<hbm>>
      %dma_start3A_595 = tpu.memref_squeeze %dma_start3A_594 : memref<1x50x128xf32, #tpu.memory_space<hbm>> -> memref<50x128xf32, #tpu.memory_space<hbm>>
      %dma_start3A_596 = arith.constant 0 : i32
      %dma_start3A_597 = arith.constant 0 : i32
      %dma_start3A_598 = tpu.memref_slice %arg3[%add3A_588, %dma_start3A_596, %dma_start3A_597] : memref<4096x50x128xf32, #tpu.memory_space<hbm>> -> memref<1x50x128xf32, #tpu.memory_space<hbm>>
      %dma_start3A_599 = tpu.memref_squeeze %dma_start3A_598 : memref<1x50x128xf32, #tpu.memory_space<hbm>> -> memref<50x128xf32, #tpu.memory_space<hbm>>
      %dma_start3A_600 = arith.constant 0 : i32
      %dma_start3A_601 = arith.constant 0 : i32
      %dma_start3A_602 = tpu.memref_slice %arg7[%dma_start3A_600, %dma_start3A_601] : memref<200x128xf32, #tpu.memory_space<vmem>> -> memref<50x128xf32, #tpu.memory_space<vmem>>
      tpu.enqueue_dma source(%dma_start3A_602 : memref<50x128xf32, #tpu.memory_space<vmem>>) target(%dma_start3A_599 : memref<50x128xf32, #tpu.memory_space<hbm>>) target_semaphore(%arg15 : memref<!tpu.dma_semaphore, #tpu.memory_space<semaphore_mem>>)
      %mul3A_603 = arith.constant 128 : i32
      %mul3A_604 = arith.muli %add3A, %mul3A_603 : i32
      %mul3A_605 = arith.constant 4 : i32
      %mul3A_606 = arith.muli %add3A_575, %mul3A_605 : i32
      %add3A_607 = arith.addi %mul3A_604, %mul3A_606 : i32
      %add3A_608 = arith.constant 1 : i32
      %add3A_609 = arith.addi %add3A_607, %add3A_608 : i32
      %dma_start3A_610 = arith.constant 50 : i32
      %dma_start3A_611 = arith.constant 0 : i32
      %dma_start3A_612 = tpu.memref_slice %arg7[%dma_start3A_610, %dma_start3A_611] : memref<200x128xf32, #tpu.memory_space<vmem>> -> memref<50x128xf32, #tpu.memory_space<vmem>>
      %dma_start3A_613 = arith.constant 0 : i32
      %dma_start3A_614 = arith.constant 0 : i32
      %dma_start3A_615 = tpu.memref_slice %arg3[%add3A_609, %dma_start3A_613, %dma_start3A_614] : memref<4096x50x128xf32, #tpu.memory_space<hbm>> -> memref<1x50x128xf32, #tpu.memory_space<hbm>>
      %dma_start3A_616 = tpu.memref_squeeze %dma_start3A_615 : memref<1x50x128xf32, #tpu.memory_space<hbm>> -> memref<50x128xf32, #tpu.memory_space<hbm>>
      %dma_start3A_617 = arith.constant 0 : i32
      %dma_start3A_618 = arith.constant 0 : i32
      %dma_start3A_619 = tpu.memref_slice %arg3[%add3A_609, %dma_start3A_617, %dma_start3A_618] : memref<4096x50x128xf32, #tpu.memory_space<hbm>> -> memref<1x50x128xf32, #tpu.memory_space<hbm>>
      %dma_start3A_620 = tpu.memref_squeeze %dma_start3A_619 : memref<1x50x128xf32, #tpu.memory_space<hbm>> -> memref<50x128xf32, #tpu.memory_space<hbm>>
      %dma_start3A_621 = arith.constant 50 : i32
      %dma_start3A_622 = arith.constant 0 : i32
      %dma_start3A_623 = tpu.memref_slice %arg7[%dma_start3A_621, %dma_start3A_622] : memref<200x128xf32, #tpu.memory_space<vmem>> -> memref<50x128xf32, #tpu.memory_space<vmem>>
      tpu.enqueue_dma source(%dma_start3A_623 : memref<50x128xf32, #tpu.memory_space<vmem>>) target(%dma_start3A_620 : memref<50x128xf32, #tpu.memory_space<hbm>>) target_semaphore(%arg15 : memref<!tpu.dma_semaphore, #tpu.memory_space<semaphore_mem>>)
      %mul3A_624 = arith.constant 128 : i32
      %mul3A_625 = arith.muli %add3A, %mul3A_624 : i32
      %mul3A_626 = arith.constant 4 : i32
      %mul3A_627 = arith.muli %add3A_575, %mul3A_626 : i32
      %add3A_628 = arith.addi %mul3A_625, %mul3A_627 : i32
      %add3A_629 = arith.constant 2 : i32
      %add3A_630 = arith.addi %add3A_628, %add3A_629 : i32
      %dma_start3A_631 = arith.constant 100 : i32
      %dma_start3A_632 = arith.constant 0 : i32
      %dma_start3A_633 = tpu.memref_slice %arg7[%dma_start3A_631, %dma_start3A_632] : memref<200x128xf32, #tpu.memory_space<vmem>> -> memref<50x128xf32, #tpu.memory_space<vmem>>
      %dma_start3A_634 = arith.constant 0 : i32
      %dma_start3A_635 = arith.constant 0 : i32
      %dma_start3A_636 = tpu.memref_slice %arg3[%add3A_630, %dma_start3A_634, %dma_start3A_635] : memref<4096x50x128xf32, #tpu.memory_space<hbm>> -> memref<1x50x128xf32, #tpu.memory_space<hbm>>
      %dma_start3A_637 = tpu.memref_squeeze %dma_start3A_636 : memref<1x50x128xf32, #tpu.memory_space<hbm>> -> memref<50x128xf32, #tpu.memory_space<hbm>>
      %dma_start3A_638 = arith.constant 0 : i32
      %dma_start3A_639 = arith.constant 0 : i32
      %dma_start3A_640 = tpu.memref_slice %arg3[%add3A_630, %dma_start3A_638, %dma_start3A_639] : memref<4096x50x128xf32, #tpu.memory_space<hbm>> -> memref<1x50x128xf32, #tpu.memory_space<hbm>>
      %dma_start3A_641 = tpu.memref_squeeze %dma_start3A_640 : memref<1x50x128xf32, #tpu.memory_space<hbm>> -> memref<50x128xf32, #tpu.memory_space<hbm>>
      %dma_start3A_642 = arith.constant 100 : i32
      %dma_start3A_643 = arith.constant 0 : i32
      %dma_start3A_644 = tpu.memref_slice %arg7[%dma_start3A_642, %dma_start3A_643] : memref<200x128xf32, #tpu.memory_space<vmem>> -> memref<50x128xf32, #tpu.memory_space<vmem>>
      tpu.enqueue_dma source(%dma_start3A_644 : memref<50x128xf32, #tpu.memory_space<vmem>>) target(%dma_start3A_641 : memref<50x128xf32, #tpu.memory_space<hbm>>) target_semaphore(%arg15 : memref<!tpu.dma_semaphore, #tpu.memory_space<semaphore_mem>>)
      %mul3A_645 = arith.constant 128 : i32
      %mul3A_646 = arith.muli %add3A, %mul3A_645 : i32
      %mul3A_647 = arith.constant 4 : i32
      %mul3A_648 = arith.muli %add3A_575, %mul3A_647 : i32
      %add3A_649 = arith.addi %mul3A_646, %mul3A_648 : i32
      %add3A_650 = arith.constant 3 : i32
      %add3A_651 = arith.addi %add3A_649, %add3A_650 : i32
      %dma_start3A_652 = arith.constant 150 : i32
      %dma_start3A_653 = arith.constant 0 : i32
      %dma_start3A_654 = tpu.memref_slice %arg7[%dma_start3A_652, %dma_start3A_653] : memref<200x128xf32, #tpu.memory_space<vmem>> -> memref<50x128xf32, #tpu.memory_space<vmem>>
      %dma_start3A_655 = arith.constant 0 : i32
      %dma_start3A_656 = arith.constant 0 : i32
      %dma_start3A_657 = tpu.memref_slice %arg3[%add3A_651, %dma_start3A_655, %dma_start3A_656] : memref<4096x50x128xf32, #tpu.memory_space<hbm>> -> memref<1x50x128xf32, #tpu.memory_space<hbm>>
      %dma_start3A_658 = tpu.memref_squeeze %dma_start3A_657 : memref<1x50x128xf32, #tpu.memory_space<hbm>> -> memref<50x128xf32, #tpu.memory_space<hbm>>
      %dma_start3A_659 = arith.constant 0 : i32
      %dma_start3A_660 = arith.constant 0 : i32
      %dma_start3A_661 = tpu.memref_slice %arg3[%add3A_651, %dma_start3A_659, %dma_start3A_660] : memref<4096x50x128xf32, #tpu.memory_space<hbm>> -> memref<1x50x128xf32, #tpu.memory_space<hbm>>
      %dma_start3A_662 = tpu.memref_squeeze %dma_start3A_661 : memref<1x50x128xf32, #tpu.memory_space<hbm>> -> memref<50x128xf32, #tpu.memory_space<hbm>>
      %dma_start3A_663 = arith.constant 150 : i32
      %dma_start3A_664 = arith.constant 0 : i32
      %dma_start3A_665 = tpu.memref_slice %arg7[%dma_start3A_663, %dma_start3A_664] : memref<200x128xf32, #tpu.memory_space<vmem>> -> memref<50x128xf32, #tpu.memory_space<vmem>>
      tpu.enqueue_dma source(%dma_start3A_665 : memref<50x128xf32, #tpu.memory_space<vmem>>) target(%dma_start3A_662 : memref<50x128xf32, #tpu.memory_space<hbm>>) target_semaphore(%arg15 : memref<!tpu.dma_semaphore, #tpu.memory_space<semaphore_mem>>)
      %add3A_666 = arith.constant 4 : i32
      %add3A_667 = arith.addi %add3A_575, %add3A_666 : i32
      %lt3A_668 = arith.constant 32 : i32
      %lt3A_669 = arith.cmpi slt, %add3A_667, %lt3A_668 : i32
      %convert_element_type3A_670 = arith.extui %lt3A_669 : i1 to i32
      %cond3A_671 = arith.constant 0 : i32
      %cond3A_672 = arith.cmpi ne, %convert_element_type3A_670, %cond3A_671 : i32
      scf.if %cond3A_672 {
        %dma_wait3A_673 = arith.constant 0 : i32
        %dma_wait3A_674 = arith.constant 0 : i32
        %dma_wait3A_675 = arith.constant 0 : i32
        %dma_wait3A_676 = tpu.memref_slice %arg7[%dma_wait3A_674, %dma_wait3A_675] : memref<200x128xf32, #tpu.memory_space<vmem>> -> memref<50x128xf32, #tpu.memory_space<vmem>>
        %dma_wait3A_677 = arith.constant 0 : i32
        %dma_wait3A_678 = arith.constant 0 : i32
        %dma_wait3A_679 = tpu.memref_slice %arg3[%dma_wait3A_673, %dma_wait3A_677, %dma_wait3A_678] : memref<4096x50x128xf32, #tpu.memory_space<hbm>> -> memref<1x50x128xf32, #tpu.memory_space<hbm>>
        %dma_wait3A_680 = tpu.memref_squeeze %dma_wait3A_679 : memref<1x50x128xf32, #tpu.memory_space<hbm>> -> memref<50x128xf32, #tpu.memory_space<hbm>>
        %dma_wait3A_681 = arith.constant 0 : i32
        %dma_wait3A_682 = arith.constant 0 : i32
        %dma_wait3A_683 = tpu.memref_slice %arg3[%dma_wait3A_673, %dma_wait3A_681, %dma_wait3A_682] : memref<4096x50x128xf32, #tpu.memory_space<hbm>> -> memref<1x50x128xf32, #tpu.memory_space<hbm>>
        %dma_wait3A_684 = tpu.memref_squeeze %dma_wait3A_683 : memref<1x50x128xf32, #tpu.memory_space<hbm>> -> memref<50x128xf32, #tpu.memory_space<hbm>>
        %dma_wait3A_685 = arith.constant 0 : i32
        %dma_wait3A_686 = arith.constant 0 : i32
        %dma_wait3A_687 = tpu.memref_slice %arg7[%dma_wait3A_685, %dma_wait3A_686] : memref<200x128xf32, #tpu.memory_space<vmem>> -> memref<50x128xf32, #tpu.memory_space<vmem>>
        tpu.wait_dma2 semaphore(%arg15 : memref<!tpu.dma_semaphore, #tpu.memory_space<semaphore_mem>>) src(%dma_wait3A_687 : memref<50x128xf32, #tpu.memory_space<vmem>>) dst(%dma_wait3A_684 : memref<50x128xf32, #tpu.memory_space<hbm>>)
        %dma_wait3A_688 = arith.constant 0 : i32
        %dma_wait3A_689 = arith.constant 50 : i32
        %dma_wait3A_690 = arith.constant 0 : i32
        %dma_wait3A_691 = tpu.memref_slice %arg7[%dma_wait3A_689, %dma_wait3A_690] : memref<200x128xf32, #tpu.memory_space<vmem>> -> memref<50x128xf32, #tpu.memory_space<vmem>>
        %dma_wait3A_692 = arith.constant 0 : i32
        %dma_wait3A_693 = arith.constant 0 : i32
        %dma_wait3A_694 = tpu.memref_slice %arg3[%dma_wait3A_688, %dma_wait3A_692, %dma_wait3A_693] : memref<4096x50x128xf32, #tpu.memory_space<hbm>> -> memref<1x50x128xf32, #tpu.memory_space<hbm>>
        %dma_wait3A_695 = tpu.memref_squeeze %dma_wait3A_694 : memref<1x50x128xf32, #tpu.memory_space<hbm>> -> memref<50x128xf32, #tpu.memory_space<hbm>>
        %dma_wait3A_696 = arith.constant 0 : i32
        %dma_wait3A_697 = arith.constant 0 : i32
        %dma_wait3A_698 = tpu.memref_slice %arg3[%dma_wait3A_688, %dma_wait3A_696, %dma_wait3A_697] : memref<4096x50x128xf32, #tpu.memory_space<hbm>> -> memref<1x50x128xf32, #tpu.memory_space<hbm>>
        %dma_wait3A_699 = tpu.memref_squeeze %dma_wait3A_698 : memref<1x50x128xf32, #tpu.memory_space<hbm>> -> memref<50x128xf32, #tpu.memory_space<hbm>>
        %dma_wait3A_700 = arith.constant 50 : i32
        %dma_wait3A_701 = arith.constant 0 : i32
        %dma_wait3A_702 = tpu.memref_slice %arg7[%dma_wait3A_700, %dma_wait3A_701] : memref<200x128xf32, #tpu.memory_space<vmem>> -> memref<50x128xf32, #tpu.memory_space<vmem>>
        tpu.wait_dma2 semaphore(%arg15 : memref<!tpu.dma_semaphore, #tpu.memory_space<semaphore_mem>>) src(%dma_wait3A_702 : memref<50x128xf32, #tpu.memory_space<vmem>>) dst(%dma_wait3A_699 : memref<50x128xf32, #tpu.memory_space<hbm>>)
        %dma_wait3A_703 = arith.constant 0 : i32
        %dma_wait3A_704 = arith.constant 100 : i32
        %dma_wait3A_705 = arith.constant 0 : i32
        %dma_wait3A_706 = tpu.memref_slice %arg7[%dma_wait3A_704, %dma_wait3A_705] : memref<200x128xf32, #tpu.memory_space<vmem>> -> memref<50x128xf32, #tpu.memory_space<vmem>>
        %dma_wait3A_707 = arith.constant 0 : i32
        %dma_wait3A_708 = arith.constant 0 : i32
        %dma_wait3A_709 = tpu.memref_slice %arg3[%dma_wait3A_703, %dma_wait3A_707, %dma_wait3A_708] : memref<4096x50x128xf32, #tpu.memory_space<hbm>> -> memref<1x50x128xf32, #tpu.memory_space<hbm>>
        %dma_wait3A_710 = tpu.memref_squeeze %dma_wait3A_709 : memref<1x50x128xf32, #tpu.memory_space<hbm>> -> memref<50x128xf32, #tpu.memory_space<hbm>>
        %dma_wait3A_711 = arith.constant 0 : i32
        %dma_wait3A_712 = arith.constant 0 : i32
        %dma_wait3A_713 = tpu.memref_slice %arg3[%dma_wait3A_703, %dma_wait3A_711, %dma_wait3A_712] : memref<4096x50x128xf32, #tpu.memory_space<hbm>> -> memref<1x50x128xf32, #tpu.memory_space<hbm>>
        %dma_wait3A_714 = tpu.memref_squeeze %dma_wait3A_713 : memref<1x50x128xf32, #tpu.memory_space<hbm>> -> memref<50x128xf32, #tpu.memory_space<hbm>>
        %dma_wait3A_715 = arith.constant 100 : i32
        %dma_wait3A_716 = arith.constant 0 : i32
        %dma_wait3A_717 = tpu.memref_slice %arg7[%dma_wait3A_715, %dma_wait3A_716] : memref<200x128xf32, #tpu.memory_space<vmem>> -> memref<50x128xf32, #tpu.memory_space<vmem>>
        tpu.wait_dma2 semaphore(%arg15 : memref<!tpu.dma_semaphore, #tpu.memory_space<semaphore_mem>>) src(%dma_wait3A_717 : memref<50x128xf32, #tpu.memory_space<vmem>>) dst(%dma_wait3A_714 : memref<50x128xf32, #tpu.memory_space<hbm>>)
        %dma_wait3A_718 = arith.constant 0 : i32
        %dma_wait3A_719 = arith.constant 150 : i32
        %dma_wait3A_720 = arith.constant 0 : i32
        %dma_wait3A_721 = tpu.memref_slice %arg7[%dma_wait3A_719, %dma_wait3A_720] : memref<200x128xf32, #tpu.memory_space<vmem>> -> memref<50x128xf32, #tpu.memory_space<vmem>>
        %dma_wait3A_722 = arith.constant 0 : i32
        %dma_wait3A_723 = arith.constant 0 : i32
        %dma_wait3A_724 = tpu.memref_slice %arg3[%dma_wait3A_718, %dma_wait3A_722, %dma_wait3A_723] : memref<4096x50x128xf32, #tpu.memory_space<hbm>> -> memref<1x50x128xf32, #tpu.memory_space<hbm>>
        %dma_wait3A_725 = tpu.memref_squeeze %dma_wait3A_724 : memref<1x50x128xf32, #tpu.memory_space<hbm>> -> memref<50x128xf32, #tpu.memory_space<hbm>>
        %dma_wait3A_726 = arith.constant 0 : i32
        %dma_wait3A_727 = arith.constant 0 : i32
        %dma_wait3A_728 = tpu.memref_slice %arg3[%dma_wait3A_718, %dma_wait3A_726, %dma_wait3A_727] : memref<4096x50x128xf32, #tpu.memory_space<hbm>> -> memref<1x50x128xf32, #tpu.memory_space<hbm>>
        %dma_wait3A_729 = tpu.memref_squeeze %dma_wait3A_728 : memref<1x50x128xf32, #tpu.memory_space<hbm>> -> memref<50x128xf32, #tpu.memory_space<hbm>>
        %dma_wait3A_730 = arith.constant 150 : i32
        %dma_wait3A_731 = arith.constant 0 : i32
        %dma_wait3A_732 = tpu.memref_slice %arg7[%dma_wait3A_730, %dma_wait3A_731] : memref<200x128xf32, #tpu.memory_space<vmem>> -> memref<50x128xf32, #tpu.memory_space<vmem>>
        tpu.wait_dma2 semaphore(%arg15 : memref<!tpu.dma_semaphore, #tpu.memory_space<semaphore_mem>>) src(%dma_wait3A_732 : memref<50x128xf32, #tpu.memory_space<vmem>>) dst(%dma_wait3A_729 : memref<50x128xf32, #tpu.memory_space<hbm>>)
        %add3A_733 = arith.constant 4 : i32
        %add3A_734 = arith.addi %add3A_575, %add3A_733 : i32
        %mul3A_735 = arith.constant 6400 : i32
        %mul3A_736 = arith.muli %add3A, %mul3A_735 : i32
        %mul3A_737 = arith.constant 200 : i32
        %mul3A_738 = arith.muli %add3A_734, %mul3A_737 : i32
        %add3A_739 = arith.addi %mul3A_736, %mul3A_738 : i32
        %dma_start3A_740 = arith.constant 0 : i32
        %dma_start3A_741 = tpu.memref_slice %arg2[%add3A_739, %dma_start3A_740] : memref<204800x128xf32, #tpu.memory_space<hbm>> -> memref<200x128xf32, #tpu.memory_space<hbm>>
        %dma_start3A_742 = arith.constant 0 : i32
        %dma_start3A_743 = tpu.memref_slice %arg2[%add3A_739, %dma_start3A_742] : memref<204800x128xf32, #tpu.memory_space<hbm>> -> memref<200x128xf32, #tpu.memory_space<hbm>>
        tpu.enqueue_dma source(%dma_start3A_743 : memref<200x128xf32, #tpu.memory_space<hbm>>) target(%arg7 : memref<200x128xf32, #tpu.memory_space<vmem>>) target_semaphore(%arg11 : memref<!tpu.dma_semaphore, #tpu.memory_space<semaphore_mem>>)
      } else {
      }
    }
    %scan3A_35 = arith.constant 8 : i32
    %dma_wait3A = arith.constant 0 : i32
    %dma_wait3A_36 = arith.constant 0 : i32
    %dma_wait3A_37 = arith.constant 0 : i32
    %dma_wait3A_38 = tpu.memref_slice %arg4[%dma_wait3A_36, %dma_wait3A_37] : memref<200x128xf32, #tpu.memory_space<vmem>> -> memref<50x128xf32, #tpu.memory_space<vmem>>
    %dma_wait3A_39 = arith.constant 0 : i32
    %dma_wait3A_40 = arith.constant 0 : i32
    %dma_wait3A_41 = tpu.memref_slice %arg3[%dma_wait3A, %dma_wait3A_39, %dma_wait3A_40] : memref<4096x50x128xf32, #tpu.memory_space<hbm>> -> memref<1x50x128xf32, #tpu.memory_space<hbm>>
    %dma_wait3A_42 = tpu.memref_squeeze %dma_wait3A_41 : memref<1x50x128xf32, #tpu.memory_space<hbm>> -> memref<50x128xf32, #tpu.memory_space<hbm>>
    %dma_wait3A_43 = arith.constant 0 : i32
    %dma_wait3A_44 = arith.constant 0 : i32
    %dma_wait3A_45 = tpu.memref_slice %arg3[%dma_wait3A, %dma_wait3A_43, %dma_wait3A_44] : memref<4096x50x128xf32, #tpu.memory_space<hbm>> -> memref<1x50x128xf32, #tpu.memory_space<hbm>>
    %dma_wait3A_46 = tpu.memref_squeeze %dma_wait3A_45 : memref<1x50x128xf32, #tpu.memory_space<hbm>> -> memref<50x128xf32, #tpu.memory_space<hbm>>
    %dma_wait3A_47 = arith.constant 0 : i32
    %dma_wait3A_48 = arith.constant 0 : i32
    %dma_wait3A_49 = tpu.memref_slice %arg4[%dma_wait3A_47, %dma_wait3A_48] : memref<200x128xf32, #tpu.memory_space<vmem>> -> memref<50x128xf32, #tpu.memory_space<vmem>>
    tpu.wait_dma2 semaphore(%arg12 : memref<!tpu.dma_semaphore, #tpu.memory_space<semaphore_mem>>) src(%dma_wait3A_49 : memref<50x128xf32, #tpu.memory_space<vmem>>) dst(%dma_wait3A_46 : memref<50x128xf32, #tpu.memory_space<hbm>>)
    %dma_wait3A_50 = arith.constant 0 : i32
    %dma_wait3A_51 = arith.constant 50 : i32
    %dma_wait3A_52 = arith.constant 0 : i32
    %dma_wait3A_53 = tpu.memref_slice %arg4[%dma_wait3A_51, %dma_wait3A_52] : memref<200x128xf32, #tpu.memory_space<vmem>> -> memref<50x128xf32, #tpu.memory_space<vmem>>
    %dma_wait3A_54 = arith.constant 0 : i32
    %dma_wait3A_55 = arith.constant 0 : i32
    %dma_wait3A_56 = tpu.memref_slice %arg3[%dma_wait3A_50, %dma_wait3A_54, %dma_wait3A_55] : memref<4096x50x128xf32, #tpu.memory_space<hbm>> -> memref<1x50x128xf32, #tpu.memory_space<hbm>>
    %dma_wait3A_57 = tpu.memref_squeeze %dma_wait3A_56 : memref<1x50x128xf32, #tpu.memory_space<hbm>> -> memref<50x128xf32, #tpu.memory_space<hbm>>
    %dma_wait3A_58 = arith.constant 0 : i32
    %dma_wait3A_59 = arith.constant 0 : i32
    %dma_wait3A_60 = tpu.memref_slice %arg3[%dma_wait3A_50, %dma_wait3A_58, %dma_wait3A_59] : memref<4096x50x128xf32, #tpu.memory_space<hbm>> -> memref<1x50x128xf32, #tpu.memory_space<hbm>>
    %dma_wait3A_61 = tpu.memref_squeeze %dma_wait3A_60 : memref<1x50x128xf32, #tpu.memory_space<hbm>> -> memref<50x128xf32, #tpu.memory_space<hbm>>
    %dma_wait3A_62 = arith.constant 50 : i32
    %dma_wait3A_63 = arith.constant 0 : i32
    %dma_wait3A_64 = tpu.memref_slice %arg4[%dma_wait3A_62, %dma_wait3A_63] : memref<200x128xf32, #tpu.memory_space<vmem>> -> memref<50x128xf32, #tpu.memory_space<vmem>>
    tpu.wait_dma2 semaphore(%arg12 : memref<!tpu.dma_semaphore, #tpu.memory_space<semaphore_mem>>) src(%dma_wait3A_64 : memref<50x128xf32, #tpu.memory_space<vmem>>) dst(%dma_wait3A_61 : memref<50x128xf32, #tpu.memory_space<hbm>>)
    %dma_wait3A_65 = arith.constant 0 : i32
    %dma_wait3A_66 = arith.constant 100 : i32
    %dma_wait3A_67 = arith.constant 0 : i32
    %dma_wait3A_68 = tpu.memref_slice %arg4[%dma_wait3A_66, %dma_wait3A_67] : memref<200x128xf32, #tpu.memory_space<vmem>> -> memref<50x128xf32, #tpu.memory_space<vmem>>
    %dma_wait3A_69 = arith.constant 0 : i32
    %dma_wait3A_70 = arith.constant 0 : i32
    %dma_wait3A_71 = tpu.memref_slice %arg3[%dma_wait3A_65, %dma_wait3A_69, %dma_wait3A_70] : memref<4096x50x128xf32, #tpu.memory_space<hbm>> -> memref<1x50x128xf32, #tpu.memory_space<hbm>>
    %dma_wait3A_72 = tpu.memref_squeeze %dma_wait3A_71 : memref<1x50x128xf32, #tpu.memory_space<hbm>> -> memref<50x128xf32, #tpu.memory_space<hbm>>
    %dma_wait3A_73 = arith.constant 0 : i32
    %dma_wait3A_74 = arith.constant 0 : i32
    %dma_wait3A_75 = tpu.memref_slice %arg3[%dma_wait3A_65, %dma_wait3A_73, %dma_wait3A_74] : memref<4096x50x128xf32, #tpu.memory_space<hbm>> -> memref<1x50x128xf32, #tpu.memory_space<hbm>>
    %dma_wait3A_76 = tpu.memref_squeeze %dma_wait3A_75 : memref<1x50x128xf32, #tpu.memory_space<hbm>> -> memref<50x128xf32, #tpu.memory_space<hbm>>
    %dma_wait3A_77 = arith.constant 100 : i32
    %dma_wait3A_78 = arith.constant 0 : i32
    %dma_wait3A_79 = tpu.memref_slice %arg4[%dma_wait3A_77, %dma_wait3A_78] : memref<200x128xf32, #tpu.memory_space<vmem>> -> memref<50x128xf32, #tpu.memory_space<vmem>>
    tpu.wait_dma2 semaphore(%arg12 : memref<!tpu.dma_semaphore, #tpu.memory_space<semaphore_mem>>) src(%dma_wait3A_79 : memref<50x128xf32, #tpu.memory_space<vmem>>) dst(%dma_wait3A_76 : memref<50x128xf32, #tpu.memory_space<hbm>>)
    %dma_wait3A_80 = arith.constant 0 : i32
    %dma_wait3A_81 = arith.constant 150 : i32
    %dma_wait3A_82 = arith.constant 0 : i32
    %dma_wait3A_83 = tpu.memref_slice %arg4[%dma_wait3A_81, %dma_wait3A_82] : memref<200x128xf32, #tpu.memory_space<vmem>> -> memref<50x128xf32, #tpu.memory_space<vmem>>
    %dma_wait3A_84 = arith.constant 0 : i32
    %dma_wait3A_85 = arith.constant 0 : i32
    %dma_wait3A_86 = tpu.memref_slice %arg3[%dma_wait3A_80, %dma_wait3A_84, %dma_wait3A_85] : memref<4096x50x128xf32, #tpu.memory_space<hbm>> -> memref<1x50x128xf32, #tpu.memory_space<hbm>>
    %dma_wait3A_87 = tpu.memref_squeeze %dma_wait3A_86 : memref<1x50x128xf32, #tpu.memory_space<hbm>> -> memref<50x128xf32, #tpu.memory_space<hbm>>
    %dma_wait3A_88 = arith.constant 0 : i32
    %dma_wait3A_89 = arith.constant 0 : i32
    %dma_wait3A_90 = tpu.memref_slice %arg3[%dma_wait3A_80, %dma_wait3A_88, %dma_wait3A_89] : memref<4096x50x128xf32, #tpu.memory_space<hbm>> -> memref<1x50x128xf32, #tpu.memory_space<hbm>>
    %dma_wait3A_91 = tpu.memref_squeeze %dma_wait3A_90 : memref<1x50x128xf32, #tpu.memory_space<hbm>> -> memref<50x128xf32, #tpu.memory_space<hbm>>
    %dma_wait3A_92 = arith.constant 150 : i32
    %dma_wait3A_93 = arith.constant 0 : i32
    %dma_wait3A_94 = tpu.memref_slice %arg4[%dma_wait3A_92, %dma_wait3A_93] : memref<200x128xf32, #tpu.memory_space<vmem>> -> memref<50x128xf32, #tpu.memory_space<vmem>>
    tpu.wait_dma2 semaphore(%arg12 : memref<!tpu.dma_semaphore, #tpu.memory_space<semaphore_mem>>) src(%dma_wait3A_94 : memref<50x128xf32, #tpu.memory_space<vmem>>) dst(%dma_wait3A_91 : memref<50x128xf32, #tpu.memory_space<hbm>>)
    %dma_wait3A_95 = arith.constant 0 : i32
    %dma_wait3A_96 = arith.constant 0 : i32
    %dma_wait3A_97 = arith.constant 0 : i32
    %dma_wait3A_98 = tpu.memref_slice %arg5[%dma_wait3A_96, %dma_wait3A_97] : memref<200x128xf32, #tpu.memory_space<vmem>> -> memref<50x128xf32, #tpu.memory_space<vmem>>
    %dma_wait3A_99 = arith.constant 0 : i32
    %dma_wait3A_100 = arith.constant 0 : i32
    %dma_wait3A_101 = tpu.memref_slice %arg3[%dma_wait3A_95, %dma_wait3A_99, %dma_wait3A_100] : memref<4096x50x128xf32, #tpu.memory_space<hbm>> -> memref<1x50x128xf32, #tpu.memory_space<hbm>>
    %dma_wait3A_102 = tpu.memref_squeeze %dma_wait3A_101 : memref<1x50x128xf32, #tpu.memory_space<hbm>> -> memref<50x128xf32, #tpu.memory_space<hbm>>
    %dma_wait3A_103 = arith.constant 0 : i32
    %dma_wait3A_104 = arith.constant 0 : i32
    %dma_wait3A_105 = tpu.memref_slice %arg3[%dma_wait3A_95, %dma_wait3A_103, %dma_wait3A_104] : memref<4096x50x128xf32, #tpu.memory_space<hbm>> -> memref<1x50x128xf32, #tpu.memory_space<hbm>>
    %dma_wait3A_106 = tpu.memref_squeeze %dma_wait3A_105 : memref<1x50x128xf32, #tpu.memory_space<hbm>> -> memref<50x128xf32, #tpu.memory_space<hbm>>
    %dma_wait3A_107 = arith.constant 0 : i32
    %dma_wait3A_108 = arith.constant 0 : i32
    %dma_wait3A_109 = tpu.memref_slice %arg5[%dma_wait3A_107, %dma_wait3A_108] : memref<200x128xf32, #tpu.memory_space<vmem>> -> memref<50x128xf32, #tpu.memory_space<vmem>>
    tpu.wait_dma2 semaphore(%arg13 : memref<!tpu.dma_semaphore, #tpu.memory_space<semaphore_mem>>) src(%dma_wait3A_109 : memref<50x128xf32, #tpu.memory_space<vmem>>) dst(%dma_wait3A_106 : memref<50x128xf32, #tpu.memory_space<hbm>>)
    %dma_wait3A_110 = arith.constant 0 : i32
    %dma_wait3A_111 = arith.constant 50 : i32
    %dma_wait3A_112 = arith.constant 0 : i32
    %dma_wait3A_113 = tpu.memref_slice %arg5[%dma_wait3A_111, %dma_wait3A_112] : memref<200x128xf32, #tpu.memory_space<vmem>> -> memref<50x128xf32, #tpu.memory_space<vmem>>
    %dma_wait3A_114 = arith.constant 0 : i32
    %dma_wait3A_115 = arith.constant 0 : i32
    %dma_wait3A_116 = tpu.memref_slice %arg3[%dma_wait3A_110, %dma_wait3A_114, %dma_wait3A_115] : memref<4096x50x128xf32, #tpu.memory_space<hbm>> -> memref<1x50x128xf32, #tpu.memory_space<hbm>>
    %dma_wait3A_117 = tpu.memref_squeeze %dma_wait3A_116 : memref<1x50x128xf32, #tpu.memory_space<hbm>> -> memref<50x128xf32, #tpu.memory_space<hbm>>
    %dma_wait3A_118 = arith.constant 0 : i32
    %dma_wait3A_119 = arith.constant 0 : i32
    %dma_wait3A_120 = tpu.memref_slice %arg3[%dma_wait3A_110, %dma_wait3A_118, %dma_wait3A_119] : memref<4096x50x128xf32, #tpu.memory_space<hbm>> -> memref<1x50x128xf32, #tpu.memory_space<hbm>>
    %dma_wait3A_121 = tpu.memref_squeeze %dma_wait3A_120 : memref<1x50x128xf32, #tpu.memory_space<hbm>> -> memref<50x128xf32, #tpu.memory_space<hbm>>
    %dma_wait3A_122 = arith.constant 50 : i32
    %dma_wait3A_123 = arith.constant 0 : i32
    %dma_wait3A_124 = tpu.memref_slice %arg5[%dma_wait3A_122, %dma_wait3A_123] : memref<200x128xf32, #tpu.memory_space<vmem>> -> memref<50x128xf32, #tpu.memory_space<vmem>>
    tpu.wait_dma2 semaphore(%arg13 : memref<!tpu.dma_semaphore, #tpu.memory_space<semaphore_mem>>) src(%dma_wait3A_124 : memref<50x128xf32, #tpu.memory_space<vmem>>) dst(%dma_wait3A_121 : memref<50x128xf32, #tpu.memory_space<hbm>>)
    %dma_wait3A_125 = arith.constant 0 : i32
    %dma_wait3A_126 = arith.constant 100 : i32
    %dma_wait3A_127 = arith.constant 0 : i32
    %dma_wait3A_128 = tpu.memref_slice %arg5[%dma_wait3A_126, %dma_wait3A_127] : memref<200x128xf32, #tpu.memory_space<vmem>> -> memref<50x128xf32, #tpu.memory_space<vmem>>
    %dma_wait3A_129 = arith.constant 0 : i32
    %dma_wait3A_130 = arith.constant 0 : i32
    %dma_wait3A_131 = tpu.memref_slice %arg3[%dma_wait3A_125, %dma_wait3A_129, %dma_wait3A_130] : memref<4096x50x128xf32, #tpu.memory_space<hbm>> -> memref<1x50x128xf32, #tpu.memory_space<hbm>>
    %dma_wait3A_132 = tpu.memref_squeeze %dma_wait3A_131 : memref<1x50x128xf32, #tpu.memory_space<hbm>> -> memref<50x128xf32, #tpu.memory_space<hbm>>
    %dma_wait3A_133 = arith.constant 0 : i32
    %dma_wait3A_134 = arith.constant 0 : i32
    %dma_wait3A_135 = tpu.memref_slice %arg3[%dma_wait3A_125, %dma_wait3A_133, %dma_wait3A_134] : memref<4096x50x128xf32, #tpu.memory_space<hbm>> -> memref<1x50x128xf32, #tpu.memory_space<hbm>>
    %dma_wait3A_136 = tpu.memref_squeeze %dma_wait3A_135 : memref<1x50x128xf32, #tpu.memory_space<hbm>> -> memref<50x128xf32, #tpu.memory_space<hbm>>
    %dma_wait3A_137 = arith.constant 100 : i32
    %dma_wait3A_138 = arith.constant 0 : i32
    %dma_wait3A_139 = tpu.memref_slice %arg5[%dma_wait3A_137, %dma_wait3A_138] : memref<200x128xf32, #tpu.memory_space<vmem>> -> memref<50x128xf32, #tpu.memory_space<vmem>>
    tpu.wait_dma2 semaphore(%arg13 : memref<!tpu.dma_semaphore, #tpu.memory_space<semaphore_mem>>) src(%dma_wait3A_139 : memref<50x128xf32, #tpu.memory_space<vmem>>) dst(%dma_wait3A_136 : memref<50x128xf32, #tpu.memory_space<hbm>>)
    %dma_wait3A_140 = arith.constant 0 : i32
    %dma_wait3A_141 = arith.constant 150 : i32
    %dma_wait3A_142 = arith.constant 0 : i32
    %dma_wait3A_143 = tpu.memref_slice %arg5[%dma_wait3A_141, %dma_wait3A_142] : memref<200x128xf32, #tpu.memory_space<vmem>> -> memref<50x128xf32, #tpu.memory_space<vmem>>
    %dma_wait3A_144 = arith.constant 0 : i32
    %dma_wait3A_145 = arith.constant 0 : i32
    %dma_wait3A_146 = tpu.memref_slice %arg3[%dma_wait3A_140, %dma_wait3A_144, %dma_wait3A_145] : memref<4096x50x128xf32, #tpu.memory_space<hbm>> -> memref<1x50x128xf32, #tpu.memory_space<hbm>>
    %dma_wait3A_147 = tpu.memref_squeeze %dma_wait3A_146 : memref<1x50x128xf32, #tpu.memory_space<hbm>> -> memref<50x128xf32, #tpu.memory_space<hbm>>
    %dma_wait3A_148 = arith.constant 0 : i32
    %dma_wait3A_149 = arith.constant 0 : i32
    %dma_wait3A_150 = tpu.memref_slice %arg3[%dma_wait3A_140, %dma_wait3A_148, %dma_wait3A_149] : memref<4096x50x128xf32, #tpu.memory_space<hbm>> -> memref<1x50x128xf32, #tpu.memory_space<hbm>>
    %dma_wait3A_151 = tpu.memref_squeeze %dma_wait3A_150 : memref<1x50x128xf32, #tpu.memory_space<hbm>> -> memref<50x128xf32, #tpu.memory_space<hbm>>
    %dma_wait3A_152 = arith.constant 150 : i32
    %dma_wait3A_153 = arith.constant 0 : i32
    %dma_wait3A_154 = tpu.memref_slice %arg5[%dma_wait3A_152, %dma_wait3A_153] : memref<200x128xf32, #tpu.memory_space<vmem>> -> memref<50x128xf32, #tpu.memory_space<vmem>>
    tpu.wait_dma2 semaphore(%arg13 : memref<!tpu.dma_semaphore, #tpu.memory_space<semaphore_mem>>) src(%dma_wait3A_154 : memref<50x128xf32, #tpu.memory_space<vmem>>) dst(%dma_wait3A_151 : memref<50x128xf32, #tpu.memory_space<hbm>>)
    %dma_wait3A_155 = arith.constant 0 : i32
    %dma_wait3A_156 = arith.constant 0 : i32
    %dma_wait3A_157 = arith.constant 0 : i32
    %dma_wait3A_158 = tpu.memref_slice %arg6[%dma_wait3A_156, %dma_wait3A_157] : memref<200x128xf32, #tpu.memory_space<vmem>> -> memref<50x128xf32, #tpu.memory_space<vmem>>
    %dma_wait3A_159 = arith.constant 0 : i32
    %dma_wait3A_160 = arith.constant 0 : i32
    %dma_wait3A_161 = tpu.memref_slice %arg3[%dma_wait3A_155, %dma_wait3A_159, %dma_wait3A_160] : memref<4096x50x128xf32, #tpu.memory_space<hbm>> -> memref<1x50x128xf32, #tpu.memory_space<hbm>>
    %dma_wait3A_162 = tpu.memref_squeeze %dma_wait3A_161 : memref<1x50x128xf32, #tpu.memory_space<hbm>> -> memref<50x128xf32, #tpu.memory_space<hbm>>
    %dma_wait3A_163 = arith.constant 0 : i32
    %dma_wait3A_164 = arith.constant 0 : i32
    %dma_wait3A_165 = tpu.memref_slice %arg3[%dma_wait3A_155, %dma_wait3A_163, %dma_wait3A_164] : memref<4096x50x128xf32, #tpu.memory_space<hbm>> -> memref<1x50x128xf32, #tpu.memory_space<hbm>>
    %dma_wait3A_166 = tpu.memref_squeeze %dma_wait3A_165 : memref<1x50x128xf32, #tpu.memory_space<hbm>> -> memref<50x128xf32, #tpu.memory_space<hbm>>
    %dma_wait3A_167 = arith.constant 0 : i32
    %dma_wait3A_168 = arith.constant 0 : i32
    %dma_wait3A_169 = tpu.memref_slice %arg6[%dma_wait3A_167, %dma_wait3A_168] : memref<200x128xf32, #tpu.memory_space<vmem>> -> memref<50x128xf32, #tpu.memory_space<vmem>>
    tpu.wait_dma2 semaphore(%arg14 : memref<!tpu.dma_semaphore, #tpu.memory_space<semaphore_mem>>) src(%dma_wait3A_169 : memref<50x128xf32, #tpu.memory_space<vmem>>) dst(%dma_wait3A_166 : memref<50x128xf32, #tpu.memory_space<hbm>>)
    %dma_wait3A_170 = arith.constant 0 : i32
    %dma_wait3A_171 = arith.constant 50 : i32
    %dma_wait3A_172 = arith.constant 0 : i32
    %dma_wait3A_173 = tpu.memref_slice %arg6[%dma_wait3A_171, %dma_wait3A_172] : memref<200x128xf32, #tpu.memory_space<vmem>> -> memref<50x128xf32, #tpu.memory_space<vmem>>
    %dma_wait3A_174 = arith.constant 0 : i32
    %dma_wait3A_175 = arith.constant 0 : i32
    %dma_wait3A_176 = tpu.memref_slice %arg3[%dma_wait3A_170, %dma_wait3A_174, %dma_wait3A_175] : memref<4096x50x128xf32, #tpu.memory_space<hbm>> -> memref<1x50x128xf32, #tpu.memory_space<hbm>>
    %dma_wait3A_177 = tpu.memref_squeeze %dma_wait3A_176 : memref<1x50x128xf32, #tpu.memory_space<hbm>> -> memref<50x128xf32, #tpu.memory_space<hbm>>
    %dma_wait3A_178 = arith.constant 0 : i32
    %dma_wait3A_179 = arith.constant 0 : i32
    %dma_wait3A_180 = tpu.memref_slice %arg3[%dma_wait3A_170, %dma_wait3A_178, %dma_wait3A_179] : memref<4096x50x128xf32, #tpu.memory_space<hbm>> -> memref<1x50x128xf32, #tpu.memory_space<hbm>>
    %dma_wait3A_181 = tpu.memref_squeeze %dma_wait3A_180 : memref<1x50x128xf32, #tpu.memory_space<hbm>> -> memref<50x128xf32, #tpu.memory_space<hbm>>
    %dma_wait3A_182 = arith.constant 50 : i32
    %dma_wait3A_183 = arith.constant 0 : i32
    %dma_wait3A_184 = tpu.memref_slice %arg6[%dma_wait3A_182, %dma_wait3A_183] : memref<200x128xf32, #tpu.memory_space<vmem>> -> memref<50x128xf32, #tpu.memory_space<vmem>>
    tpu.wait_dma2 semaphore(%arg14 : memref<!tpu.dma_semaphore, #tpu.memory_space<semaphore_mem>>) src(%dma_wait3A_184 : memref<50x128xf32, #tpu.memory_space<vmem>>) dst(%dma_wait3A_181 : memref<50x128xf32, #tpu.memory_space<hbm>>)
    %dma_wait3A_185 = arith.constant 0 : i32
    %dma_wait3A_186 = arith.constant 100 : i32
    %dma_wait3A_187 = arith.constant 0 : i32
    %dma_wait3A_188 = tpu.memref_slice %arg6[%dma_wait3A_186, %dma_wait3A_187] : memref<200x128xf32, #tpu.memory_space<vmem>> -> memref<50x128xf32, #tpu.memory_space<vmem>>
    %dma_wait3A_189 = arith.constant 0 : i32
    %dma_wait3A_190 = arith.constant 0 : i32
    %dma_wait3A_191 = tpu.memref_slice %arg3[%dma_wait3A_185, %dma_wait3A_189, %dma_wait3A_190] : memref<4096x50x128xf32, #tpu.memory_space<hbm>> -> memref<1x50x128xf32, #tpu.memory_space<hbm>>
    %dma_wait3A_192 = tpu.memref_squeeze %dma_wait3A_191 : memref<1x50x128xf32, #tpu.memory_space<hbm>> -> memref<50x128xf32, #tpu.memory_space<hbm>>
    %dma_wait3A_193 = arith.constant 0 : i32
    %dma_wait3A_194 = arith.constant 0 : i32
    %dma_wait3A_195 = tpu.memref_slice %arg3[%dma_wait3A_185, %dma_wait3A_193, %dma_wait3A_194] : memref<4096x50x128xf32, #tpu.memory_space<hbm>> -> memref<1x50x128xf32, #tpu.memory_space<hbm>>
    %dma_wait3A_196 = tpu.memref_squeeze %dma_wait3A_195 : memref<1x50x128xf32, #tpu.memory_space<hbm>> -> memref<50x128xf32, #tpu.memory_space<hbm>>
    %dma_wait3A_197 = arith.constant 100 : i32
    %dma_wait3A_198 = arith.constant 0 : i32
    %dma_wait3A_199 = tpu.memref_slice %arg6[%dma_wait3A_197, %dma_wait3A_198] : memref<200x128xf32, #tpu.memory_space<vmem>> -> memref<50x128xf32, #tpu.memory_space<vmem>>
    tpu.wait_dma2 semaphore(%arg14 : memref<!tpu.dma_semaphore, #tpu.memory_space<semaphore_mem>>) src(%dma_wait3A_199 : memref<50x128xf32, #tpu.memory_space<vmem>>) dst(%dma_wait3A_196 : memref<50x128xf32, #tpu.memory_space<hbm>>)
    %dma_wait3A_200 = arith.constant 0 : i32
    %dma_wait3A_201 = arith.constant 150 : i32
    %dma_wait3A_202 = arith.constant 0 : i32
    %dma_wait3A_203 = tpu.memref_slice %arg6[%dma_wait3A_201, %dma_wait3A_202] : memref<200x128xf32, #tpu.memory_space<vmem>> -> memref<50x128xf32, #tpu.memory_space<vmem>>
    %dma_wait3A_204 = arith.constant 0 : i32
    %dma_wait3A_205 = arith.constant 0 : i32
    %dma_wait3A_206 = tpu.memref_slice %arg3[%dma_wait3A_200, %dma_wait3A_204, %dma_wait3A_205] : memref<4096x50x128xf32, #tpu.memory_space<hbm>> -> memref<1x50x128xf32, #tpu.memory_space<hbm>>
    %dma_wait3A_207 = tpu.memref_squeeze %dma_wait3A_206 : memref<1x50x128xf32, #tpu.memory_space<hbm>> -> memref<50x128xf32, #tpu.memory_space<hbm>>
    %dma_wait3A_208 = arith.constant 0 : i32
    %dma_wait3A_209 = arith.constant 0 : i32
    %dma_wait3A_210 = tpu.memref_slice %arg3[%dma_wait3A_200, %dma_wait3A_208, %dma_wait3A_209] : memref<4096x50x128xf32, #tpu.memory_space<hbm>> -> memref<1x50x128xf32, #tpu.memory_space<hbm>>
    %dma_wait3A_211 = tpu.memref_squeeze %dma_wait3A_210 : memref<1x50x128xf32, #tpu.memory_space<hbm>> -> memref<50x128xf32, #tpu.memory_space<hbm>>
    %dma_wait3A_212 = arith.constant 150 : i32
    %dma_wait3A_213 = arith.constant 0 : i32
    %dma_wait3A_214 = tpu.memref_slice %arg6[%dma_wait3A_212, %dma_wait3A_213] : memref<200x128xf32, #tpu.memory_space<vmem>> -> memref<50x128xf32, #tpu.memory_space<vmem>>
    tpu.wait_dma2 semaphore(%arg14 : memref<!tpu.dma_semaphore, #tpu.memory_space<semaphore_mem>>) src(%dma_wait3A_214 : memref<50x128xf32, #tpu.memory_space<vmem>>) dst(%dma_wait3A_211 : memref<50x128xf32, #tpu.memory_space<hbm>>)
    %dma_wait3A_215 = arith.constant 0 : i32
    %dma_wait3A_216 = arith.constant 0 : i32
    %dma_wait3A_217 = arith.constant 0 : i32
    %dma_wait3A_218 = tpu.memref_slice %arg7[%dma_wait3A_216, %dma_wait3A_217] : memref<200x128xf32, #tpu.memory_space<vmem>> -> memref<50x128xf32, #tpu.memory_space<vmem>>
    %dma_wait3A_219 = arith.constant 0 : i32
    %dma_wait3A_220 = arith.constant 0 : i32
    %dma_wait3A_221 = tpu.memref_slice %arg3[%dma_wait3A_215, %dma_wait3A_219, %dma_wait3A_220] : memref<4096x50x128xf32, #tpu.memory_space<hbm>> -> memref<1x50x128xf32, #tpu.memory_space<hbm>>
    %dma_wait3A_222 = tpu.memref_squeeze %dma_wait3A_221 : memref<1x50x128xf32, #tpu.memory_space<hbm>> -> memref<50x128xf32, #tpu.memory_space<hbm>>
    %dma_wait3A_223 = arith.constant 0 : i32
    %dma_wait3A_224 = arith.constant 0 : i32
    %dma_wait3A_225 = tpu.memref_slice %arg3[%dma_wait3A_215, %dma_wait3A_223, %dma_wait3A_224] : memref<4096x50x128xf32, #tpu.memory_space<hbm>> -> memref<1x50x128xf32, #tpu.memory_space<hbm>>
    %dma_wait3A_226 = tpu.memref_squeeze %dma_wait3A_225 : memref<1x50x128xf32, #tpu.memory_space<hbm>> -> memref<50x128xf32, #tpu.memory_space<hbm>>
    %dma_wait3A_227 = arith.constant 0 : i32
    %dma_wait3A_228 = arith.constant 0 : i32
    %dma_wait3A_229 = tpu.memref_slice %arg7[%dma_wait3A_227, %dma_wait3A_228] : memref<200x128xf32, #tpu.memory_space<vmem>> -> memref<50x128xf32, #tpu.memory_space<vmem>>
    tpu.wait_dma2 semaphore(%arg15 : memref<!tpu.dma_semaphore, #tpu.memory_space<semaphore_mem>>) src(%dma_wait3A_229 : memref<50x128xf32, #tpu.memory_space<vmem>>) dst(%dma_wait3A_226 : memref<50x128xf32, #tpu.memory_space<hbm>>)
    %dma_wait3A_230 = arith.constant 0 : i32
    %dma_wait3A_231 = arith.constant 50 : i32
    %dma_wait3A_232 = arith.constant 0 : i32
    %dma_wait3A_233 = tpu.memref_slice %arg7[%dma_wait3A_231, %dma_wait3A_232] : memref<200x128xf32, #tpu.memory_space<vmem>> -> memref<50x128xf32, #tpu.memory_space<vmem>>
    %dma_wait3A_234 = arith.constant 0 : i32
    %dma_wait3A_235 = arith.constant 0 : i32
    %dma_wait3A_236 = tpu.memref_slice %arg3[%dma_wait3A_230, %dma_wait3A_234, %dma_wait3A_235] : memref<4096x50x128xf32, #tpu.memory_space<hbm>> -> memref<1x50x128xf32, #tpu.memory_space<hbm>>
    %dma_wait3A_237 = tpu.memref_squeeze %dma_wait3A_236 : memref<1x50x128xf32, #tpu.memory_space<hbm>> -> memref<50x128xf32, #tpu.memory_space<hbm>>
    %dma_wait3A_238 = arith.constant 0 : i32
    %dma_wait3A_239 = arith.constant 0 : i32
    %dma_wait3A_240 = tpu.memref_slice %arg3[%dma_wait3A_230, %dma_wait3A_238, %dma_wait3A_239] : memref<4096x50x128xf32, #tpu.memory_space<hbm>> -> memref<1x50x128xf32, #tpu.memory_space<hbm>>
    %dma_wait3A_241 = tpu.memref_squeeze %dma_wait3A_240 : memref<1x50x128xf32, #tpu.memory_space<hbm>> -> memref<50x128xf32, #tpu.memory_space<hbm>>
    %dma_wait3A_242 = arith.constant 50 : i32
    %dma_wait3A_243 = arith.constant 0 : i32
    %dma_wait3A_244 = tpu.memref_slice %arg7[%dma_wait3A_242, %dma_wait3A_243] : memref<200x128xf32, #tpu.memory_space<vmem>> -> memref<50x128xf32, #tpu.memory_space<vmem>>
    tpu.wait_dma2 semaphore(%arg15 : memref<!tpu.dma_semaphore, #tpu.memory_space<semaphore_mem>>) src(%dma_wait3A_244 : memref<50x128xf32, #tpu.memory_space<vmem>>) dst(%dma_wait3A_241 : memref<50x128xf32, #tpu.memory_space<hbm>>)
    %dma_wait3A_245 = arith.constant 0 : i32
    %dma_wait3A_246 = arith.constant 100 : i32
    %dma_wait3A_247 = arith.constant 0 : i32
    %dma_wait3A_248 = tpu.memref_slice %arg7[%dma_wait3A_246, %dma_wait3A_247] : memref<200x128xf32, #tpu.memory_space<vmem>> -> memref<50x128xf32, #tpu.memory_space<vmem>>
    %dma_wait3A_249 = arith.constant 0 : i32
    %dma_wait3A_250 = arith.constant 0 : i32
    %dma_wait3A_251 = tpu.memref_slice %arg3[%dma_wait3A_245, %dma_wait3A_249, %dma_wait3A_250] : memref<4096x50x128xf32, #tpu.memory_space<hbm>> -> memref<1x50x128xf32, #tpu.memory_space<hbm>>
    %dma_wait3A_252 = tpu.memref_squeeze %dma_wait3A_251 : memref<1x50x128xf32, #tpu.memory_space<hbm>> -> memref<50x128xf32, #tpu.memory_space<hbm>>
    %dma_wait3A_253 = arith.constant 0 : i32
    %dma_wait3A_254 = arith.constant 0 : i32
    %dma_wait3A_255 = tpu.memref_slice %arg3[%dma_wait3A_245, %dma_wait3A_253, %dma_wait3A_254] : memref<4096x50x128xf32, #tpu.memory_space<hbm>> -> memref<1x50x128xf32, #tpu.memory_space<hbm>>
    %dma_wait3A_256 = tpu.memref_squeeze %dma_wait3A_255 : memref<1x50x128xf32, #tpu.memory_space<hbm>> -> memref<50x128xf32, #tpu.memory_space<hbm>>
    %dma_wait3A_257 = arith.constant 100 : i32
    %dma_wait3A_258 = arith.constant 0 : i32
    %dma_wait3A_259 = tpu.memref_slice %arg7[%dma_wait3A_257, %dma_wait3A_258] : memref<200x128xf32, #tpu.memory_space<vmem>> -> memref<50x128xf32, #tpu.memory_space<vmem>>
    tpu.wait_dma2 semaphore(%arg15 : memref<!tpu.dma_semaphore, #tpu.memory_space<semaphore_mem>>) src(%dma_wait3A_259 : memref<50x128xf32, #tpu.memory_space<vmem>>) dst(%dma_wait3A_256 : memref<50x128xf32, #tpu.memory_space<hbm>>)
    %dma_wait3A_260 = arith.constant 0 : i32
    %dma_wait3A_261 = arith.constant 150 : i32
    %dma_wait3A_262 = arith.constant 0 : i32
    %dma_wait3A_263 = tpu.memref_slice %arg7[%dma_wait3A_261, %dma_wait3A_262] : memref<200x128xf32, #tpu.memory_space<vmem>> -> memref<50x128xf32, #tpu.memory_space<vmem>>
    %dma_wait3A_264 = arith.constant 0 : i32
    %dma_wait3A_265 = arith.constant 0 : i32
    %dma_wait3A_266 = tpu.memref_slice %arg3[%dma_wait3A_260, %dma_wait3A_264, %dma_wait3A_265] : memref<4096x50x128xf32, #tpu.memory_space<hbm>> -> memref<1x50x128xf32, #tpu.memory_space<hbm>>
    %dma_wait3A_267 = tpu.memref_squeeze %dma_wait3A_266 : memref<1x50x128xf32, #tpu.memory_space<hbm>> -> memref<50x128xf32, #tpu.memory_space<hbm>>
    %dma_wait3A_268 = arith.constant 0 : i32
    %dma_wait3A_269 = arith.constant 0 : i32
    %dma_wait3A_270 = tpu.memref_slice %arg3[%dma_wait3A_260, %dma_wait3A_268, %dma_wait3A_269] : memref<4096x50x128xf32, #tpu.memory_space<hbm>> -> memref<1x50x128xf32, #tpu.memory_space<hbm>>
    %dma_wait3A_271 = tpu.memref_squeeze %dma_wait3A_270 : memref<1x50x128xf32, #tpu.memory_space<hbm>> -> memref<50x128xf32, #tpu.memory_space<hbm>>
    %dma_wait3A_272 = arith.constant 150 : i32
    %dma_wait3A_273 = arith.constant 0 : i32
    %dma_wait3A_274 = tpu.memref_slice %arg7[%dma_wait3A_272, %dma_wait3A_273] : memref<200x128xf32, #tpu.memory_space<vmem>> -> memref<50x128xf32, #tpu.memory_space<vmem>>
    tpu.wait_dma2 semaphore(%arg15 : memref<!tpu.dma_semaphore, #tpu.memory_space<semaphore_mem>>) src(%dma_wait3A_274 : memref<50x128xf32, #tpu.memory_space<vmem>>) dst(%dma_wait3A_271 : memref<50x128xf32, #tpu.memory_space<hbm>>)
    return
  }
}

#map = affine_map<(d0, d1) -> (0, 0)>
module attributes {stable_mosaic.version = 14 : i64} {
  func.func @_sc_embed(%arg0: i32, %arg1: i32, %arg2: memref<8400x128xf32, #tpu.memory_space<hbm>>, %arg3: memref<9216x128xf32, #tpu.memory_space<hbm>>, %arg4: memref<6x204800xi32, #tpu.memory_space<hbm>>, %arg5: memref<204800x128xf32, #tpu.memory_space<hbm>>, %arg6: memref<6x128xi32, #tpu.memory_space<vmem>>, %arg7: memref<6x128xi32, #tpu.memory_space<vmem>>, %arg8: memref<128xi32, #tpu.memory_space<vmem>>, %arg9: memref<128xi32, #tpu.memory_space<vmem>>, %arg10: memref<128xi32, #tpu.memory_space<vmem>>, %arg11: memref<128xi32, #tpu.memory_space<vmem>>, %arg12: memref<128x128xf32, #tpu.memory_space<vmem>>, %arg13: memref<128x128xf32, #tpu.memory_space<vmem>>, %arg14: memref<128x128xf32, #tpu.memory_space<vmem>>, %arg15: memref<128x128xf32, #tpu.memory_space<vmem>>, %arg16: memref<!tpu.dma_semaphore, #tpu.memory_space<semaphore_mem>>, %arg17: memref<!tpu.dma_semaphore, #tpu.memory_space<semaphore_mem>>, %arg18: memref<!tpu.dma_semaphore, #tpu.memory_space<semaphore_mem>>, %arg19: memref<!tpu.dma_semaphore, #tpu.memory_space<semaphore_mem>>, %arg20: memref<!tpu.dma_semaphore, #tpu.memory_space<semaphore_mem>>, %arg21: memref<!tpu.dma_semaphore, #tpu.memory_space<semaphore_mem>>, %arg22: memref<!tpu.dma_semaphore, #tpu.memory_space<semaphore_mem>>, %arg23: memref<!tpu.dma_semaphore, #tpu.memory_space<semaphore_mem>>) attributes {dimension_semantics = [#tpu.dimension_semantics<core_parallel>, #tpu.dimension_semantics<subcore_parallel>], iteration_bounds = array<i64: 2, 16>, scalar_prefetch = 0 : i64, scratch_operands = 18 : i64, tpu.core_type = #tpu.core_type<sc_vector_subcore>, window_params = [{transform_indices = #map}, {transform_indices = #map}, {transform_indices = #map}, {transform_indices = #map}]} {
    %mul3A = arith.constant 2 : i32
    %mul3A_0 = arith.muli %arg1, %mul3A : i32
    %add3A = arith.addi %mul3A_0, %arg0 : i32
    %mul3A_1 = arith.constant 6400 : i32
    %mul3A_2 = arith.muli %add3A, %mul3A_1 : i32
    %add3A_3 = arith.constant 0 : i32
    %add3A_4 = arith.addi %mul3A_2, %add3A_3 : i32
    %dma_start3A = arith.constant 0 : i32
    %dma_start3A_5 = tpu.memref_slice %arg4[%dma_start3A, %add3A_4] : memref<6x204800xi32, #tpu.memory_space<hbm>> -> memref<6x128xi32, #tpu.memory_space<hbm>>
    %dma_start3A_6 = arith.constant 0 : i32
    %dma_start3A_7 = tpu.memref_slice %arg4[%dma_start3A_6, %add3A_4] : memref<6x204800xi32, #tpu.memory_space<hbm>> -> memref<6x128xi32, #tpu.memory_space<hbm>>
    tpu.enqueue_dma source(%dma_start3A_7 : memref<6x128xi32, #tpu.memory_space<hbm>>) target(%arg6 : memref<6x128xi32, #tpu.memory_space<vmem>>) target_semaphore(%arg16 : memref<!tpu.dma_semaphore, #tpu.memory_space<semaphore_mem>>)
    %scan3A = arith.constant 0 : i32
    %scan3A_8 = arith.constant 25 : i32
    %scan3A_9 = arith.addi %scan3A, %scan3A_8 : i32
    %scan3A_10 = arith.constant 1 : i32
    scf.for %scan3A_40 = %scan3A to %scan3A_9 step %scan3A_10  : i32 {
      %mul3A_41 = arith.constant 2 : i32
      %mul3A_42 = arith.muli %scan3A_40, %mul3A_41 : i32
      %add3A_43 = arith.constant 0 : i32
      %add3A_44 = arith.addi %add3A_43, %mul3A_42 : i32
      %add3A_45 = arith.constant 0 : i32
      %add3A_46 = arith.addi %add3A_44, %add3A_45 : i32
      %dma_wait3A_47 = arith.constant 0 : i32
      %dma_wait3A_48 = arith.constant 0 : i32
      %dma_wait3A_49 = tpu.memref_slice %arg4[%dma_wait3A_47, %dma_wait3A_48] : memref<6x204800xi32, #tpu.memory_space<hbm>> -> memref<6x128xi32, #tpu.memory_space<hbm>>
      %dma_wait3A_50 = arith.constant 0 : i32
      %dma_wait3A_51 = arith.constant 0 : i32
      %dma_wait3A_52 = tpu.memref_slice %arg4[%dma_wait3A_50, %dma_wait3A_51] : memref<6x204800xi32, #tpu.memory_space<hbm>> -> memref<6x128xi32, #tpu.memory_space<hbm>>
      tpu.wait_dma2 semaphore(%arg16 : memref<!tpu.dma_semaphore, #tpu.memory_space<semaphore_mem>>) src(%dma_wait3A_52 : memref<6x128xi32, #tpu.memory_space<hbm>>) dst(%arg6 : memref<6x128xi32, #tpu.memory_space<vmem>>)
      %get3A = arith.constant 0 : i32
      %get3A_53 = arith.index_cast %get3A : i32 to index
      %get3A_54 = arith.constant 0 : index
      %get3A_55 = tpu.vector_load %arg6[%get3A_53, %get3A_54] {strides = array<i32>} : memref<6x128xi32, #tpu.memory_space<vmem>>, vector<1x16xi32>,
      %get3A_56 = vector.shape_cast %get3A_55 : vector<1x16xi32> to vector<16xi32>
      %get3A_57 = arith.constant 1 : i32
      %get3A_58 = arith.index_cast %get3A_57 : i32 to index
      %get3A_59 = arith.constant 0 : index
      %get3A_60 = tpu.vector_load %arg6[%get3A_58, %get3A_59] {strides = array<i32>} : memref<6x128xi32, #tpu.memory_space<vmem>>, vector<1x16xi32>,
      %get3A_61 = vector.shape_cast %get3A_60 : vector<1x16xi32> to vector<16xi32>
      %get3A_62 = arith.constant 2 : i32
      %get3A_63 = arith.index_cast %get3A_62 : i32 to index
      %get3A_64 = arith.constant 0 : index
      %get3A_65 = tpu.vector_load %arg6[%get3A_63, %get3A_64] {strides = array<i32>} : memref<6x128xi32, #tpu.memory_space<vmem>>, vector<1x16xi32>,
      %get3A_66 = vector.shape_cast %get3A_65 : vector<1x16xi32> to vector<16xi32>
      %get3A_67 = arith.constant 3 : i32
      %get3A_68 = arith.index_cast %get3A_67 : i32 to index
      %get3A_69 = arith.constant 0 : index
      %get3A_70 = tpu.vector_load %arg6[%get3A_68, %get3A_69] {strides = array<i32>} : memref<6x128xi32, #tpu.memory_space<vmem>>, vector<1x16xi32>,
      %get3A_71 = vector.shape_cast %get3A_70 : vector<1x16xi32> to vector<16xi32>
      %get3A_72 = arith.constant 4 : i32
      %get3A_73 = arith.index_cast %get3A_72 : i32 to index
      %get3A_74 = arith.constant 0 : index
      %get3A_75 = tpu.vector_load %arg6[%get3A_73, %get3A_74] {strides = array<i32>} : memref<6x128xi32, #tpu.memory_space<vmem>>, vector<1x16xi32>,
      %get3A_76 = vector.shape_cast %get3A_75 : vector<1x16xi32> to vector<16xi32>
      %get3A_77 = arith.constant 5 : i32
      %get3A_78 = arith.index_cast %get3A_77 : i32 to index
      %get3A_79 = arith.constant 0 : index
      %get3A_80 = tpu.vector_load %arg6[%get3A_78, %get3A_79] {strides = array<i32>} : memref<6x128xi32, #tpu.memory_space<vmem>>, vector<1x16xi32>,
      %get3A_81 = vector.shape_cast %get3A_80 : vector<1x16xi32> to vector<16xi32>
      %mul3A_82 = arith.constant 140 : i32
      %mul3A_83 = vector.broadcast %mul3A_82 : i32 to vector<16xi32>
      %mul3A_84 = arith.muli %get3A_81, %mul3A_83 : vector<16xi32>
      %mul3A_85 = arith.constant 20 : i32
      %mul3A_86 = vector.broadcast %mul3A_85 : i32 to vector<16xi32>
      %mul3A_87 = arith.muli %get3A_66, %mul3A_86 : vector<16xi32>
      %add3A_88 = arith.addi %mul3A_84, %mul3A_87 : vector<16xi32>
      %sub3A = arith.constant 2024 : i32
      %sub3A_89 = vector.broadcast %sub3A : i32 to vector<16xi32>
      %sub3A_90 = arith.subi %get3A_56, %sub3A_89 : vector<16xi32>
      %add3A_91 = arith.addi %add3A_88, %sub3A_90 : vector<16xi32>
      %swap3A = arith.constant 0 : index
      %swap3A_92 = tpu.vector_load %arg8[%swap3A] {strides = array<i32>} : memref<128xi32, #tpu.memory_space<vmem>>, vector<16xi32>,
      %swap3A_93 = vector.shape_cast %swap3A_92 : vector<16xi32> to vector<16xi32>
      %swap3A_94 = vector.shape_cast %add3A_91 : vector<16xi32> to vector<16xi32>
      tpu.vector_store %arg8[%swap3A], %swap3A_94 {strides = array<i32>} : memref<128xi32, #tpu.memory_space<vmem>>, vector<16xi32>,
      %mul3A_95 = arith.constant 384 : i32
      %mul3A_96 = vector.broadcast %mul3A_95 : i32 to vector<16xi32>
      %mul3A_97 = arith.muli %get3A_76, %mul3A_96 : vector<16xi32>
      %mul3A_98 = arith.constant 12 : i32
      %mul3A_99 = vector.broadcast %mul3A_98 : i32 to vector<16xi32>
      %mul3A_100 = arith.muli %get3A_71, %mul3A_99 : vector<16xi32>
      %add3A_101 = arith.addi %mul3A_97, %mul3A_100 : vector<16xi32>
      %add3A_102 = arith.addi %add3A_101, %get3A_61 : vector<16xi32>
      %swap3A_103 = arith.constant 0 : index
      %swap3A_104 = tpu.vector_load %arg10[%swap3A_103] {strides = array<i32>} : memref<128xi32, #tpu.memory_space<vmem>>, vector<16xi32>,
      %swap3A_105 = vector.shape_cast %swap3A_104 : vector<16xi32> to vector<16xi32>
      %swap3A_106 = vector.shape_cast %add3A_102 : vector<16xi32> to vector<16xi32>
      tpu.vector_store %arg10[%swap3A_103], %swap3A_106 {strides = array<i32>} : memref<128xi32, #tpu.memory_space<vmem>>, vector<16xi32>,
      %get3A_107 = arith.constant 0 : i32
      %get3A_108 = arith.index_cast %get3A_107 : i32 to index
      %get3A_109 = arith.constant 16 : index
      %get3A_110 = tpu.vector_load %arg6[%get3A_108, %get3A_109] {strides = array<i32>} : memref<6x128xi32, #tpu.memory_space<vmem>>, vector<1x16xi32>,
      %get3A_111 = vector.shape_cast %get3A_110 : vector<1x16xi32> to vector<16xi32>
      %get3A_112 = arith.constant 1 : i32
      %get3A_113 = arith.index_cast %get3A_112 : i32 to index
      %get3A_114 = arith.constant 16 : index
      %get3A_115 = tpu.vector_load %arg6[%get3A_113, %get3A_114] {strides = array<i32>} : memref<6x128xi32, #tpu.memory_space<vmem>>, vector<1x16xi32>,
      %get3A_116 = vector.shape_cast %get3A_115 : vector<1x16xi32> to vector<16xi32>
      %get3A_117 = arith.constant 2 : i32
      %get3A_118 = arith.index_cast %get3A_117 : i32 to index
      %get3A_119 = arith.constant 16 : index
      %get3A_120 = tpu.vector_load %arg6[%get3A_118, %get3A_119] {strides = array<i32>} : memref<6x128xi32, #tpu.memory_space<vmem>>, vector<1x16xi32>,
      %get3A_121 = vector.shape_cast %get3A_120 : vector<1x16xi32> to vector<16xi32>
      %get3A_122 = arith.constant 3 : i32
      %get3A_123 = arith.index_cast %get3A_122 : i32 to index
      %get3A_124 = arith.constant 16 : index
      %get3A_125 = tpu.vector_load %arg6[%get3A_123, %get3A_124] {strides = array<i32>} : memref<6x128xi32, #tpu.memory_space<vmem>>, vector<1x16xi32>,
      %get3A_126 = vector.shape_cast %get3A_125 : vector<1x16xi32> to vector<16xi32>
      %get3A_127 = arith.constant 4 : i32
      %get3A_128 = arith.index_cast %get3A_127 : i32 to index
      %get3A_129 = arith.constant 16 : index
      %get3A_130 = tpu.vector_load %arg6[%get3A_128, %get3A_129] {strides = array<i32>} : memref<6x128xi32, #tpu.memory_space<vmem>>, vector<1x16xi32>,
      %get3A_131 = vector.shape_cast %get3A_130 : vector<1x16xi32> to vector<16xi32>
      %get3A_132 = arith.constant 5 : i32
      %get3A_133 = arith.index_cast %get3A_132 : i32 to index
      %get3A_134 = arith.constant 16 : index
      %get3A_135 = tpu.vector_load %arg6[%get3A_133, %get3A_134] {strides = array<i32>} : memref<6x128xi32, #tpu.memory_space<vmem>>, vector<1x16xi32>,
      %get3A_136 = vector.shape_cast %get3A_135 : vector<1x16xi32> to vector<16xi32>
      %mul3A_137 = arith.constant 140 : i32
      %mul3A_138 = vector.broadcast %mul3A_137 : i32 to vector<16xi32>
      %mul3A_139 = arith.muli %get3A_136, %mul3A_138 : vector<16xi32>
      %mul3A_140 = arith.constant 20 : i32
      %mul3A_141 = vector.broadcast %mul3A_140 : i32 to vector<16xi32>
      %mul3A_142 = arith.muli %get3A_121, %mul3A_141 : vector<16xi32>
      %add3A_143 = arith.addi %mul3A_139, %mul3A_142 : vector<16xi32>
      %sub3A_144 = arith.constant 2024 : i32
      %sub3A_145 = vector.broadcast %sub3A_144 : i32 to vector<16xi32>
      %sub3A_146 = arith.subi %get3A_111, %sub3A_145 : vector<16xi32>
      %add3A_147 = arith.addi %add3A_143, %sub3A_146 : vector<16xi32>
      %swap3A_148 = arith.constant 16 : index
      %swap3A_149 = tpu.vector_load %arg8[%swap3A_148] {strides = array<i32>} : memref<128xi32, #tpu.memory_space<vmem>>, vector<16xi32>,
      %swap3A_150 = vector.shape_cast %swap3A_149 : vector<16xi32> to vector<16xi32>
      %swap3A_151 = vector.shape_cast %add3A_147 : vector<16xi32> to vector<16xi32>
      tpu.vector_store %arg8[%swap3A_148], %swap3A_151 {strides = array<i32>} : memref<128xi32, #tpu.memory_space<vmem>>, vector<16xi32>,
      %mul3A_152 = arith.constant 384 : i32
      %mul3A_153 = vector.broadcast %mul3A_152 : i32 to vector<16xi32>
      %mul3A_154 = arith.muli %get3A_131, %mul3A_153 : vector<16xi32>
      %mul3A_155 = arith.constant 12 : i32
      %mul3A_156 = vector.broadcast %mul3A_155 : i32 to vector<16xi32>
      %mul3A_157 = arith.muli %get3A_126, %mul3A_156 : vector<16xi32>
      %add3A_158 = arith.addi %mul3A_154, %mul3A_157 : vector<16xi32>
      %add3A_159 = arith.addi %add3A_158, %get3A_116 : vector<16xi32>
      %swap3A_160 = arith.constant 16 : index
      %swap3A_161 = tpu.vector_load %arg10[%swap3A_160] {strides = array<i32>} : memref<128xi32, #tpu.memory_space<vmem>>, vector<16xi32>,
      %swap3A_162 = vector.shape_cast %swap3A_161 : vector<16xi32> to vector<16xi32>
      %swap3A_163 = vector.shape_cast %add3A_159 : vector<16xi32> to vector<16xi32>
      tpu.vector_store %arg10[%swap3A_160], %swap3A_163 {strides = array<i32>} : memref<128xi32, #tpu.memory_space<vmem>>, vector<16xi32>,
      %get3A_164 = arith.constant 0 : i32
      %get3A_165 = arith.index_cast %get3A_164 : i32 to index
      %get3A_166 = arith.constant 32 : index
      %get3A_167 = tpu.vector_load %arg6[%get3A_165, %get3A_166] {strides = array<i32>} : memref<6x128xi32, #tpu.memory_space<vmem>>, vector<1x16xi32>,
      %get3A_168 = vector.shape_cast %get3A_167 : vector<1x16xi32> to vector<16xi32>
      %get3A_169 = arith.constant 1 : i32
      %get3A_170 = arith.index_cast %get3A_169 : i32 to index
      %get3A_171 = arith.constant 32 : index
      %get3A_172 = tpu.vector_load %arg6[%get3A_170, %get3A_171] {strides = array<i32>} : memref<6x128xi32, #tpu.memory_space<vmem>>, vector<1x16xi32>,
      %get3A_173 = vector.shape_cast %get3A_172 : vector<1x16xi32> to vector<16xi32>
      %get3A_174 = arith.constant 2 : i32
      %get3A_175 = arith.index_cast %get3A_174 : i32 to index
      %get3A_176 = arith.constant 32 : index
      %get3A_177 = tpu.vector_load %arg6[%get3A_175, %get3A_176] {strides = array<i32>} : memref<6x128xi32, #tpu.memory_space<vmem>>, vector<1x16xi32>,
      %get3A_178 = vector.shape_cast %get3A_177 : vector<1x16xi32> to vector<16xi32>
      %get3A_179 = arith.constant 3 : i32
      %get3A_180 = arith.index_cast %get3A_179 : i32 to index
      %get3A_181 = arith.constant 32 : index
      %get3A_182 = tpu.vector_load %arg6[%get3A_180, %get3A_181] {strides = array<i32>} : memref<6x128xi32, #tpu.memory_space<vmem>>, vector<1x16xi32>,
      %get3A_183 = vector.shape_cast %get3A_182 : vector<1x16xi32> to vector<16xi32>
      %get3A_184 = arith.constant 4 : i32
      %get3A_185 = arith.index_cast %get3A_184 : i32 to index
      %get3A_186 = arith.constant 32 : index
      %get3A_187 = tpu.vector_load %arg6[%get3A_185, %get3A_186] {strides = array<i32>} : memref<6x128xi32, #tpu.memory_space<vmem>>, vector<1x16xi32>,
      %get3A_188 = vector.shape_cast %get3A_187 : vector<1x16xi32> to vector<16xi32>
      %get3A_189 = arith.constant 5 : i32
      %get3A_190 = arith.index_cast %get3A_189 : i32 to index
      %get3A_191 = arith.constant 32 : index
      %get3A_192 = tpu.vector_load %arg6[%get3A_190, %get3A_191] {strides = array<i32>} : memref<6x128xi32, #tpu.memory_space<vmem>>, vector<1x16xi32>,
      %get3A_193 = vector.shape_cast %get3A_192 : vector<1x16xi32> to vector<16xi32>
      %mul3A_194 = arith.constant 140 : i32
      %mul3A_195 = vector.broadcast %mul3A_194 : i32 to vector<16xi32>
      %mul3A_196 = arith.muli %get3A_193, %mul3A_195 : vector<16xi32>
      %mul3A_197 = arith.constant 20 : i32
      %mul3A_198 = vector.broadcast %mul3A_197 : i32 to vector<16xi32>
      %mul3A_199 = arith.muli %get3A_178, %mul3A_198 : vector<16xi32>
      %add3A_200 = arith.addi %mul3A_196, %mul3A_199 : vector<16xi32>
      %sub3A_201 = arith.constant 2024 : i32
      %sub3A_202 = vector.broadcast %sub3A_201 : i32 to vector<16xi32>
      %sub3A_203 = arith.subi %get3A_168, %sub3A_202 : vector<16xi32>
      %add3A_204 = arith.addi %add3A_200, %sub3A_203 : vector<16xi32>
      %swap3A_205 = arith.constant 32 : index
      %swap3A_206 = tpu.vector_load %arg8[%swap3A_205] {strides = array<i32>} : memref<128xi32, #tpu.memory_space<vmem>>, vector<16xi32>,
      %swap3A_207 = vector.shape_cast %swap3A_206 : vector<16xi32> to vector<16xi32>
      %swap3A_208 = vector.shape_cast %add3A_204 : vector<16xi32> to vector<16xi32>
      tpu.vector_store %arg8[%swap3A_205], %swap3A_208 {strides = array<i32>} : memref<128xi32, #tpu.memory_space<vmem>>, vector<16xi32>,
      %mul3A_209 = arith.constant 384 : i32
      %mul3A_210 = vector.broadcast %mul3A_209 : i32 to vector<16xi32>
      %mul3A_211 = arith.muli %get3A_188, %mul3A_210 : vector<16xi32>
      %mul3A_212 = arith.constant 12 : i32
      %mul3A_213 = vector.broadcast %mul3A_212 : i32 to vector<16xi32>
      %mul3A_214 = arith.muli %get3A_183, %mul3A_213 : vector<16xi32>
      %add3A_215 = arith.addi %mul3A_211, %mul3A_214 : vector<16xi32>
      %add3A_216 = arith.addi %add3A_215, %get3A_173 : vector<16xi32>
      %swap3A_217 = arith.constant 32 : index
      %swap3A_218 = tpu.vector_load %arg10[%swap3A_217] {strides = array<i32>} : memref<128xi32, #tpu.memory_space<vmem>>, vector<16xi32>,
      %swap3A_219 = vector.shape_cast %swap3A_218 : vector<16xi32> to vector<16xi32>
      %swap3A_220 = vector.shape_cast %add3A_216 : vector<16xi32> to vector<16xi32>
      tpu.vector_store %arg10[%swap3A_217], %swap3A_220 {strides = array<i32>} : memref<128xi32, #tpu.memory_space<vmem>>, vector<16xi32>,
      %get3A_221 = arith.constant 0 : i32
      %get3A_222 = arith.index_cast %get3A_221 : i32 to index
      %get3A_223 = arith.constant 48 : index
      %get3A_224 = tpu.vector_load %arg6[%get3A_222, %get3A_223] {strides = array<i32>} : memref<6x128xi32, #tpu.memory_space<vmem>>, vector<1x16xi32>,
      %get3A_225 = vector.shape_cast %get3A_224 : vector<1x16xi32> to vector<16xi32>
      %get3A_226 = arith.constant 1 : i32
      %get3A_227 = arith.index_cast %get3A_226 : i32 to index
      %get3A_228 = arith.constant 48 : index
      %get3A_229 = tpu.vector_load %arg6[%get3A_227, %get3A_228] {strides = array<i32>} : memref<6x128xi32, #tpu.memory_space<vmem>>, vector<1x16xi32>,
      %get3A_230 = vector.shape_cast %get3A_229 : vector<1x16xi32> to vector<16xi32>
      %get3A_231 = arith.constant 2 : i32
      %get3A_232 = arith.index_cast %get3A_231 : i32 to index
      %get3A_233 = arith.constant 48 : index
      %get3A_234 = tpu.vector_load %arg6[%get3A_232, %get3A_233] {strides = array<i32>} : memref<6x128xi32, #tpu.memory_space<vmem>>, vector<1x16xi32>,
      %get3A_235 = vector.shape_cast %get3A_234 : vector<1x16xi32> to vector<16xi32>
      %get3A_236 = arith.constant 3 : i32
      %get3A_237 = arith.index_cast %get3A_236 : i32 to index
      %get3A_238 = arith.constant 48 : index
      %get3A_239 = tpu.vector_load %arg6[%get3A_237, %get3A_238] {strides = array<i32>} : memref<6x128xi32, #tpu.memory_space<vmem>>, vector<1x16xi32>,
      %get3A_240 = vector.shape_cast %get3A_239 : vector<1x16xi32> to vector<16xi32>
      %get3A_241 = arith.constant 4 : i32
      %get3A_242 = arith.index_cast %get3A_241 : i32 to index
      %get3A_243 = arith.constant 48 : index
      %get3A_244 = tpu.vector_load %arg6[%get3A_242, %get3A_243] {strides = array<i32>} : memref<6x128xi32, #tpu.memory_space<vmem>>, vector<1x16xi32>,
      %get3A_245 = vector.shape_cast %get3A_244 : vector<1x16xi32> to vector<16xi32>
      %get3A_246 = arith.constant 5 : i32
      %get3A_247 = arith.index_cast %get3A_246 : i32 to index
      %get3A_248 = arith.constant 48 : index
      %get3A_249 = tpu.vector_load %arg6[%get3A_247, %get3A_248] {strides = array<i32>} : memref<6x128xi32, #tpu.memory_space<vmem>>, vector<1x16xi32>,
      %get3A_250 = vector.shape_cast %get3A_249 : vector<1x16xi32> to vector<16xi32>
      %mul3A_251 = arith.constant 140 : i32
      %mul3A_252 = vector.broadcast %mul3A_251 : i32 to vector<16xi32>
      %mul3A_253 = arith.muli %get3A_250, %mul3A_252 : vector<16xi32>
      %mul3A_254 = arith.constant 20 : i32
      %mul3A_255 = vector.broadcast %mul3A_254 : i32 to vector<16xi32>
      %mul3A_256 = arith.muli %get3A_235, %mul3A_255 : vector<16xi32>
      %add3A_257 = arith.addi %mul3A_253, %mul3A_256 : vector<16xi32>
      %sub3A_258 = arith.constant 2024 : i32
      %sub3A_259 = vector.broadcast %sub3A_258 : i32 to vector<16xi32>
      %sub3A_260 = arith.subi %get3A_225, %sub3A_259 : vector<16xi32>
      %add3A_261 = arith.addi %add3A_257, %sub3A_260 : vector<16xi32>
      %swap3A_262 = arith.constant 48 : index
      %swap3A_263 = tpu.vector_load %arg8[%swap3A_262] {strides = array<i32>} : memref<128xi32, #tpu.memory_space<vmem>>, vector<16xi32>,
      %swap3A_264 = vector.shape_cast %swap3A_263 : vector<16xi32> to vector<16xi32>
      %swap3A_265 = vector.shape_cast %add3A_261 : vector<16xi32> to vector<16xi32>
      tpu.vector_store %arg8[%swap3A_262], %swap3A_265 {strides = array<i32>} : memref<128xi32, #tpu.memory_space<vmem>>, vector<16xi32>,
      %mul3A_266 = arith.constant 384 : i32
      %mul3A_267 = vector.broadcast %mul3A_266 : i32 to vector<16xi32>
      %mul3A_268 = arith.muli %get3A_245, %mul3A_267 : vector<16xi32>
      %mul3A_269 = arith.constant 12 : i32
      %mul3A_270 = vector.broadcast %mul3A_269 : i32 to vector<16xi32>
      %mul3A_271 = arith.muli %get3A_240, %mul3A_270 : vector<16xi32>
      %add3A_272 = arith.addi %mul3A_268, %mul3A_271 : vector<16xi32>
      %add3A_273 = arith.addi %add3A_272, %get3A_230 : vector<16xi32>
      %swap3A_274 = arith.constant 48 : index
      %swap3A_275 = tpu.vector_load %arg10[%swap3A_274] {strides = array<i32>} : memref<128xi32, #tpu.memory_space<vmem>>, vector<16xi32>,
      %swap3A_276 = vector.shape_cast %swap3A_275 : vector<16xi32> to vector<16xi32>
      %swap3A_277 = vector.shape_cast %add3A_273 : vector<16xi32> to vector<16xi32>
      tpu.vector_store %arg10[%swap3A_274], %swap3A_277 {strides = array<i32>} : memref<128xi32, #tpu.memory_space<vmem>>, vector<16xi32>,
      %get3A_278 = arith.constant 0 : i32
      %get3A_279 = arith.index_cast %get3A_278 : i32 to index
      %get3A_280 = arith.constant 64 : index
      %get3A_281 = tpu.vector_load %arg6[%get3A_279, %get3A_280] {strides = array<i32>} : memref<6x128xi32, #tpu.memory_space<vmem>>, vector<1x16xi32>,
      %get3A_282 = vector.shape_cast %get3A_281 : vector<1x16xi32> to vector<16xi32>
      %get3A_283 = arith.constant 1 : i32
      %get3A_284 = arith.index_cast %get3A_283 : i32 to index
      %get3A_285 = arith.constant 64 : index
      %get3A_286 = tpu.vector_load %arg6[%get3A_284, %get3A_285] {strides = array<i32>} : memref<6x128xi32, #tpu.memory_space<vmem>>, vector<1x16xi32>,
      %get3A_287 = vector.shape_cast %get3A_286 : vector<1x16xi32> to vector<16xi32>
      %get3A_288 = arith.constant 2 : i32
      %get3A_289 = arith.index_cast %get3A_288 : i32 to index
      %get3A_290 = arith.constant 64 : index
      %get3A_291 = tpu.vector_load %arg6[%get3A_289, %get3A_290] {strides = array<i32>} : memref<6x128xi32, #tpu.memory_space<vmem>>, vector<1x16xi32>,
      %get3A_292 = vector.shape_cast %get3A_291 : vector<1x16xi32> to vector<16xi32>
      %get3A_293 = arith.constant 3 : i32
      %get3A_294 = arith.index_cast %get3A_293 : i32 to index
      %get3A_295 = arith.constant 64 : index
      %get3A_296 = tpu.vector_load %arg6[%get3A_294, %get3A_295] {strides = array<i32>} : memref<6x128xi32, #tpu.memory_space<vmem>>, vector<1x16xi32>,
      %get3A_297 = vector.shape_cast %get3A_296 : vector<1x16xi32> to vector<16xi32>
      %get3A_298 = arith.constant 4 : i32
      %get3A_299 = arith.index_cast %get3A_298 : i32 to index
      %get3A_300 = arith.constant 64 : index
      %get3A_301 = tpu.vector_load %arg6[%get3A_299, %get3A_300] {strides = array<i32>} : memref<6x128xi32, #tpu.memory_space<vmem>>, vector<1x16xi32>,
      %get3A_302 = vector.shape_cast %get3A_301 : vector<1x16xi32> to vector<16xi32>
      %get3A_303 = arith.constant 5 : i32
      %get3A_304 = arith.index_cast %get3A_303 : i32 to index
      %get3A_305 = arith.constant 64 : index
      %get3A_306 = tpu.vector_load %arg6[%get3A_304, %get3A_305] {strides = array<i32>} : memref<6x128xi32, #tpu.memory_space<vmem>>, vector<1x16xi32>,
      %get3A_307 = vector.shape_cast %get3A_306 : vector<1x16xi32> to vector<16xi32>
      %mul3A_308 = arith.constant 140 : i32
      %mul3A_309 = vector.broadcast %mul3A_308 : i32 to vector<16xi32>
      %mul3A_310 = arith.muli %get3A_307, %mul3A_309 : vector<16xi32>
      %mul3A_311 = arith.constant 20 : i32
      %mul3A_312 = vector.broadcast %mul3A_311 : i32 to vector<16xi32>
      %mul3A_313 = arith.muli %get3A_292, %mul3A_312 : vector<16xi32>
      %add3A_314 = arith.addi %mul3A_310, %mul3A_313 : vector<16xi32>
      %sub3A_315 = arith.constant 2024 : i32
      %sub3A_316 = vector.broadcast %sub3A_315 : i32 to vector<16xi32>
      %sub3A_317 = arith.subi %get3A_282, %sub3A_316 : vector<16xi32>
      %add3A_318 = arith.addi %add3A_314, %sub3A_317 : vector<16xi32>
      %swap3A_319 = arith.constant 64 : index
      %swap3A_320 = tpu.vector_load %arg8[%swap3A_319] {strides = array<i32>} : memref<128xi32, #tpu.memory_space<vmem>>, vector<16xi32>,
      %swap3A_321 = vector.shape_cast %swap3A_320 : vector<16xi32> to vector<16xi32>
      %swap3A_322 = vector.shape_cast %add3A_318 : vector<16xi32> to vector<16xi32>
      tpu.vector_store %arg8[%swap3A_319], %swap3A_322 {strides = array<i32>} : memref<128xi32, #tpu.memory_space<vmem>>, vector<16xi32>,
      %mul3A_323 = arith.constant 384 : i32
      %mul3A_324 = vector.broadcast %mul3A_323 : i32 to vector<16xi32>
      %mul3A_325 = arith.muli %get3A_302, %mul3A_324 : vector<16xi32>
      %mul3A_326 = arith.constant 12 : i32
      %mul3A_327 = vector.broadcast %mul3A_326 : i32 to vector<16xi32>
      %mul3A_328 = arith.muli %get3A_297, %mul3A_327 : vector<16xi32>
      %add3A_329 = arith.addi %mul3A_325, %mul3A_328 : vector<16xi32>
      %add3A_330 = arith.addi %add3A_329, %get3A_287 : vector<16xi32>
      %swap3A_331 = arith.constant 64 : index
      %swap3A_332 = tpu.vector_load %arg10[%swap3A_331] {strides = array<i32>} : memref<128xi32, #tpu.memory_space<vmem>>, vector<16xi32>,
      %swap3A_333 = vector.shape_cast %swap3A_332 : vector<16xi32> to vector<16xi32>
      %swap3A_334 = vector.shape_cast %add3A_330 : vector<16xi32> to vector<16xi32>
      tpu.vector_store %arg10[%swap3A_331], %swap3A_334 {strides = array<i32>} : memref<128xi32, #tpu.memory_space<vmem>>, vector<16xi32>,
      %get3A_335 = arith.constant 0 : i32
      %get3A_336 = arith.index_cast %get3A_335 : i32 to index
      %get3A_337 = arith.constant 80 : index
      %get3A_338 = tpu.vector_load %arg6[%get3A_336, %get3A_337] {strides = array<i32>} : memref<6x128xi32, #tpu.memory_space<vmem>>, vector<1x16xi32>,
      %get3A_339 = vector.shape_cast %get3A_338 : vector<1x16xi32> to vector<16xi32>
      %get3A_340 = arith.constant 1 : i32
      %get3A_341 = arith.index_cast %get3A_340 : i32 to index
      %get3A_342 = arith.constant 80 : index
      %get3A_343 = tpu.vector_load %arg6[%get3A_341, %get3A_342] {strides = array<i32>} : memref<6x128xi32, #tpu.memory_space<vmem>>, vector<1x16xi32>,
      %get3A_344 = vector.shape_cast %get3A_343 : vector<1x16xi32> to vector<16xi32>
      %get3A_345 = arith.constant 2 : i32
      %get3A_346 = arith.index_cast %get3A_345 : i32 to index
      %get3A_347 = arith.constant 80 : index
      %get3A_348 = tpu.vector_load %arg6[%get3A_346, %get3A_347] {strides = array<i32>} : memref<6x128xi32, #tpu.memory_space<vmem>>, vector<1x16xi32>,
      %get3A_349 = vector.shape_cast %get3A_348 : vector<1x16xi32> to vector<16xi32>
      %get3A_350 = arith.constant 3 : i32
      %get3A_351 = arith.index_cast %get3A_350 : i32 to index
      %get3A_352 = arith.constant 80 : index
      %get3A_353 = tpu.vector_load %arg6[%get3A_351, %get3A_352] {strides = array<i32>} : memref<6x128xi32, #tpu.memory_space<vmem>>, vector<1x16xi32>,
      %get3A_354 = vector.shape_cast %get3A_353 : vector<1x16xi32> to vector<16xi32>
      %get3A_355 = arith.constant 4 : i32
      %get3A_356 = arith.index_cast %get3A_355 : i32 to index
      %get3A_357 = arith.constant 80 : index
      %get3A_358 = tpu.vector_load %arg6[%get3A_356, %get3A_357] {strides = array<i32>} : memref<6x128xi32, #tpu.memory_space<vmem>>, vector<1x16xi32>,
      %get3A_359 = vector.shape_cast %get3A_358 : vector<1x16xi32> to vector<16xi32>
      %get3A_360 = arith.constant 5 : i32
      %get3A_361 = arith.index_cast %get3A_360 : i32 to index
      %get3A_362 = arith.constant 80 : index
      %get3A_363 = tpu.vector_load %arg6[%get3A_361, %get3A_362] {strides = array<i32>} : memref<6x128xi32, #tpu.memory_space<vmem>>, vector<1x16xi32>,
      %get3A_364 = vector.shape_cast %get3A_363 : vector<1x16xi32> to vector<16xi32>
      %mul3A_365 = arith.constant 140 : i32
      %mul3A_366 = vector.broadcast %mul3A_365 : i32 to vector<16xi32>
      %mul3A_367 = arith.muli %get3A_364, %mul3A_366 : vector<16xi32>
      %mul3A_368 = arith.constant 20 : i32
      %mul3A_369 = vector.broadcast %mul3A_368 : i32 to vector<16xi32>
      %mul3A_370 = arith.muli %get3A_349, %mul3A_369 : vector<16xi32>
      %add3A_371 = arith.addi %mul3A_367, %mul3A_370 : vector<16xi32>
      %sub3A_372 = arith.constant 2024 : i32
      %sub3A_373 = vector.broadcast %sub3A_372 : i32 to vector<16xi32>
      %sub3A_374 = arith.subi %get3A_339, %sub3A_373 : vector<16xi32>
      %add3A_375 = arith.addi %add3A_371, %sub3A_374 : vector<16xi32>
      %swap3A_376 = arith.constant 80 : index
      %swap3A_377 = tpu.vector_load %arg8[%swap3A_376] {strides = array<i32>} : memref<128xi32, #tpu.memory_space<vmem>>, vector<16xi32>,
      %swap3A_378 = vector.shape_cast %swap3A_377 : vector<16xi32> to vector<16xi32>
      %swap3A_379 = vector.shape_cast %add3A_375 : vector<16xi32> to vector<16xi32>
      tpu.vector_store %arg8[%swap3A_376], %swap3A_379 {strides = array<i32>} : memref<128xi32, #tpu.memory_space<vmem>>, vector<16xi32>,
      %mul3A_380 = arith.constant 384 : i32
      %mul3A_381 = vector.broadcast %mul3A_380 : i32 to vector<16xi32>
      %mul3A_382 = arith.muli %get3A_359, %mul3A_381 : vector<16xi32>
      %mul3A_383 = arith.constant 12 : i32
      %mul3A_384 = vector.broadcast %mul3A_383 : i32 to vector<16xi32>
      %mul3A_385 = arith.muli %get3A_354, %mul3A_384 : vector<16xi32>
      %add3A_386 = arith.addi %mul3A_382, %mul3A_385 : vector<16xi32>
      %add3A_387 = arith.addi %add3A_386, %get3A_344 : vector<16xi32>
      %swap3A_388 = arith.constant 80 : index
      %swap3A_389 = tpu.vector_load %arg10[%swap3A_388] {strides = array<i32>} : memref<128xi32, #tpu.memory_space<vmem>>, vector<16xi32>,
      %swap3A_390 = vector.shape_cast %swap3A_389 : vector<16xi32> to vector<16xi32>
      %swap3A_391 = vector.shape_cast %add3A_387 : vector<16xi32> to vector<16xi32>
      tpu.vector_store %arg10[%swap3A_388], %swap3A_391 {strides = array<i32>} : memref<128xi32, #tpu.memory_space<vmem>>, vector<16xi32>,
      %get3A_392 = arith.constant 0 : i32
      %get3A_393 = arith.index_cast %get3A_392 : i32 to index
      %get3A_394 = arith.constant 96 : index
      %get3A_395 = tpu.vector_load %arg6[%get3A_393, %get3A_394] {strides = array<i32>} : memref<6x128xi32, #tpu.memory_space<vmem>>, vector<1x16xi32>,
      %get3A_396 = vector.shape_cast %get3A_395 : vector<1x16xi32> to vector<16xi32>
      %get3A_397 = arith.constant 1 : i32
      %get3A_398 = arith.index_cast %get3A_397 : i32 to index
      %get3A_399 = arith.constant 96 : index
      %get3A_400 = tpu.vector_load %arg6[%get3A_398, %get3A_399] {strides = array<i32>} : memref<6x128xi32, #tpu.memory_space<vmem>>, vector<1x16xi32>,
      %get3A_401 = vector.shape_cast %get3A_400 : vector<1x16xi32> to vector<16xi32>
      %get3A_402 = arith.constant 2 : i32
      %get3A_403 = arith.index_cast %get3A_402 : i32 to index
      %get3A_404 = arith.constant 96 : index
      %get3A_405 = tpu.vector_load %arg6[%get3A_403, %get3A_404] {strides = array<i32>} : memref<6x128xi32, #tpu.memory_space<vmem>>, vector<1x16xi32>,
      %get3A_406 = vector.shape_cast %get3A_405 : vector<1x16xi32> to vector<16xi32>
      %get3A_407 = arith.constant 3 : i32
      %get3A_408 = arith.index_cast %get3A_407 : i32 to index
      %get3A_409 = arith.constant 96 : index
      %get3A_410 = tpu.vector_load %arg6[%get3A_408, %get3A_409] {strides = array<i32>} : memref<6x128xi32, #tpu.memory_space<vmem>>, vector<1x16xi32>,
      %get3A_411 = vector.shape_cast %get3A_410 : vector<1x16xi32> to vector<16xi32>
      %get3A_412 = arith.constant 4 : i32
      %get3A_413 = arith.index_cast %get3A_412 : i32 to index
      %get3A_414 = arith.constant 96 : index
      %get3A_415 = tpu.vector_load %arg6[%get3A_413, %get3A_414] {strides = array<i32>} : memref<6x128xi32, #tpu.memory_space<vmem>>, vector<1x16xi32>,
      %get3A_416 = vector.shape_cast %get3A_415 : vector<1x16xi32> to vector<16xi32>
      %get3A_417 = arith.constant 5 : i32
      %get3A_418 = arith.index_cast %get3A_417 : i32 to index
      %get3A_419 = arith.constant 96 : index
      %get3A_420 = tpu.vector_load %arg6[%get3A_418, %get3A_419] {strides = array<i32>} : memref<6x128xi32, #tpu.memory_space<vmem>>, vector<1x16xi32>,
      %get3A_421 = vector.shape_cast %get3A_420 : vector<1x16xi32> to vector<16xi32>
      %mul3A_422 = arith.constant 140 : i32
      %mul3A_423 = vector.broadcast %mul3A_422 : i32 to vector<16xi32>
      %mul3A_424 = arith.muli %get3A_421, %mul3A_423 : vector<16xi32>
      %mul3A_425 = arith.constant 20 : i32
      %mul3A_426 = vector.broadcast %mul3A_425 : i32 to vector<16xi32>
      %mul3A_427 = arith.muli %get3A_406, %mul3A_426 : vector<16xi32>
      %add3A_428 = arith.addi %mul3A_424, %mul3A_427 : vector<16xi32>
      %sub3A_429 = arith.constant 2024 : i32
      %sub3A_430 = vector.broadcast %sub3A_429 : i32 to vector<16xi32>
      %sub3A_431 = arith.subi %get3A_396, %sub3A_430 : vector<16xi32>
      %add3A_432 = arith.addi %add3A_428, %sub3A_431 : vector<16xi32>
      %swap3A_433 = arith.constant 96 : index
      %swap3A_434 = tpu.vector_load %arg8[%swap3A_433] {strides = array<i32>} : memref<128xi32, #tpu.memory_space<vmem>>, vector<16xi32>,
      %swap3A_435 = vector.shape_cast %swap3A_434 : vector<16xi32> to vector<16xi32>
      %swap3A_436 = vector.shape_cast %add3A_432 : vector<16xi32> to vector<16xi32>
      tpu.vector_store %arg8[%swap3A_433], %swap3A_436 {strides = array<i32>} : memref<128xi32, #tpu.memory_space<vmem>>, vector<16xi32>,
      %mul3A_437 = arith.constant 384 : i32
      %mul3A_438 = vector.broadcast %mul3A_437 : i32 to vector<16xi32>
      %mul3A_439 = arith.muli %get3A_416, %mul3A_438 : vector<16xi32>
      %mul3A_440 = arith.constant 12 : i32
      %mul3A_441 = vector.broadcast %mul3A_440 : i32 to vector<16xi32>
      %mul3A_442 = arith.muli %get3A_411, %mul3A_441 : vector<16xi32>
      %add3A_443 = arith.addi %mul3A_439, %mul3A_442 : vector<16xi32>
      %add3A_444 = arith.addi %add3A_443, %get3A_401 : vector<16xi32>
      %swap3A_445 = arith.constant 96 : index
      %swap3A_446 = tpu.vector_load %arg10[%swap3A_445] {strides = array<i32>} : memref<128xi32, #tpu.memory_space<vmem>>, vector<16xi32>,
      %swap3A_447 = vector.shape_cast %swap3A_446 : vector<16xi32> to vector<16xi32>
      %swap3A_448 = vector.shape_cast %add3A_444 : vector<16xi32> to vector<16xi32>
      tpu.vector_store %arg10[%swap3A_445], %swap3A_448 {strides = array<i32>} : memref<128xi32, #tpu.memory_space<vmem>>, vector<16xi32>,
      %get3A_449 = arith.constant 0 : i32
      %get3A_450 = arith.index_cast %get3A_449 : i32 to index
      %get3A_451 = arith.constant 112 : index
      %get3A_452 = tpu.vector_load %arg6[%get3A_450, %get3A_451] {strides = array<i32>} : memref<6x128xi32, #tpu.memory_space<vmem>>, vector<1x16xi32>,
      %get3A_453 = vector.shape_cast %get3A_452 : vector<1x16xi32> to vector<16xi32>
      %get3A_454 = arith.constant 1 : i32
      %get3A_455 = arith.index_cast %get3A_454 : i32 to index
      %get3A_456 = arith.constant 112 : index
      %get3A_457 = tpu.vector_load %arg6[%get3A_455, %get3A_456] {strides = array<i32>} : memref<6x128xi32, #tpu.memory_space<vmem>>, vector<1x16xi32>,
      %get3A_458 = vector.shape_cast %get3A_457 : vector<1x16xi32> to vector<16xi32>
      %get3A_459 = arith.constant 2 : i32
      %get3A_460 = arith.index_cast %get3A_459 : i32 to index
      %get3A_461 = arith.constant 112 : index
      %get3A_462 = tpu.vector_load %arg6[%get3A_460, %get3A_461] {strides = array<i32>} : memref<6x128xi32, #tpu.memory_space<vmem>>, vector<1x16xi32>,
      %get3A_463 = vector.shape_cast %get3A_462 : vector<1x16xi32> to vector<16xi32>
      %get3A_464 = arith.constant 3 : i32
      %get3A_465 = arith.index_cast %get3A_464 : i32 to index
      %get3A_466 = arith.constant 112 : index
      %get3A_467 = tpu.vector_load %arg6[%get3A_465, %get3A_466] {strides = array<i32>} : memref<6x128xi32, #tpu.memory_space<vmem>>, vector<1x16xi32>,
      %get3A_468 = vector.shape_cast %get3A_467 : vector<1x16xi32> to vector<16xi32>
      %get3A_469 = arith.constant 4 : i32
      %get3A_470 = arith.index_cast %get3A_469 : i32 to index
      %get3A_471 = arith.constant 112 : index
      %get3A_472 = tpu.vector_load %arg6[%get3A_470, %get3A_471] {strides = array<i32>} : memref<6x128xi32, #tpu.memory_space<vmem>>, vector<1x16xi32>,
      %get3A_473 = vector.shape_cast %get3A_472 : vector<1x16xi32> to vector<16xi32>
      %get3A_474 = arith.constant 5 : i32
      %get3A_475 = arith.index_cast %get3A_474 : i32 to index
      %get3A_476 = arith.constant 112 : index
      %get3A_477 = tpu.vector_load %arg6[%get3A_475, %get3A_476] {strides = array<i32>} : memref<6x128xi32, #tpu.memory_space<vmem>>, vector<1x16xi32>,
      %get3A_478 = vector.shape_cast %get3A_477 : vector<1x16xi32> to vector<16xi32>
      %mul3A_479 = arith.constant 140 : i32
      %mul3A_480 = vector.broadcast %mul3A_479 : i32 to vector<16xi32>
      %mul3A_481 = arith.muli %get3A_478, %mul3A_480 : vector<16xi32>
      %mul3A_482 = arith.constant 20 : i32
      %mul3A_483 = vector.broadcast %mul3A_482 : i32 to vector<16xi32>
      %mul3A_484 = arith.muli %get3A_463, %mul3A_483 : vector<16xi32>
      %add3A_485 = arith.addi %mul3A_481, %mul3A_484 : vector<16xi32>
      %sub3A_486 = arith.constant 2024 : i32
      %sub3A_487 = vector.broadcast %sub3A_486 : i32 to vector<16xi32>
      %sub3A_488 = arith.subi %get3A_453, %sub3A_487 : vector<16xi32>
      %add3A_489 = arith.addi %add3A_485, %sub3A_488 : vector<16xi32>
      %swap3A_490 = arith.constant 112 : index
      %swap3A_491 = tpu.vector_load %arg8[%swap3A_490] {strides = array<i32>} : memref<128xi32, #tpu.memory_space<vmem>>, vector<16xi32>,
      %swap3A_492 = vector.shape_cast %swap3A_491 : vector<16xi32> to vector<16xi32>
      %swap3A_493 = vector.shape_cast %add3A_489 : vector<16xi32> to vector<16xi32>
      tpu.vector_store %arg8[%swap3A_490], %swap3A_493 {strides = array<i32>} : memref<128xi32, #tpu.memory_space<vmem>>, vector<16xi32>,
      %mul3A_494 = arith.constant 384 : i32
      %mul3A_495 = vector.broadcast %mul3A_494 : i32 to vector<16xi32>
      %mul3A_496 = arith.muli %get3A_473, %mul3A_495 : vector<16xi32>
      %mul3A_497 = arith.constant 12 : i32
      %mul3A_498 = vector.broadcast %mul3A_497 : i32 to vector<16xi32>
      %mul3A_499 = arith.muli %get3A_468, %mul3A_498 : vector<16xi32>
      %add3A_500 = arith.addi %mul3A_496, %mul3A_499 : vector<16xi32>
      %add3A_501 = arith.addi %add3A_500, %get3A_458 : vector<16xi32>
      %swap3A_502 = arith.constant 112 : index
      %swap3A_503 = tpu.vector_load %arg10[%swap3A_502] {strides = array<i32>} : memref<128xi32, #tpu.memory_space<vmem>>, vector<16xi32>,
      %swap3A_504 = vector.shape_cast %swap3A_503 : vector<16xi32> to vector<16xi32>
      %swap3A_505 = vector.shape_cast %add3A_501 : vector<16xi32> to vector<16xi32>
      tpu.vector_store %arg10[%swap3A_502], %swap3A_505 {strides = array<i32>} : memref<128xi32, #tpu.memory_space<vmem>>, vector<16xi32>,
      %ge3A = arith.constant 2 : i32
      %ge3A_506 = arith.cmpi sge, %add3A_46, %ge3A : i32
      %convert_element_type3A = arith.extui %ge3A_506 : i1 to i32
      %cond3A = arith.constant 0 : i32
      %cond3A_507 = arith.cmpi ne, %convert_element_type3A, %cond3A : i32
      scf.if %cond3A_507 {
        %dma_wait3A_1012 = arith.constant 0 : i32
        %dma_wait3A_1013 = arith.constant 0 : i32
        %dma_wait3A_1014 = tpu.memref_slice %arg5[%dma_wait3A_1012, %dma_wait3A_1013] : memref<204800x128xf32, #tpu.memory_space<hbm>> -> memref<128x128xf32, #tpu.memory_space<hbm>>
        %dma_wait3A_1015 = arith.constant 0 : i32
        %dma_wait3A_1016 = arith.constant 0 : i32
        %dma_wait3A_1017 = tpu.memref_slice %arg5[%dma_wait3A_1015, %dma_wait3A_1016] : memref<204800x128xf32, #tpu.memory_space<hbm>> -> memref<128x128xf32, #tpu.memory_space<hbm>>
        tpu.wait_dma2 semaphore(%arg22 : memref<!tpu.dma_semaphore, #tpu.memory_space<semaphore_mem>>) src(%arg12 : memref<128x128xf32, #tpu.memory_space<vmem>>) dst(%dma_wait3A_1017 : memref<128x128xf32, #tpu.memory_space<hbm>>)
      } else {
      }
      %dma_start3A_508 = arith.constant 0 : i32
      %dma_start3A_509 = arith.constant 0 : i32
      %dma_start3A_510 = tpu.memref_slice %arg2[%dma_start3A_508, %dma_start3A_509] : memref<8400x128xf32, #tpu.memory_space<hbm>> -> memref<8400x128xf32, #tpu.memory_space<hbm>>
      tpu.enqueue_indirect_dma source(%dma_start3A_510 : memref<8400x128xf32, #tpu.memory_space<hbm>>) target(%arg12 : memref<128x128xf32, #tpu.memory_space<vmem>>) offsets(%arg8 : memref<128xi32, #tpu.memory_space<vmem>>) semaphore(%arg18 : memref<!tpu.dma_semaphore, #tpu.memory_space<semaphore_mem>>)
      %dma_start3A_511 = arith.constant 0 : i32
      %dma_start3A_512 = arith.constant 0 : i32
      %dma_start3A_513 = tpu.memref_slice %arg3[%dma_start3A_511, %dma_start3A_512] : memref<9216x128xf32, #tpu.memory_space<hbm>> -> memref<9216x128xf32, #tpu.memory_space<hbm>>
      tpu.enqueue_indirect_dma source(%dma_start3A_513 : memref<9216x128xf32, #tpu.memory_space<hbm>>) target(%arg14 : memref<128x128xf32, #tpu.memory_space<vmem>>) offsets(%arg10 : memref<128xi32, #tpu.memory_space<vmem>>) semaphore(%arg20 : memref<!tpu.dma_semaphore, #tpu.memory_space<semaphore_mem>>)
      %add3A_514 = arith.constant 1 : i32
      %add3A_515 = arith.addi %add3A_46, %add3A_514 : i32
      %lt3A = arith.constant 50 : i32
      %lt3A_516 = arith.cmpi slt, %add3A_515, %lt3A : i32
      %convert_element_type3A_517 = arith.extui %lt3A_516 : i1 to i32
      %cond3A_518 = arith.constant 0 : i32
      %cond3A_519 = arith.cmpi ne, %convert_element_type3A_517, %cond3A_518 : i32
      scf.if %cond3A_519 {
        %add3A_1012 = arith.constant 1 : i32
        %add3A_1013 = arith.addi %add3A_46, %add3A_1012 : i32
        %mul3A_1014 = arith.constant 128 : i32
        %mul3A_1015 = arith.muli %add3A_1013, %mul3A_1014 : i32
        %add3A_1016 = arith.addi %mul3A_2, %mul3A_1015 : i32
        %dma_start3A_1017 = arith.constant 0 : i32
        %dma_start3A_1018 = tpu.memref_slice %arg4[%dma_start3A_1017, %add3A_1016] : memref<6x204800xi32, #tpu.memory_space<hbm>> -> memref<6x128xi32, #tpu.memory_space<hbm>>
        %dma_start3A_1019 = arith.constant 0 : i32
        %dma_start3A_1020 = tpu.memref_slice %arg4[%dma_start3A_1019, %add3A_1016] : memref<6x204800xi32, #tpu.memory_space<hbm>> -> memref<6x128xi32, #tpu.memory_space<hbm>>
        tpu.enqueue_dma source(%dma_start3A_1020 : memref<6x128xi32, #tpu.memory_space<hbm>>) target(%arg7 : memref<6x128xi32, #tpu.memory_space<vmem>>) target_semaphore(%arg17 : memref<!tpu.dma_semaphore, #tpu.memory_space<semaphore_mem>>)
      } else {
      }
      %ge3A_520 = arith.constant 1 : i32
      %ge3A_521 = arith.cmpi sge, %add3A_46, %ge3A_520 : i32
      %convert_element_type3A_522 = arith.extui %ge3A_521 : i1 to i32
      %cond3A_523 = arith.constant 0 : i32
      %cond3A_524 = arith.cmpi ne, %convert_element_type3A_522, %cond3A_523 : i32
      scf.if %cond3A_524 {
        %dma_wait3A_1012 = arith.constant 0 : i32
        %dma_wait3A_1013 = arith.constant 0 : i32
        %dma_wait3A_1014 = tpu.memref_slice %arg2[%dma_wait3A_1012, %dma_wait3A_1013] : memref<8400x128xf32, #tpu.memory_space<hbm>> -> memref<8400x128xf32, #tpu.memory_space<hbm>>
        tpu.wait_indirect_dma semaphore(%arg19 : memref<!tpu.dma_semaphore, #tpu.memory_space<semaphore_mem>>) src(%dma_wait3A_1014 : memref<8400x128xf32, #tpu.memory_space<hbm>>) dst(%arg13 : memref<128x128xf32, #tpu.memory_space<vmem>>)
        %dma_wait3A_1015 = arith.constant 0 : i32
        %dma_wait3A_1016 = arith.constant 0 : i32
        %dma_wait3A_1017 = tpu.memref_slice %arg3[%dma_wait3A_1015, %dma_wait3A_1016] : memref<9216x128xf32, #tpu.memory_space<hbm>> -> memref<9216x128xf32, #tpu.memory_space<hbm>>
        tpu.wait_indirect_dma semaphore(%arg21 : memref<!tpu.dma_semaphore, #tpu.memory_space<semaphore_mem>>) src(%dma_wait3A_1017 : memref<9216x128xf32, #tpu.memory_space<hbm>>) dst(%arg15 : memref<128x128xf32, #tpu.memory_space<vmem>>)
        %scan3A_1018 = arith.constant 0 : i32
        %scan3A_1019 = arith.constant 128 : i32
        %scan3A_1020 = arith.addi %scan3A_1018, %scan3A_1019 : i32
        %scan3A_1021 = arith.constant 2 : i32
        scf.for %scan3A_1032 = %scan3A_1018 to %scan3A_1020 step %scan3A_1021  : i32 {
          %get3A_1033 = arith.index_cast %scan3A_1032 : i32 to index
          %get3A_1034 = arith.constant 0 : index
          %get3A_1035 = tpu.vector_load %arg15[%get3A_1033, %get3A_1034] {strides = array<i32>} : memref<128x128xf32, #tpu.memory_space<vmem>>, vector<1x16xf32>,
          %get3A_1036 = vector.shape_cast %get3A_1035 : vector<1x16xf32> to vector<16xf32>
          %swap3A_1037 = arith.index_cast %scan3A_1032 : i32 to index
          %swap3A_1038 = arith.constant 0 : index
          %swap3A_1039 = tpu.vector_load %arg13[%swap3A_1037, %swap3A_1038] {strides = array<i32>} : memref<128x128xf32, #tpu.memory_space<vmem>>, vector<1x16xf32>,
          %swap3A_1040 = vector.shape_cast %swap3A_1039 : vector<1x16xf32> to vector<16xf32>
          %swap3A_1041 = vector.shape_cast %get3A_1036 : vector<16xf32> to vector<1x16xf32>
          tpu.vector_store %arg13[%swap3A_1037, %swap3A_1038], %swap3A_1041 {add = true, strides = array<i32>} : memref<128x128xf32, #tpu.memory_space<vmem>>, vector<1x16xf32>,
          %get3A_1042 = arith.index_cast %scan3A_1032 : i32 to index
          %get3A_1043 = arith.constant 16 : index
          %get3A_1044 = tpu.vector_load %arg15[%get3A_1042, %get3A_1043] {strides = array<i32>} : memref<128x128xf32, #tpu.memory_space<vmem>>, vector<1x16xf32>,
          %get3A_1045 = vector.shape_cast %get3A_1044 : vector<1x16xf32> to vector<16xf32>
          %swap3A_1046 = arith.index_cast %scan3A_1032 : i32 to index
          %swap3A_1047 = arith.constant 16 : index
          %swap3A_1048 = tpu.vector_load %arg13[%swap3A_1046, %swap3A_1047] {strides = array<i32>} : memref<128x128xf32, #tpu.memory_space<vmem>>, vector<1x16xf32>,
          %swap3A_1049 = vector.shape_cast %swap3A_1048 : vector<1x16xf32> to vector<16xf32>
          %swap3A_1050 = vector.shape_cast %get3A_1045 : vector<16xf32> to vector<1x16xf32>
          tpu.vector_store %arg13[%swap3A_1046, %swap3A_1047], %swap3A_1050 {add = true, strides = array<i32>} : memref<128x128xf32, #tpu.memory_space<vmem>>, vector<1x16xf32>,
          %get3A_1051 = arith.index_cast %scan3A_1032 : i32 to index
          %get3A_1052 = arith.constant 32 : index
          %get3A_1053 = tpu.vector_load %arg15[%get3A_1051, %get3A_1052] {strides = array<i32>} : memref<128x128xf32, #tpu.memory_space<vmem>>, vector<1x16xf32>,
          %get3A_1054 = vector.shape_cast %get3A_1053 : vector<1x16xf32> to vector<16xf32>
          %swap3A_1055 = arith.index_cast %scan3A_1032 : i32 to index
          %swap3A_1056 = arith.constant 32 : index
          %swap3A_1057 = tpu.vector_load %arg13[%swap3A_1055, %swap3A_1056] {strides = array<i32>} : memref<128x128xf32, #tpu.memory_space<vmem>>, vector<1x16xf32>,
          %swap3A_1058 = vector.shape_cast %swap3A_1057 : vector<1x16xf32> to vector<16xf32>
          %swap3A_1059 = vector.shape_cast %get3A_1054 : vector<16xf32> to vector<1x16xf32>
          tpu.vector_store %arg13[%swap3A_1055, %swap3A_1056], %swap3A_1059 {add = true, strides = array<i32>} : memref<128x128xf32, #tpu.memory_space<vmem>>, vector<1x16xf32>,
          %get3A_1060 = arith.index_cast %scan3A_1032 : i32 to index
          %get3A_1061 = arith.constant 48 : index
          %get3A_1062 = tpu.vector_load %arg15[%get3A_1060, %get3A_1061] {strides = array<i32>} : memref<128x128xf32, #tpu.memory_space<vmem>>, vector<1x16xf32>,
          %get3A_1063 = vector.shape_cast %get3A_1062 : vector<1x16xf32> to vector<16xf32>
          %swap3A_1064 = arith.index_cast %scan3A_1032 : i32 to index
          %swap3A_1065 = arith.constant 48 : index
          %swap3A_1066 = tpu.vector_load %arg13[%swap3A_1064, %swap3A_1065] {strides = array<i32>} : memref<128x128xf32, #tpu.memory_space<vmem>>, vector<1x16xf32>,
          %swap3A_1067 = vector.shape_cast %swap3A_1066 : vector<1x16xf32> to vector<16xf32>
          %swap3A_1068 = vector.shape_cast %get3A_1063 : vector<16xf32> to vector<1x16xf32>
          tpu.vector_store %arg13[%swap3A_1064, %swap3A_1065], %swap3A_1068 {add = true, strides = array<i32>} : memref<128x128xf32, #tpu.memory_space<vmem>>, vector<1x16xf32>,
          %get3A_1069 = arith.index_cast %scan3A_1032 : i32 to index
          %get3A_1070 = arith.constant 64 : index
          %get3A_1071 = tpu.vector_load %arg15[%get3A_1069, %get3A_1070] {strides = array<i32>} : memref<128x128xf32, #tpu.memory_space<vmem>>, vector<1x16xf32>,
          %get3A_1072 = vector.shape_cast %get3A_1071 : vector<1x16xf32> to vector<16xf32>
          %swap3A_1073 = arith.index_cast %scan3A_1032 : i32 to index
          %swap3A_1074 = arith.constant 64 : index
          %swap3A_1075 = tpu.vector_load %arg13[%swap3A_1073, %swap3A_1074] {strides = array<i32>} : memref<128x128xf32, #tpu.memory_space<vmem>>, vector<1x16xf32>,
          %swap3A_1076 = vector.shape_cast %swap3A_1075 : vector<1x16xf32> to vector<16xf32>
          %swap3A_1077 = vector.shape_cast %get3A_1072 : vector<16xf32> to vector<1x16xf32>
          tpu.vector_store %arg13[%swap3A_1073, %swap3A_1074], %swap3A_1077 {add = true, strides = array<i32>} : memref<128x128xf32, #tpu.memory_space<vmem>>, vector<1x16xf32>,
          %get3A_1078 = arith.index_cast %scan3A_1032 : i32 to index
          %get3A_1079 = arith.constant 80 : index
          %get3A_1080 = tpu.vector_load %arg15[%get3A_1078, %get3A_1079] {strides = array<i32>} : memref<128x128xf32, #tpu.memory_space<vmem>>, vector<1x16xf32>,
          %get3A_1081 = vector.shape_cast %get3A_1080 : vector<1x16xf32> to vector<16xf32>
          %swap3A_1082 = arith.index_cast %scan3A_1032 : i32 to index
          %swap3A_1083 = arith.constant 80 : index
          %swap3A_1084 = tpu.vector_load %arg13[%swap3A_1082, %swap3A_1083] {strides = array<i32>} : memref<128x128xf32, #tpu.memory_space<vmem>>, vector<1x16xf32>,
          %swap3A_1085 = vector.shape_cast %swap3A_1084 : vector<1x16xf32> to vector<16xf32>
          %swap3A_1086 = vector.shape_cast %get3A_1081 : vector<16xf32> to vector<1x16xf32>
          tpu.vector_store %arg13[%swap3A_1082, %swap3A_1083], %swap3A_1086 {add = true, strides = array<i32>} : memref<128x128xf32, #tpu.memory_space<vmem>>, vector<1x16xf32>,
          %get3A_1087 = arith.index_cast %scan3A_1032 : i32 to index
          %get3A_1088 = arith.constant 96 : index
          %get3A_1089 = tpu.vector_load %arg15[%get3A_1087, %get3A_1088] {strides = array<i32>} : memref<128x128xf32, #tpu.memory_space<vmem>>, vector<1x16xf32>,
          %get3A_1090 = vector.shape_cast %get3A_1089 : vector<1x16xf32> to vector<16xf32>
          %swap3A_1091 = arith.index_cast %scan3A_1032 : i32 to index
          %swap3A_1092 = arith.constant 96 : index
          %swap3A_1093 = tpu.vector_load %arg13[%swap3A_1091, %swap3A_1092] {strides = array<i32>} : memref<128x128xf32, #tpu.memory_space<vmem>>, vector<1x16xf32>,
          %swap3A_1094 = vector.shape_cast %swap3A_1093 : vector<1x16xf32> to vector<16xf32>
          %swap3A_1095 = vector.shape_cast %get3A_1090 : vector<16xf32> to vector<1x16xf32>
          tpu.vector_store %arg13[%swap3A_1091, %swap3A_1092], %swap3A_1095 {add = true, strides = array<i32>} : memref<128x128xf32, #tpu.memory_space<vmem>>, vector<1x16xf32>,
          %get3A_1096 = arith.index_cast %scan3A_1032 : i32 to index
          %get3A_1097 = arith.constant 112 : index
          %get3A_1098 = tpu.vector_load %arg15[%get3A_1096, %get3A_1097] {strides = array<i32>} : memref<128x128xf32, #tpu.memory_space<vmem>>, vector<1x16xf32>,
          %get3A_1099 = vector.shape_cast %get3A_1098 : vector<1x16xf32> to vector<16xf32>
          %swap3A_1100 = arith.index_cast %scan3A_1032 : i32 to index
          %swap3A_1101 = arith.constant 112 : index
          %swap3A_1102 = tpu.vector_load %arg13[%swap3A_1100, %swap3A_1101] {strides = array<i32>} : memref<128x128xf32, #tpu.memory_space<vmem>>, vector<1x16xf32>,
          %swap3A_1103 = vector.shape_cast %swap3A_1102 : vector<1x16xf32> to vector<16xf32>
          %swap3A_1104 = vector.shape_cast %get3A_1099 : vector<16xf32> to vector<1x16xf32>
          tpu.vector_store %arg13[%swap3A_1100, %swap3A_1101], %swap3A_1104 {add = true, strides = array<i32>} : memref<128x128xf32, #tpu.memory_space<vmem>>, vector<1x16xf32>,
          %scan3A_1105 = arith.constant 1 : i32
          %scan3A_1106 = arith.addi %scan3A_1032, %scan3A_1105 : i32
          %get3A_1107 = arith.index_cast %scan3A_1106 : i32 to index
          %get3A_1108 = arith.constant 0 : index
          %get3A_1109 = tpu.vector_load %arg15[%get3A_1107, %get3A_1108] {strides = array<i32>} : memref<128x128xf32, #tpu.memory_space<vmem>>, vector<1x16xf32>,
          %get3A_1110 = vector.shape_cast %get3A_1109 : vector<1x16xf32> to vector<16xf32>
          %swap3A_1111 = arith.index_cast %scan3A_1106 : i32 to index
          %swap3A_1112 = arith.constant 0 : index
          %swap3A_1113 = tpu.vector_load %arg13[%swap3A_1111, %swap3A_1112] {strides = array<i32>} : memref<128x128xf32, #tpu.memory_space<vmem>>, vector<1x16xf32>,
          %swap3A_1114 = vector.shape_cast %swap3A_1113 : vector<1x16xf32> to vector<16xf32>
          %swap3A_1115 = vector.shape_cast %get3A_1110 : vector<16xf32> to vector<1x16xf32>
          tpu.vector_store %arg13[%swap3A_1111, %swap3A_1112], %swap3A_1115 {add = true, strides = array<i32>} : memref<128x128xf32, #tpu.memory_space<vmem>>, vector<1x16xf32>,
          %get3A_1116 = arith.index_cast %scan3A_1106 : i32 to index
          %get3A_1117 = arith.constant 16 : index
          %get3A_1118 = tpu.vector_load %arg15[%get3A_1116, %get3A_1117] {strides = array<i32>} : memref<128x128xf32, #tpu.memory_space<vmem>>, vector<1x16xf32>,
          %get3A_1119 = vector.shape_cast %get3A_1118 : vector<1x16xf32> to vector<16xf32>
          %swap3A_1120 = arith.index_cast %scan3A_1106 : i32 to index
          %swap3A_1121 = arith.constant 16 : index
          %swap3A_1122 = tpu.vector_load %arg13[%swap3A_1120, %swap3A_1121] {strides = array<i32>} : memref<128x128xf32, #tpu.memory_space<vmem>>, vector<1x16xf32>,
          %swap3A_1123 = vector.shape_cast %swap3A_1122 : vector<1x16xf32> to vector<16xf32>
          %swap3A_1124 = vector.shape_cast %get3A_1119 : vector<16xf32> to vector<1x16xf32>
          tpu.vector_store %arg13[%swap3A_1120, %swap3A_1121], %swap3A_1124 {add = true, strides = array<i32>} : memref<128x128xf32, #tpu.memory_space<vmem>>, vector<1x16xf32>,
          %get3A_1125 = arith.index_cast %scan3A_1106 : i32 to index
          %get3A_1126 = arith.constant 32 : index
          %get3A_1127 = tpu.vector_load %arg15[%get3A_1125, %get3A_1126] {strides = array<i32>} : memref<128x128xf32, #tpu.memory_space<vmem>>, vector<1x16xf32>,
          %get3A_1128 = vector.shape_cast %get3A_1127 : vector<1x16xf32> to vector<16xf32>
          %swap3A_1129 = arith.index_cast %scan3A_1106 : i32 to index
          %swap3A_1130 = arith.constant 32 : index
          %swap3A_1131 = tpu.vector_load %arg13[%swap3A_1129, %swap3A_1130] {strides = array<i32>} : memref<128x128xf32, #tpu.memory_space<vmem>>, vector<1x16xf32>,
          %swap3A_1132 = vector.shape_cast %swap3A_1131 : vector<1x16xf32> to vector<16xf32>
          %swap3A_1133 = vector.shape_cast %get3A_1128 : vector<16xf32> to vector<1x16xf32>
          tpu.vector_store %arg13[%swap3A_1129, %swap3A_1130], %swap3A_1133 {add = true, strides = array<i32>} : memref<128x128xf32, #tpu.memory_space<vmem>>, vector<1x16xf32>,
          %get3A_1134 = arith.index_cast %scan3A_1106 : i32 to index
          %get3A_1135 = arith.constant 48 : index
          %get3A_1136 = tpu.vector_load %arg15[%get3A_1134, %get3A_1135] {strides = array<i32>} : memref<128x128xf32, #tpu.memory_space<vmem>>, vector<1x16xf32>,
          %get3A_1137 = vector.shape_cast %get3A_1136 : vector<1x16xf32> to vector<16xf32>
          %swap3A_1138 = arith.index_cast %scan3A_1106 : i32 to index
          %swap3A_1139 = arith.constant 48 : index
          %swap3A_1140 = tpu.vector_load %arg13[%swap3A_1138, %swap3A_1139] {strides = array<i32>} : memref<128x128xf32, #tpu.memory_space<vmem>>, vector<1x16xf32>,
          %swap3A_1141 = vector.shape_cast %swap3A_1140 : vector<1x16xf32> to vector<16xf32>
          %swap3A_1142 = vector.shape_cast %get3A_1137 : vector<16xf32> to vector<1x16xf32>
          tpu.vector_store %arg13[%swap3A_1138, %swap3A_1139], %swap3A_1142 {add = true, strides = array<i32>} : memref<128x128xf32, #tpu.memory_space<vmem>>, vector<1x16xf32>,
          %get3A_1143 = arith.index_cast %scan3A_1106 : i32 to index
          %get3A_1144 = arith.constant 64 : index
          %get3A_1145 = tpu.vector_load %arg15[%get3A_1143, %get3A_1144] {strides = array<i32>} : memref<128x128xf32, #tpu.memory_space<vmem>>, vector<1x16xf32>,
          %get3A_1146 = vector.shape_cast %get3A_1145 : vector<1x16xf32> to vector<16xf32>
          %swap3A_1147 = arith.index_cast %scan3A_1106 : i32 to index
          %swap3A_1148 = arith.constant 64 : index
          %swap3A_1149 = tpu.vector_load %arg13[%swap3A_1147, %swap3A_1148] {strides = array<i32>} : memref<128x128xf32, #tpu.memory_space<vmem>>, vector<1x16xf32>,
          %swap3A_1150 = vector.shape_cast %swap3A_1149 : vector<1x16xf32> to vector<16xf32>
          %swap3A_1151 = vector.shape_cast %get3A_1146 : vector<16xf32> to vector<1x16xf32>
          tpu.vector_store %arg13[%swap3A_1147, %swap3A_1148], %swap3A_1151 {add = true, strides = array<i32>} : memref<128x128xf32, #tpu.memory_space<vmem>>, vector<1x16xf32>,
          %get3A_1152 = arith.index_cast %scan3A_1106 : i32 to index
          %get3A_1153 = arith.constant 80 : index
          %get3A_1154 = tpu.vector_load %arg15[%get3A_1152, %get3A_1153] {strides = array<i32>} : memref<128x128xf32, #tpu.memory_space<vmem>>, vector<1x16xf32>,
          %get3A_1155 = vector.shape_cast %get3A_1154 : vector<1x16xf32> to vector<16xf32>
          %swap3A_1156 = arith.index_cast %scan3A_1106 : i32 to index
          %swap3A_1157 = arith.constant 80 : index
          %swap3A_1158 = tpu.vector_load %arg13[%swap3A_1156, %swap3A_1157] {strides = array<i32>} : memref<128x128xf32, #tpu.memory_space<vmem>>, vector<1x16xf32>,
          %swap3A_1159 = vector.shape_cast %swap3A_1158 : vector<1x16xf32> to vector<16xf32>
          %swap3A_1160 = vector.shape_cast %get3A_1155 : vector<16xf32> to vector<1x16xf32>
          tpu.vector_store %arg13[%swap3A_1156, %swap3A_1157], %swap3A_1160 {add = true, strides = array<i32>} : memref<128x128xf32, #tpu.memory_space<vmem>>, vector<1x16xf32>,
          %get3A_1161 = arith.index_cast %scan3A_1106 : i32 to index
          %get3A_1162 = arith.constant 96 : index
          %get3A_1163 = tpu.vector_load %arg15[%get3A_1161, %get3A_1162] {strides = array<i32>} : memref<128x128xf32, #tpu.memory_space<vmem>>, vector<1x16xf32>,
          %get3A_1164 = vector.shape_cast %get3A_1163 : vector<1x16xf32> to vector<16xf32>
          %swap3A_1165 = arith.index_cast %scan3A_1106 : i32 to index
          %swap3A_1166 = arith.constant 96 : index
          %swap3A_1167 = tpu.vector_load %arg13[%swap3A_1165, %swap3A_1166] {strides = array<i32>} : memref<128x128xf32, #tpu.memory_space<vmem>>, vector<1x16xf32>,
          %swap3A_1168 = vector.shape_cast %swap3A_1167 : vector<1x16xf32> to vector<16xf32>
          %swap3A_1169 = vector.shape_cast %get3A_1164 : vector<16xf32> to vector<1x16xf32>
          tpu.vector_store %arg13[%swap3A_1165, %swap3A_1166], %swap3A_1169 {add = true, strides = array<i32>} : memref<128x128xf32, #tpu.memory_space<vmem>>, vector<1x16xf32>,
          %get3A_1170 = arith.index_cast %scan3A_1106 : i32 to index
          %get3A_1171 = arith.constant 112 : index
          %get3A_1172 = tpu.vector_load %arg15[%get3A_1170, %get3A_1171] {strides = array<i32>} : memref<128x128xf32, #tpu.memory_space<vmem>>, vector<1x16xf32>,
          %get3A_1173 = vector.shape_cast %get3A_1172 : vector<1x16xf32> to vector<16xf32>
          %swap3A_1174 = arith.index_cast %scan3A_1106 : i32 to index
          %swap3A_1175 = arith.constant 112 : index
          %swap3A_1176 = tpu.vector_load %arg13[%swap3A_1174, %swap3A_1175] {strides = array<i32>} : memref<128x128xf32, #tpu.memory_space<vmem>>, vector<1x16xf32>,
          %swap3A_1177 = vector.shape_cast %swap3A_1176 : vector<1x16xf32> to vector<16xf32>
          %swap3A_1178 = vector.shape_cast %get3A_1173 : vector<16xf32> to vector<1x16xf32>
          tpu.vector_store %arg13[%swap3A_1174, %swap3A_1175], %swap3A_1178 {add = true, strides = array<i32>} : memref<128x128xf32, #tpu.memory_space<vmem>>, vector<1x16xf32>,
        }
        %scan3A_1022 = arith.constant 128 : i32
        %sub3A_1023 = arith.constant 1 : i32
        %sub3A_1024 = arith.subi %add3A_46, %sub3A_1023 : i32
        %mul3A_1025 = arith.constant 128 : i32
        %mul3A_1026 = arith.muli %sub3A_1024, %mul3A_1025 : i32
        %add3A_1027 = arith.addi %mul3A_2, %mul3A_1026 : i32
        %dma_start3A_1028 = arith.constant 0 : i32
        %dma_start3A_1029 = tpu.memref_slice %arg5[%add3A_1027, %dma_start3A_1028] : memref<204800x128xf32, #tpu.memory_space<hbm>> -> memref<128x128xf32, #tpu.memory_space<hbm>>
        %dma_start3A_1030 = arith.constant 0 : i32
        %dma_start3A_1031 = tpu.memref_slice %arg5[%add3A_1027, %dma_start3A_1030] : memref<204800x128xf32, #tpu.memory_space<hbm>> -> memref<128x128xf32, #tpu.memory_space<hbm>>
        tpu.enqueue_dma source(%arg13 : memref<128x128xf32, #tpu.memory_space<vmem>>) target(%dma_start3A_1031 : memref<128x128xf32, #tpu.memory_space<hbm>>) target_semaphore(%arg23 : memref<!tpu.dma_semaphore, #tpu.memory_space<semaphore_mem>>)
      } else {
      }
      %add3A_525 = arith.constant 1 : i32
      %add3A_526 = arith.addi %add3A_44, %add3A_525 : i32
      %dma_wait3A_527 = arith.constant 0 : i32
      %dma_wait3A_528 = arith.constant 0 : i32
      %dma_wait3A_529 = tpu.memref_slice %arg4[%dma_wait3A_527, %dma_wait3A_528] : memref<6x204800xi32, #tpu.memory_space<hbm>> -> memref<6x128xi32, #tpu.memory_space<hbm>>
      %dma_wait3A_530 = arith.constant 0 : i32
      %dma_wait3A_531 = arith.constant 0 : i32
      %dma_wait3A_532 = tpu.memref_slice %arg4[%dma_wait3A_530, %dma_wait3A_531] : memref<6x204800xi32, #tpu.memory_space<hbm>> -> memref<6x128xi32, #tpu.memory_space<hbm>>
      tpu.wait_dma2 semaphore(%arg17 : memref<!tpu.dma_semaphore, #tpu.memory_space<semaphore_mem>>) src(%dma_wait3A_532 : memref<6x128xi32, #tpu.memory_space<hbm>>) dst(%arg7 : memref<6x128xi32, #tpu.memory_space<vmem>>)
      %get3A_533 = arith.constant 0 : i32
      %get3A_534 = arith.index_cast %get3A_533 : i32 to index
      %get3A_535 = arith.constant 0 : index
      %get3A_536 = tpu.vector_load %arg7[%get3A_534, %get3A_535] {strides = array<i32>} : memref<6x128xi32, #tpu.memory_space<vmem>>, vector<1x16xi32>,
      %get3A_537 = vector.shape_cast %get3A_536 : vector<1x16xi32> to vector<16xi32>
      %get3A_538 = arith.constant 1 : i32
      %get3A_539 = arith.index_cast %get3A_538 : i32 to index
      %get3A_540 = arith.constant 0 : index
      %get3A_541 = tpu.vector_load %arg7[%get3A_539, %get3A_540] {strides = array<i32>} : memref<6x128xi32, #tpu.memory_space<vmem>>, vector<1x16xi32>,
      %get3A_542 = vector.shape_cast %get3A_541 : vector<1x16xi32> to vector<16xi32>
      %get3A_543 = arith.constant 2 : i32
      %get3A_544 = arith.index_cast %get3A_543 : i32 to index
      %get3A_545 = arith.constant 0 : index
      %get3A_546 = tpu.vector_load %arg7[%get3A_544, %get3A_545] {strides = array<i32>} : memref<6x128xi32, #tpu.memory_space<vmem>>, vector<1x16xi32>,
      %get3A_547 = vector.shape_cast %get3A_546 : vector<1x16xi32> to vector<16xi32>
      %get3A_548 = arith.constant 3 : i32
      %get3A_549 = arith.index_cast %get3A_548 : i32 to index
      %get3A_550 = arith.constant 0 : index
      %get3A_551 = tpu.vector_load %arg7[%get3A_549, %get3A_550] {strides = array<i32>} : memref<6x128xi32, #tpu.memory_space<vmem>>, vector<1x16xi32>,
      %get3A_552 = vector.shape_cast %get3A_551 : vector<1x16xi32> to vector<16xi32>
      %get3A_553 = arith.constant 4 : i32
      %get3A_554 = arith.index_cast %get3A_553 : i32 to index
      %get3A_555 = arith.constant 0 : index
      %get3A_556 = tpu.vector_load %arg7[%get3A_554, %get3A_555] {strides = array<i32>} : memref<6x128xi32, #tpu.memory_space<vmem>>, vector<1x16xi32>,
      %get3A_557 = vector.shape_cast %get3A_556 : vector<1x16xi32> to vector<16xi32>
      %get3A_558 = arith.constant 5 : i32
      %get3A_559 = arith.index_cast %get3A_558 : i32 to index
      %get3A_560 = arith.constant 0 : index
      %get3A_561 = tpu.vector_load %arg7[%get3A_559, %get3A_560] {strides = array<i32>} : memref<6x128xi32, #tpu.memory_space<vmem>>, vector<1x16xi32>,
      %get3A_562 = vector.shape_cast %get3A_561 : vector<1x16xi32> to vector<16xi32>
      %mul3A_563 = arith.constant 140 : i32
      %mul3A_564 = vector.broadcast %mul3A_563 : i32 to vector<16xi32>
      %mul3A_565 = arith.muli %get3A_562, %mul3A_564 : vector<16xi32>
      %mul3A_566 = arith.constant 20 : i32
      %mul3A_567 = vector.broadcast %mul3A_566 : i32 to vector<16xi32>
      %mul3A_568 = arith.muli %get3A_547, %mul3A_567 : vector<16xi32>
      %add3A_569 = arith.addi %mul3A_565, %mul3A_568 : vector<16xi32>
      %sub3A_570 = arith.constant 2024 : i32
      %sub3A_571 = vector.broadcast %sub3A_570 : i32 to vector<16xi32>
      %sub3A_572 = arith.subi %get3A_537, %sub3A_571 : vector<16xi32>
      %add3A_573 = arith.addi %add3A_569, %sub3A_572 : vector<16xi32>
      %swap3A_574 = arith.constant 0 : index
      %swap3A_575 = tpu.vector_load %arg9[%swap3A_574] {strides = array<i32>} : memref<128xi32, #tpu.memory_space<vmem>>, vector<16xi32>,
      %swap3A_576 = vector.shape_cast %swap3A_575 : vector<16xi32> to vector<16xi32>
      %swap3A_577 = vector.shape_cast %add3A_573 : vector<16xi32> to vector<16xi32>
      tpu.vector_store %arg9[%swap3A_574], %swap3A_577 {strides = array<i32>} : memref<128xi32, #tpu.memory_space<vmem>>, vector<16xi32>,
      %mul3A_578 = arith.constant 384 : i32
      %mul3A_579 = vector.broadcast %mul3A_578 : i32 to vector<16xi32>
      %mul3A_580 = arith.muli %get3A_557, %mul3A_579 : vector<16xi32>
      %mul3A_581 = arith.constant 12 : i32
      %mul3A_582 = vector.broadcast %mul3A_581 : i32 to vector<16xi32>
      %mul3A_583 = arith.muli %get3A_552, %mul3A_582 : vector<16xi32>
      %add3A_584 = arith.addi %mul3A_580, %mul3A_583 : vector<16xi32>
      %add3A_585 = arith.addi %add3A_584, %get3A_542 : vector<16xi32>
      %swap3A_586 = arith.constant 0 : index
      %swap3A_587 = tpu.vector_load %arg11[%swap3A_586] {strides = array<i32>} : memref<128xi32, #tpu.memory_space<vmem>>, vector<16xi32>,
      %swap3A_588 = vector.shape_cast %swap3A_587 : vector<16xi32> to vector<16xi32>
      %swap3A_589 = vector.shape_cast %add3A_585 : vector<16xi32> to vector<16xi32>
      tpu.vector_store %arg11[%swap3A_586], %swap3A_589 {strides = array<i32>} : memref<128xi32, #tpu.memory_space<vmem>>, vector<16xi32>,
      %get3A_590 = arith.constant 0 : i32
      %get3A_591 = arith.index_cast %get3A_590 : i32 to index
      %get3A_592 = arith.constant 16 : index
      %get3A_593 = tpu.vector_load %arg7[%get3A_591, %get3A_592] {strides = array<i32>} : memref<6x128xi32, #tpu.memory_space<vmem>>, vector<1x16xi32>,
      %get3A_594 = vector.shape_cast %get3A_593 : vector<1x16xi32> to vector<16xi32>
      %get3A_595 = arith.constant 1 : i32
      %get3A_596 = arith.index_cast %get3A_595 : i32 to index
      %get3A_597 = arith.constant 16 : index
      %get3A_598 = tpu.vector_load %arg7[%get3A_596, %get3A_597] {strides = array<i32>} : memref<6x128xi32, #tpu.memory_space<vmem>>, vector<1x16xi32>,
      %get3A_599 = vector.shape_cast %get3A_598 : vector<1x16xi32> to vector<16xi32>
      %get3A_600 = arith.constant 2 : i32
      %get3A_601 = arith.index_cast %get3A_600 : i32 to index
      %get3A_602 = arith.constant 16 : index
      %get3A_603 = tpu.vector_load %arg7[%get3A_601, %get3A_602] {strides = array<i32>} : memref<6x128xi32, #tpu.memory_space<vmem>>, vector<1x16xi32>,
      %get3A_604 = vector.shape_cast %get3A_603 : vector<1x16xi32> to vector<16xi32>
      %get3A_605 = arith.constant 3 : i32
      %get3A_606 = arith.index_cast %get3A_605 : i32 to index
      %get3A_607 = arith.constant 16 : index
      %get3A_608 = tpu.vector_load %arg7[%get3A_606, %get3A_607] {strides = array<i32>} : memref<6x128xi32, #tpu.memory_space<vmem>>, vector<1x16xi32>,
      %get3A_609 = vector.shape_cast %get3A_608 : vector<1x16xi32> to vector<16xi32>
      %get3A_610 = arith.constant 4 : i32
      %get3A_611 = arith.index_cast %get3A_610 : i32 to index
      %get3A_612 = arith.constant 16 : index
      %get3A_613 = tpu.vector_load %arg7[%get3A_611, %get3A_612] {strides = array<i32>} : memref<6x128xi32, #tpu.memory_space<vmem>>, vector<1x16xi32>,
      %get3A_614 = vector.shape_cast %get3A_613 : vector<1x16xi32> to vector<16xi32>
      %get3A_615 = arith.constant 5 : i32
      %get3A_616 = arith.index_cast %get3A_615 : i32 to index
      %get3A_617 = arith.constant 16 : index
      %get3A_618 = tpu.vector_load %arg7[%get3A_616, %get3A_617] {strides = array<i32>} : memref<6x128xi32, #tpu.memory_space<vmem>>, vector<1x16xi32>,
      %get3A_619 = vector.shape_cast %get3A_618 : vector<1x16xi32> to vector<16xi32>
      %mul3A_620 = arith.constant 140 : i32
      %mul3A_621 = vector.broadcast %mul3A_620 : i32 to vector<16xi32>
      %mul3A_622 = arith.muli %get3A_619, %mul3A_621 : vector<16xi32>
      %mul3A_623 = arith.constant 20 : i32
      %mul3A_624 = vector.broadcast %mul3A_623 : i32 to vector<16xi32>
      %mul3A_625 = arith.muli %get3A_604, %mul3A_624 : vector<16xi32>
      %add3A_626 = arith.addi %mul3A_622, %mul3A_625 : vector<16xi32>
      %sub3A_627 = arith.constant 2024 : i32
      %sub3A_628 = vector.broadcast %sub3A_627 : i32 to vector<16xi32>
      %sub3A_629 = arith.subi %get3A_594, %sub3A_628 : vector<16xi32>
      %add3A_630 = arith.addi %add3A_626, %sub3A_629 : vector<16xi32>
      %swap3A_631 = arith.constant 16 : index
      %swap3A_632 = tpu.vector_load %arg9[%swap3A_631] {strides = array<i32>} : memref<128xi32, #tpu.memory_space<vmem>>, vector<16xi32>,
      %swap3A_633 = vector.shape_cast %swap3A_632 : vector<16xi32> to vector<16xi32>
      %swap3A_634 = vector.shape_cast %add3A_630 : vector<16xi32> to vector<16xi32>
      tpu.vector_store %arg9[%swap3A_631], %swap3A_634 {strides = array<i32>} : memref<128xi32, #tpu.memory_space<vmem>>, vector<16xi32>,
      %mul3A_635 = arith.constant 384 : i32
      %mul3A_636 = vector.broadcast %mul3A_635 : i32 to vector<16xi32>
      %mul3A_637 = arith.muli %get3A_614, %mul3A_636 : vector<16xi32>
      %mul3A_638 = arith.constant 12 : i32
      %mul3A_639 = vector.broadcast %mul3A_638 : i32 to vector<16xi32>
      %mul3A_640 = arith.muli %get3A_609, %mul3A_639 : vector<16xi32>
      %add3A_641 = arith.addi %mul3A_637, %mul3A_640 : vector<16xi32>
      %add3A_642 = arith.addi %add3A_641, %get3A_599 : vector<16xi32>
      %swap3A_643 = arith.constant 16 : index
      %swap3A_644 = tpu.vector_load %arg11[%swap3A_643] {strides = array<i32>} : memref<128xi32, #tpu.memory_space<vmem>>, vector<16xi32>,
      %swap3A_645 = vector.shape_cast %swap3A_644 : vector<16xi32> to vector<16xi32>
      %swap3A_646 = vector.shape_cast %add3A_642 : vector<16xi32> to vector<16xi32>
      tpu.vector_store %arg11[%swap3A_643], %swap3A_646 {strides = array<i32>} : memref<128xi32, #tpu.memory_space<vmem>>, vector<16xi32>,
      %get3A_647 = arith.constant 0 : i32
      %get3A_648 = arith.index_cast %get3A_647 : i32 to index
      %get3A_649 = arith.constant 32 : index
      %get3A_650 = tpu.vector_load %arg7[%get3A_648, %get3A_649] {strides = array<i32>} : memref<6x128xi32, #tpu.memory_space<vmem>>, vector<1x16xi32>,
      %get3A_651 = vector.shape_cast %get3A_650 : vector<1x16xi32> to vector<16xi32>
      %get3A_652 = arith.constant 1 : i32
      %get3A_653 = arith.index_cast %get3A_652 : i32 to index
      %get3A_654 = arith.constant 32 : index
      %get3A_655 = tpu.vector_load %arg7[%get3A_653, %get3A_654] {strides = array<i32>} : memref<6x128xi32, #tpu.memory_space<vmem>>, vector<1x16xi32>,
      %get3A_656 = vector.shape_cast %get3A_655 : vector<1x16xi32> to vector<16xi32>
      %get3A_657 = arith.constant 2 : i32
      %get3A_658 = arith.index_cast %get3A_657 : i32 to index
      %get3A_659 = arith.constant 32 : index
      %get3A_660 = tpu.vector_load %arg7[%get3A_658, %get3A_659] {strides = array<i32>} : memref<6x128xi32, #tpu.memory_space<vmem>>, vector<1x16xi32>,
      %get3A_661 = vector.shape_cast %get3A_660 : vector<1x16xi32> to vector<16xi32>
      %get3A_662 = arith.constant 3 : i32
      %get3A_663 = arith.index_cast %get3A_662 : i32 to index
      %get3A_664 = arith.constant 32 : index
      %get3A_665 = tpu.vector_load %arg7[%get3A_663, %get3A_664] {strides = array<i32>} : memref<6x128xi32, #tpu.memory_space<vmem>>, vector<1x16xi32>,
      %get3A_666 = vector.shape_cast %get3A_665 : vector<1x16xi32> to vector<16xi32>
      %get3A_667 = arith.constant 4 : i32
      %get3A_668 = arith.index_cast %get3A_667 : i32 to index
      %get3A_669 = arith.constant 32 : index
      %get3A_670 = tpu.vector_load %arg7[%get3A_668, %get3A_669] {strides = array<i32>} : memref<6x128xi32, #tpu.memory_space<vmem>>, vector<1x16xi32>,
      %get3A_671 = vector.shape_cast %get3A_670 : vector<1x16xi32> to vector<16xi32>
      %get3A_672 = arith.constant 5 : i32
      %get3A_673 = arith.index_cast %get3A_672 : i32 to index
      %get3A_674 = arith.constant 32 : index
      %get3A_675 = tpu.vector_load %arg7[%get3A_673, %get3A_674] {strides = array<i32>} : memref<6x128xi32, #tpu.memory_space<vmem>>, vector<1x16xi32>,
      %get3A_676 = vector.shape_cast %get3A_675 : vector<1x16xi32> to vector<16xi32>
      %mul3A_677 = arith.constant 140 : i32
      %mul3A_678 = vector.broadcast %mul3A_677 : i32 to vector<16xi32>
      %mul3A_679 = arith.muli %get3A_676, %mul3A_678 : vector<16xi32>
      %mul3A_680 = arith.constant 20 : i32
      %mul3A_681 = vector.broadcast %mul3A_680 : i32 to vector<16xi32>
      %mul3A_682 = arith.muli %get3A_661, %mul3A_681 : vector<16xi32>
      %add3A_683 = arith.addi %mul3A_679, %mul3A_682 : vector<16xi32>
      %sub3A_684 = arith.constant 2024 : i32
      %sub3A_685 = vector.broadcast %sub3A_684 : i32 to vector<16xi32>
      %sub3A_686 = arith.subi %get3A_651, %sub3A_685 : vector<16xi32>
      %add3A_687 = arith.addi %add3A_683, %sub3A_686 : vector<16xi32>
      %swap3A_688 = arith.constant 32 : index
      %swap3A_689 = tpu.vector_load %arg9[%swap3A_688] {strides = array<i32>} : memref<128xi32, #tpu.memory_space<vmem>>, vector<16xi32>,
      %swap3A_690 = vector.shape_cast %swap3A_689 : vector<16xi32> to vector<16xi32>
      %swap3A_691 = vector.shape_cast %add3A_687 : vector<16xi32> to vector<16xi32>
      tpu.vector_store %arg9[%swap3A_688], %swap3A_691 {strides = array<i32>} : memref<128xi32, #tpu.memory_space<vmem>>, vector<16xi32>,
      %mul3A_692 = arith.constant 384 : i32
      %mul3A_693 = vector.broadcast %mul3A_692 : i32 to vector<16xi32>
      %mul3A_694 = arith.muli %get3A_671, %mul3A_693 : vector<16xi32>
      %mul3A_695 = arith.constant 12 : i32
      %mul3A_696 = vector.broadcast %mul3A_695 : i32 to vector<16xi32>
      %mul3A_697 = arith.muli %get3A_666, %mul3A_696 : vector<16xi32>
      %add3A_698 = arith.addi %mul3A_694, %mul3A_697 : vector<16xi32>
      %add3A_699 = arith.addi %add3A_698, %get3A_656 : vector<16xi32>
      %swap3A_700 = arith.constant 32 : index
      %swap3A_701 = tpu.vector_load %arg11[%swap3A_700] {strides = array<i32>} : memref<128xi32, #tpu.memory_space<vmem>>, vector<16xi32>,
      %swap3A_702 = vector.shape_cast %swap3A_701 : vector<16xi32> to vector<16xi32>
      %swap3A_703 = vector.shape_cast %add3A_699 : vector<16xi32> to vector<16xi32>
      tpu.vector_store %arg11[%swap3A_700], %swap3A_703 {strides = array<i32>} : memref<128xi32, #tpu.memory_space<vmem>>, vector<16xi32>,
      %get3A_704 = arith.constant 0 : i32
      %get3A_705 = arith.index_cast %get3A_704 : i32 to index
      %get3A_706 = arith.constant 48 : index
      %get3A_707 = tpu.vector_load %arg7[%get3A_705, %get3A_706] {strides = array<i32>} : memref<6x128xi32, #tpu.memory_space<vmem>>, vector<1x16xi32>,
      %get3A_708 = vector.shape_cast %get3A_707 : vector<1x16xi32> to vector<16xi32>
      %get3A_709 = arith.constant 1 : i32
      %get3A_710 = arith.index_cast %get3A_709 : i32 to index
      %get3A_711 = arith.constant 48 : index
      %get3A_712 = tpu.vector_load %arg7[%get3A_710, %get3A_711] {strides = array<i32>} : memref<6x128xi32, #tpu.memory_space<vmem>>, vector<1x16xi32>,
      %get3A_713 = vector.shape_cast %get3A_712 : vector<1x16xi32> to vector<16xi32>
      %get3A_714 = arith.constant 2 : i32
      %get3A_715 = arith.index_cast %get3A_714 : i32 to index
      %get3A_716 = arith.constant 48 : index
      %get3A_717 = tpu.vector_load %arg7[%get3A_715, %get3A_716] {strides = array<i32>} : memref<6x128xi32, #tpu.memory_space<vmem>>, vector<1x16xi32>,
      %get3A_718 = vector.shape_cast %get3A_717 : vector<1x16xi32> to vector<16xi32>
      %get3A_719 = arith.constant 3 : i32
      %get3A_720 = arith.index_cast %get3A_719 : i32 to index
      %get3A_721 = arith.constant 48 : index
      %get3A_722 = tpu.vector_load %arg7[%get3A_720, %get3A_721] {strides = array<i32>} : memref<6x128xi32, #tpu.memory_space<vmem>>, vector<1x16xi32>,
      %get3A_723 = vector.shape_cast %get3A_722 : vector<1x16xi32> to vector<16xi32>
      %get3A_724 = arith.constant 4 : i32
      %get3A_725 = arith.index_cast %get3A_724 : i32 to index
      %get3A_726 = arith.constant 48 : index
      %get3A_727 = tpu.vector_load %arg7[%get3A_725, %get3A_726] {strides = array<i32>} : memref<6x128xi32, #tpu.memory_space<vmem>>, vector<1x16xi32>,
      %get3A_728 = vector.shape_cast %get3A_727 : vector<1x16xi32> to vector<16xi32>
      %get3A_729 = arith.constant 5 : i32
      %get3A_730 = arith.index_cast %get3A_729 : i32 to index
      %get3A_731 = arith.constant 48 : index
      %get3A_732 = tpu.vector_load %arg7[%get3A_730, %get3A_731] {strides = array<i32>} : memref<6x128xi32, #tpu.memory_space<vmem>>, vector<1x16xi32>,
      %get3A_733 = vector.shape_cast %get3A_732 : vector<1x16xi32> to vector<16xi32>
      %mul3A_734 = arith.constant 140 : i32
      %mul3A_735 = vector.broadcast %mul3A_734 : i32 to vector<16xi32>
      %mul3A_736 = arith.muli %get3A_733, %mul3A_735 : vector<16xi32>
      %mul3A_737 = arith.constant 20 : i32
      %mul3A_738 = vector.broadcast %mul3A_737 : i32 to vector<16xi32>
      %mul3A_739 = arith.muli %get3A_718, %mul3A_738 : vector<16xi32>
      %add3A_740 = arith.addi %mul3A_736, %mul3A_739 : vector<16xi32>
      %sub3A_741 = arith.constant 2024 : i32
      %sub3A_742 = vector.broadcast %sub3A_741 : i32 to vector<16xi32>
      %sub3A_743 = arith.subi %get3A_708, %sub3A_742 : vector<16xi32>
      %add3A_744 = arith.addi %add3A_740, %sub3A_743 : vector<16xi32>
      %swap3A_745 = arith.constant 48 : index
      %swap3A_746 = tpu.vector_load %arg9[%swap3A_745] {strides = array<i32>} : memref<128xi32, #tpu.memory_space<vmem>>, vector<16xi32>,
      %swap3A_747 = vector.shape_cast %swap3A_746 : vector<16xi32> to vector<16xi32>
      %swap3A_748 = vector.shape_cast %add3A_744 : vector<16xi32> to vector<16xi32>
      tpu.vector_store %arg9[%swap3A_745], %swap3A_748 {strides = array<i32>} : memref<128xi32, #tpu.memory_space<vmem>>, vector<16xi32>,
      %mul3A_749 = arith.constant 384 : i32
      %mul3A_750 = vector.broadcast %mul3A_749 : i32 to vector<16xi32>
      %mul3A_751 = arith.muli %get3A_728, %mul3A_750 : vector<16xi32>
      %mul3A_752 = arith.constant 12 : i32
      %mul3A_753 = vector.broadcast %mul3A_752 : i32 to vector<16xi32>
      %mul3A_754 = arith.muli %get3A_723, %mul3A_753 : vector<16xi32>
      %add3A_755 = arith.addi %mul3A_751, %mul3A_754 : vector<16xi32>
      %add3A_756 = arith.addi %add3A_755, %get3A_713 : vector<16xi32>
      %swap3A_757 = arith.constant 48 : index
      %swap3A_758 = tpu.vector_load %arg11[%swap3A_757] {strides = array<i32>} : memref<128xi32, #tpu.memory_space<vmem>>, vector<16xi32>,
      %swap3A_759 = vector.shape_cast %swap3A_758 : vector<16xi32> to vector<16xi32>
      %swap3A_760 = vector.shape_cast %add3A_756 : vector<16xi32> to vector<16xi32>
      tpu.vector_store %arg11[%swap3A_757], %swap3A_760 {strides = array<i32>} : memref<128xi32, #tpu.memory_space<vmem>>, vector<16xi32>,
      %get3A_761 = arith.constant 0 : i32
      %get3A_762 = arith.index_cast %get3A_761 : i32 to index
      %get3A_763 = arith.constant 64 : index
      %get3A_764 = tpu.vector_load %arg7[%get3A_762, %get3A_763] {strides = array<i32>} : memref<6x128xi32, #tpu.memory_space<vmem>>, vector<1x16xi32>,
      %get3A_765 = vector.shape_cast %get3A_764 : vector<1x16xi32> to vector<16xi32>
      %get3A_766 = arith.constant 1 : i32
      %get3A_767 = arith.index_cast %get3A_766 : i32 to index
      %get3A_768 = arith.constant 64 : index
      %get3A_769 = tpu.vector_load %arg7[%get3A_767, %get3A_768] {strides = array<i32>} : memref<6x128xi32, #tpu.memory_space<vmem>>, vector<1x16xi32>,
      %get3A_770 = vector.shape_cast %get3A_769 : vector<1x16xi32> to vector<16xi32>
      %get3A_771 = arith.constant 2 : i32
      %get3A_772 = arith.index_cast %get3A_771 : i32 to index
      %get3A_773 = arith.constant 64 : index
      %get3A_774 = tpu.vector_load %arg7[%get3A_772, %get3A_773] {strides = array<i32>} : memref<6x128xi32, #tpu.memory_space<vmem>>, vector<1x16xi32>,
      %get3A_775 = vector.shape_cast %get3A_774 : vector<1x16xi32> to vector<16xi32>
      %get3A_776 = arith.constant 3 : i32
      %get3A_777 = arith.index_cast %get3A_776 : i32 to index
      %get3A_778 = arith.constant 64 : index
      %get3A_779 = tpu.vector_load %arg7[%get3A_777, %get3A_778] {strides = array<i32>} : memref<6x128xi32, #tpu.memory_space<vmem>>, vector<1x16xi32>,
      %get3A_780 = vector.shape_cast %get3A_779 : vector<1x16xi32> to vector<16xi32>
      %get3A_781 = arith.constant 4 : i32
      %get3A_782 = arith.index_cast %get3A_781 : i32 to index
      %get3A_783 = arith.constant 64 : index
      %get3A_784 = tpu.vector_load %arg7[%get3A_782, %get3A_783] {strides = array<i32>} : memref<6x128xi32, #tpu.memory_space<vmem>>, vector<1x16xi32>,
      %get3A_785 = vector.shape_cast %get3A_784 : vector<1x16xi32> to vector<16xi32>
      %get3A_786 = arith.constant 5 : i32
      %get3A_787 = arith.index_cast %get3A_786 : i32 to index
      %get3A_788 = arith.constant 64 : index
      %get3A_789 = tpu.vector_load %arg7[%get3A_787, %get3A_788] {strides = array<i32>} : memref<6x128xi32, #tpu.memory_space<vmem>>, vector<1x16xi32>,
      %get3A_790 = vector.shape_cast %get3A_789 : vector<1x16xi32> to vector<16xi32>
      %mul3A_791 = arith.constant 140 : i32
      %mul3A_792 = vector.broadcast %mul3A_791 : i32 to vector<16xi32>
      %mul3A_793 = arith.muli %get3A_790, %mul3A_792 : vector<16xi32>
      %mul3A_794 = arith.constant 20 : i32
      %mul3A_795 = vector.broadcast %mul3A_794 : i32 to vector<16xi32>
      %mul3A_796 = arith.muli %get3A_775, %mul3A_795 : vector<16xi32>
      %add3A_797 = arith.addi %mul3A_793, %mul3A_796 : vector<16xi32>
      %sub3A_798 = arith.constant 2024 : i32
      %sub3A_799 = vector.broadcast %sub3A_798 : i32 to vector<16xi32>
      %sub3A_800 = arith.subi %get3A_765, %sub3A_799 : vector<16xi32>
      %add3A_801 = arith.addi %add3A_797, %sub3A_800 : vector<16xi32>
      %swap3A_802 = arith.constant 64 : index
      %swap3A_803 = tpu.vector_load %arg9[%swap3A_802] {strides = array<i32>} : memref<128xi32, #tpu.memory_space<vmem>>, vector<16xi32>,
      %swap3A_804 = vector.shape_cast %swap3A_803 : vector<16xi32> to vector<16xi32>
      %swap3A_805 = vector.shape_cast %add3A_801 : vector<16xi32> to vector<16xi32>
      tpu.vector_store %arg9[%swap3A_802], %swap3A_805 {strides = array<i32>} : memref<128xi32, #tpu.memory_space<vmem>>, vector<16xi32>,
      %mul3A_806 = arith.constant 384 : i32
      %mul3A_807 = vector.broadcast %mul3A_806 : i32 to vector<16xi32>
      %mul3A_808 = arith.muli %get3A_785, %mul3A_807 : vector<16xi32>
      %mul3A_809 = arith.constant 12 : i32
      %mul3A_810 = vector.broadcast %mul3A_809 : i32 to vector<16xi32>
      %mul3A_811 = arith.muli %get3A_780, %mul3A_810 : vector<16xi32>
      %add3A_812 = arith.addi %mul3A_808, %mul3A_811 : vector<16xi32>
      %add3A_813 = arith.addi %add3A_812, %get3A_770 : vector<16xi32>
      %swap3A_814 = arith.constant 64 : index
      %swap3A_815 = tpu.vector_load %arg11[%swap3A_814] {strides = array<i32>} : memref<128xi32, #tpu.memory_space<vmem>>, vector<16xi32>,
      %swap3A_816 = vector.shape_cast %swap3A_815 : vector<16xi32> to vector<16xi32>
      %swap3A_817 = vector.shape_cast %add3A_813 : vector<16xi32> to vector<16xi32>
      tpu.vector_store %arg11[%swap3A_814], %swap3A_817 {strides = array<i32>} : memref<128xi32, #tpu.memory_space<vmem>>, vector<16xi32>,
      %get3A_818 = arith.constant 0 : i32
      %get3A_819 = arith.index_cast %get3A_818 : i32 to index
      %get3A_820 = arith.constant 80 : index
      %get3A_821 = tpu.vector_load %arg7[%get3A_819, %get3A_820] {strides = array<i32>} : memref<6x128xi32, #tpu.memory_space<vmem>>, vector<1x16xi32>,
      %get3A_822 = vector.shape_cast %get3A_821 : vector<1x16xi32> to vector<16xi32>
      %get3A_823 = arith.constant 1 : i32
      %get3A_824 = arith.index_cast %get3A_823 : i32 to index
      %get3A_825 = arith.constant 80 : index
      %get3A_826 = tpu.vector_load %arg7[%get3A_824, %get3A_825] {strides = array<i32>} : memref<6x128xi32, #tpu.memory_space<vmem>>, vector<1x16xi32>,
      %get3A_827 = vector.shape_cast %get3A_826 : vector<1x16xi32> to vector<16xi32>
      %get3A_828 = arith.constant 2 : i32
      %get3A_829 = arith.index_cast %get3A_828 : i32 to index
      %get3A_830 = arith.constant 80 : index
      %get3A_831 = tpu.vector_load %arg7[%get3A_829, %get3A_830] {strides = array<i32>} : memref<6x128xi32, #tpu.memory_space<vmem>>, vector<1x16xi32>,
      %get3A_832 = vector.shape_cast %get3A_831 : vector<1x16xi32> to vector<16xi32>
      %get3A_833 = arith.constant 3 : i32
      %get3A_834 = arith.index_cast %get3A_833 : i32 to index
      %get3A_835 = arith.constant 80 : index
      %get3A_836 = tpu.vector_load %arg7[%get3A_834, %get3A_835] {strides = array<i32>} : memref<6x128xi32, #tpu.memory_space<vmem>>, vector<1x16xi32>,
      %get3A_837 = vector.shape_cast %get3A_836 : vector<1x16xi32> to vector<16xi32>
      %get3A_838 = arith.constant 4 : i32
      %get3A_839 = arith.index_cast %get3A_838 : i32 to index
      %get3A_840 = arith.constant 80 : index
      %get3A_841 = tpu.vector_load %arg7[%get3A_839, %get3A_840] {strides = array<i32>} : memref<6x128xi32, #tpu.memory_space<vmem>>, vector<1x16xi32>,
      %get3A_842 = vector.shape_cast %get3A_841 : vector<1x16xi32> to vector<16xi32>
      %get3A_843 = arith.constant 5 : i32
      %get3A_844 = arith.index_cast %get3A_843 : i32 to index
      %get3A_845 = arith.constant 80 : index
      %get3A_846 = tpu.vector_load %arg7[%get3A_844, %get3A_845] {strides = array<i32>} : memref<6x128xi32, #tpu.memory_space<vmem>>, vector<1x16xi32>,
      %get3A_847 = vector.shape_cast %get3A_846 : vector<1x16xi32> to vector<16xi32>
      %mul3A_848 = arith.constant 140 : i32
      %mul3A_849 = vector.broadcast %mul3A_848 : i32 to vector<16xi32>
      %mul3A_850 = arith.muli %get3A_847, %mul3A_849 : vector<16xi32>
      %mul3A_851 = arith.constant 20 : i32
      %mul3A_852 = vector.broadcast %mul3A_851 : i32 to vector<16xi32>
      %mul3A_853 = arith.muli %get3A_832, %mul3A_852 : vector<16xi32>
      %add3A_854 = arith.addi %mul3A_850, %mul3A_853 : vector<16xi32>
      %sub3A_855 = arith.constant 2024 : i32
      %sub3A_856 = vector.broadcast %sub3A_855 : i32 to vector<16xi32>
      %sub3A_857 = arith.subi %get3A_822, %sub3A_856 : vector<16xi32>
      %add3A_858 = arith.addi %add3A_854, %sub3A_857 : vector<16xi32>
      %swap3A_859 = arith.constant 80 : index
      %swap3A_860 = tpu.vector_load %arg9[%swap3A_859] {strides = array<i32>} : memref<128xi32, #tpu.memory_space<vmem>>, vector<16xi32>,
      %swap3A_861 = vector.shape_cast %swap3A_860 : vector<16xi32> to vector<16xi32>
      %swap3A_862 = vector.shape_cast %add3A_858 : vector<16xi32> to vector<16xi32>
      tpu.vector_store %arg9[%swap3A_859], %swap3A_862 {strides = array<i32>} : memref<128xi32, #tpu.memory_space<vmem>>, vector<16xi32>,
      %mul3A_863 = arith.constant 384 : i32
      %mul3A_864 = vector.broadcast %mul3A_863 : i32 to vector<16xi32>
      %mul3A_865 = arith.muli %get3A_842, %mul3A_864 : vector<16xi32>
      %mul3A_866 = arith.constant 12 : i32
      %mul3A_867 = vector.broadcast %mul3A_866 : i32 to vector<16xi32>
      %mul3A_868 = arith.muli %get3A_837, %mul3A_867 : vector<16xi32>
      %add3A_869 = arith.addi %mul3A_865, %mul3A_868 : vector<16xi32>
      %add3A_870 = arith.addi %add3A_869, %get3A_827 : vector<16xi32>
      %swap3A_871 = arith.constant 80 : index
      %swap3A_872 = tpu.vector_load %arg11[%swap3A_871] {strides = array<i32>} : memref<128xi32, #tpu.memory_space<vmem>>, vector<16xi32>,
      %swap3A_873 = vector.shape_cast %swap3A_872 : vector<16xi32> to vector<16xi32>
      %swap3A_874 = vector.shape_cast %add3A_870 : vector<16xi32> to vector<16xi32>
      tpu.vector_store %arg11[%swap3A_871], %swap3A_874 {strides = array<i32>} : memref<128xi32, #tpu.memory_space<vmem>>, vector<16xi32>,
      %get3A_875 = arith.constant 0 : i32
      %get3A_876 = arith.index_cast %get3A_875 : i32 to index
      %get3A_877 = arith.constant 96 : index
      %get3A_878 = tpu.vector_load %arg7[%get3A_876, %get3A_877] {strides = array<i32>} : memref<6x128xi32, #tpu.memory_space<vmem>>, vector<1x16xi32>,
      %get3A_879 = vector.shape_cast %get3A_878 : vector<1x16xi32> to vector<16xi32>
      %get3A_880 = arith.constant 1 : i32
      %get3A_881 = arith.index_cast %get3A_880 : i32 to index
      %get3A_882 = arith.constant 96 : index
      %get3A_883 = tpu.vector_load %arg7[%get3A_881, %get3A_882] {strides = array<i32>} : memref<6x128xi32, #tpu.memory_space<vmem>>, vector<1x16xi32>,
      %get3A_884 = vector.shape_cast %get3A_883 : vector<1x16xi32> to vector<16xi32>
      %get3A_885 = arith.constant 2 : i32
      %get3A_886 = arith.index_cast %get3A_885 : i32 to index
      %get3A_887 = arith.constant 96 : index
      %get3A_888 = tpu.vector_load %arg7[%get3A_886, %get3A_887] {strides = array<i32>} : memref<6x128xi32, #tpu.memory_space<vmem>>, vector<1x16xi32>,
      %get3A_889 = vector.shape_cast %get3A_888 : vector<1x16xi32> to vector<16xi32>
      %get3A_890 = arith.constant 3 : i32
      %get3A_891 = arith.index_cast %get3A_890 : i32 to index
      %get3A_892 = arith.constant 96 : index
      %get3A_893 = tpu.vector_load %arg7[%get3A_891, %get3A_892] {strides = array<i32>} : memref<6x128xi32, #tpu.memory_space<vmem>>, vector<1x16xi32>,
      %get3A_894 = vector.shape_cast %get3A_893 : vector<1x16xi32> to vector<16xi32>
      %get3A_895 = arith.constant 4 : i32
      %get3A_896 = arith.index_cast %get3A_895 : i32 to index
      %get3A_897 = arith.constant 96 : index
      %get3A_898 = tpu.vector_load %arg7[%get3A_896, %get3A_897] {strides = array<i32>} : memref<6x128xi32, #tpu.memory_space<vmem>>, vector<1x16xi32>,
      %get3A_899 = vector.shape_cast %get3A_898 : vector<1x16xi32> to vector<16xi32>
      %get3A_900 = arith.constant 5 : i32
      %get3A_901 = arith.index_cast %get3A_900 : i32 to index
      %get3A_902 = arith.constant 96 : index
      %get3A_903 = tpu.vector_load %arg7[%get3A_901, %get3A_902] {strides = array<i32>} : memref<6x128xi32, #tpu.memory_space<vmem>>, vector<1x16xi32>,
      %get3A_904 = vector.shape_cast %get3A_903 : vector<1x16xi32> to vector<16xi32>
      %mul3A_905 = arith.constant 140 : i32
      %mul3A_906 = vector.broadcast %mul3A_905 : i32 to vector<16xi32>
      %mul3A_907 = arith.muli %get3A_904, %mul3A_906 : vector<16xi32>
      %mul3A_908 = arith.constant 20 : i32
      %mul3A_909 = vector.broadcast %mul3A_908 : i32 to vector<16xi32>
      %mul3A_910 = arith.muli %get3A_889, %mul3A_909 : vector<16xi32>
      %add3A_911 = arith.addi %mul3A_907, %mul3A_910 : vector<16xi32>
      %sub3A_912 = arith.constant 2024 : i32
      %sub3A_913 = vector.broadcast %sub3A_912 : i32 to vector<16xi32>
      %sub3A_914 = arith.subi %get3A_879, %sub3A_913 : vector<16xi32>
      %add3A_915 = arith.addi %add3A_911, %sub3A_914 : vector<16xi32>
      %swap3A_916 = arith.constant 96 : index
      %swap3A_917 = tpu.vector_load %arg9[%swap3A_916] {strides = array<i32>} : memref<128xi32, #tpu.memory_space<vmem>>, vector<16xi32>,
      %swap3A_918 = vector.shape_cast %swap3A_917 : vector<16xi32> to vector<16xi32>
      %swap3A_919 = vector.shape_cast %add3A_915 : vector<16xi32> to vector<16xi32>
      tpu.vector_store %arg9[%swap3A_916], %swap3A_919 {strides = array<i32>} : memref<128xi32, #tpu.memory_space<vmem>>, vector<16xi32>,
      %mul3A_920 = arith.constant 384 : i32
      %mul3A_921 = vector.broadcast %mul3A_920 : i32 to vector<16xi32>
      %mul3A_922 = arith.muli %get3A_899, %mul3A_921 : vector<16xi32>
      %mul3A_923 = arith.constant 12 : i32
      %mul3A_924 = vector.broadcast %mul3A_923 : i32 to vector<16xi32>
      %mul3A_925 = arith.muli %get3A_894, %mul3A_924 : vector<16xi32>
      %add3A_926 = arith.addi %mul3A_922, %mul3A_925 : vector<16xi32>
      %add3A_927 = arith.addi %add3A_926, %get3A_884 : vector<16xi32>
      %swap3A_928 = arith.constant 96 : index
      %swap3A_929 = tpu.vector_load %arg11[%swap3A_928] {strides = array<i32>} : memref<128xi32, #tpu.memory_space<vmem>>, vector<16xi32>,
      %swap3A_930 = vector.shape_cast %swap3A_929 : vector<16xi32> to vector<16xi32>
      %swap3A_931 = vector.shape_cast %add3A_927 : vector<16xi32> to vector<16xi32>
      tpu.vector_store %arg11[%swap3A_928], %swap3A_931 {strides = array<i32>} : memref<128xi32, #tpu.memory_space<vmem>>, vector<16xi32>,
      %get3A_932 = arith.constant 0 : i32
      %get3A_933 = arith.index_cast %get3A_932 : i32 to index
      %get3A_934 = arith.constant 112 : index
      %get3A_935 = tpu.vector_load %arg7[%get3A_933, %get3A_934] {strides = array<i32>} : memref<6x128xi32, #tpu.memory_space<vmem>>, vector<1x16xi32>,
      %get3A_936 = vector.shape_cast %get3A_935 : vector<1x16xi32> to vector<16xi32>
      %get3A_937 = arith.constant 1 : i32
      %get3A_938 = arith.index_cast %get3A_937 : i32 to index
      %get3A_939 = arith.constant 112 : index
      %get3A_940 = tpu.vector_load %arg7[%get3A_938, %get3A_939] {strides = array<i32>} : memref<6x128xi32, #tpu.memory_space<vmem>>, vector<1x16xi32>,
      %get3A_941 = vector.shape_cast %get3A_940 : vector<1x16xi32> to vector<16xi32>
      %get3A_942 = arith.constant 2 : i32
      %get3A_943 = arith.index_cast %get3A_942 : i32 to index
      %get3A_944 = arith.constant 112 : index
      %get3A_945 = tpu.vector_load %arg7[%get3A_943, %get3A_944] {strides = array<i32>} : memref<6x128xi32, #tpu.memory_space<vmem>>, vector<1x16xi32>,
      %get3A_946 = vector.shape_cast %get3A_945 : vector<1x16xi32> to vector<16xi32>
      %get3A_947 = arith.constant 3 : i32
      %get3A_948 = arith.index_cast %get3A_947 : i32 to index
      %get3A_949 = arith.constant 112 : index
      %get3A_950 = tpu.vector_load %arg7[%get3A_948, %get3A_949] {strides = array<i32>} : memref<6x128xi32, #tpu.memory_space<vmem>>, vector<1x16xi32>,
      %get3A_951 = vector.shape_cast %get3A_950 : vector<1x16xi32> to vector<16xi32>
      %get3A_952 = arith.constant 4 : i32
      %get3A_953 = arith.index_cast %get3A_952 : i32 to index
      %get3A_954 = arith.constant 112 : index
      %get3A_955 = tpu.vector_load %arg7[%get3A_953, %get3A_954] {strides = array<i32>} : memref<6x128xi32, #tpu.memory_space<vmem>>, vector<1x16xi32>,
      %get3A_956 = vector.shape_cast %get3A_955 : vector<1x16xi32> to vector<16xi32>
      %get3A_957 = arith.constant 5 : i32
      %get3A_958 = arith.index_cast %get3A_957 : i32 to index
      %get3A_959 = arith.constant 112 : index
      %get3A_960 = tpu.vector_load %arg7[%get3A_958, %get3A_959] {strides = array<i32>} : memref<6x128xi32, #tpu.memory_space<vmem>>, vector<1x16xi32>,
      %get3A_961 = vector.shape_cast %get3A_960 : vector<1x16xi32> to vector<16xi32>
      %mul3A_962 = arith.constant 140 : i32
      %mul3A_963 = vector.broadcast %mul3A_962 : i32 to vector<16xi32>
      %mul3A_964 = arith.muli %get3A_961, %mul3A_963 : vector<16xi32>
      %mul3A_965 = arith.constant 20 : i32
      %mul3A_966 = vector.broadcast %mul3A_965 : i32 to vector<16xi32>
      %mul3A_967 = arith.muli %get3A_946, %mul3A_966 : vector<16xi32>
      %add3A_968 = arith.addi %mul3A_964, %mul3A_967 : vector<16xi32>
      %sub3A_969 = arith.constant 2024 : i32
      %sub3A_970 = vector.broadcast %sub3A_969 : i32 to vector<16xi32>
      %sub3A_971 = arith.subi %get3A_936, %sub3A_970 : vector<16xi32>
      %add3A_972 = arith.addi %add3A_968, %sub3A_971 : vector<16xi32>
      %swap3A_973 = arith.constant 112 : index
      %swap3A_974 = tpu.vector_load %arg9[%swap3A_973] {strides = array<i32>} : memref<128xi32, #tpu.memory_space<vmem>>, vector<16xi32>,
      %swap3A_975 = vector.shape_cast %swap3A_974 : vector<16xi32> to vector<16xi32>
      %swap3A_976 = vector.shape_cast %add3A_972 : vector<16xi32> to vector<16xi32>
      tpu.vector_store %arg9[%swap3A_973], %swap3A_976 {strides = array<i32>} : memref<128xi32, #tpu.memory_space<vmem>>, vector<16xi32>,
      %mul3A_977 = arith.constant 384 : i32
      %mul3A_978 = vector.broadcast %mul3A_977 : i32 to vector<16xi32>
      %mul3A_979 = arith.muli %get3A_956, %mul3A_978 : vector<16xi32>
      %mul3A_980 = arith.constant 12 : i32
      %mul3A_981 = vector.broadcast %mul3A_980 : i32 to vector<16xi32>
      %mul3A_982 = arith.muli %get3A_951, %mul3A_981 : vector<16xi32>
      %add3A_983 = arith.addi %mul3A_979, %mul3A_982 : vector<16xi32>
      %add3A_984 = arith.addi %add3A_983, %get3A_941 : vector<16xi32>
      %swap3A_985 = arith.constant 112 : index
      %swap3A_986 = tpu.vector_load %arg11[%swap3A_985] {strides = array<i32>} : memref<128xi32, #tpu.memory_space<vmem>>, vector<16xi32>,
      %swap3A_987 = vector.shape_cast %swap3A_986 : vector<16xi32> to vector<16xi32>
      %swap3A_988 = vector.shape_cast %add3A_984 : vector<16xi32> to vector<16xi32>
      tpu.vector_store %arg11[%swap3A_985], %swap3A_988 {strides = array<i32>} : memref<128xi32, #tpu.memory_space<vmem>>, vector<16xi32>,
      %ge3A_989 = arith.constant 2 : i32
      %ge3A_990 = arith.cmpi sge, %add3A_526, %ge3A_989 : i32
      %convert_element_type3A_991 = arith.extui %ge3A_990 : i1 to i32
      %cond3A_992 = arith.constant 0 : i32
      %cond3A_993 = arith.cmpi ne, %convert_element_type3A_991, %cond3A_992 : i32
      scf.if %cond3A_993 {
        %dma_wait3A_1012 = arith.constant 0 : i32
        %dma_wait3A_1013 = arith.constant 0 : i32
        %dma_wait3A_1014 = tpu.memref_slice %arg5[%dma_wait3A_1012, %dma_wait3A_1013] : memref<204800x128xf32, #tpu.memory_space<hbm>> -> memref<128x128xf32, #tpu.memory_space<hbm>>
        %dma_wait3A_1015 = arith.constant 0 : i32
        %dma_wait3A_1016 = arith.constant 0 : i32
        %dma_wait3A_1017 = tpu.memref_slice %arg5[%dma_wait3A_1015, %dma_wait3A_1016] : memref<204800x128xf32, #tpu.memory_space<hbm>> -> memref<128x128xf32, #tpu.memory_space<hbm>>
        tpu.wait_dma2 semaphore(%arg23 : memref<!tpu.dma_semaphore, #tpu.memory_space<semaphore_mem>>) src(%arg13 : memref<128x128xf32, #tpu.memory_space<vmem>>) dst(%dma_wait3A_1017 : memref<128x128xf32, #tpu.memory_space<hbm>>)
      } else {
      }
      %dma_start3A_994 = arith.constant 0 : i32
      %dma_start3A_995 = arith.constant 0 : i32
      %dma_start3A_996 = tpu.memref_slice %arg2[%dma_start3A_994, %dma_start3A_995] : memref<8400x128xf32, #tpu.memory_space<hbm>> -> memref<8400x128xf32, #tpu.memory_space<hbm>>
      tpu.enqueue_indirect_dma source(%dma_start3A_996 : memref<8400x128xf32, #tpu.memory_space<hbm>>) target(%arg13 : memref<128x128xf32, #tpu.memory_space<vmem>>) offsets(%arg9 : memref<128xi32, #tpu.memory_space<vmem>>) semaphore(%arg19 : memref<!tpu.dma_semaphore, #tpu.memory_space<semaphore_mem>>)
      %dma_start3A_997 = arith.constant 0 : i32
      %dma_start3A_998 = arith.constant 0 : i32
      %dma_start3A_999 = tpu.memref_slice %arg3[%dma_start3A_997, %dma_start3A_998] : memref<9216x128xf32, #tpu.memory_space<hbm>> -> memref<9216x128xf32, #tpu.memory_space<hbm>>
      tpu.enqueue_indirect_dma source(%dma_start3A_999 : memref<9216x128xf32, #tpu.memory_space<hbm>>) target(%arg15 : memref<128x128xf32, #tpu.memory_space<vmem>>) offsets(%arg11 : memref<128xi32, #tpu.memory_space<vmem>>) semaphore(%arg21 : memref<!tpu.dma_semaphore, #tpu.memory_space<semaphore_mem>>)
      %add3A_1000 = arith.constant 1 : i32
      %add3A_1001 = arith.addi %add3A_526, %add3A_1000 : i32
      %lt3A_1002 = arith.constant 50 : i32
      %lt3A_1003 = arith.cmpi slt, %add3A_1001, %lt3A_1002 : i32
      %convert_element_type3A_1004 = arith.extui %lt3A_1003 : i1 to i32
      %cond3A_1005 = arith.constant 0 : i32
      %cond3A_1006 = arith.cmpi ne, %convert_element_type3A_1004, %cond3A_1005 : i32
      scf.if %cond3A_1006 {
        %add3A_1012 = arith.constant 1 : i32
        %add3A_1013 = arith.addi %add3A_526, %add3A_1012 : i32
        %mul3A_1014 = arith.constant 128 : i32
        %mul3A_1015 = arith.muli %add3A_1013, %mul3A_1014 : i32
        %add3A_1016 = arith.addi %mul3A_2, %mul3A_1015 : i32
        %dma_start3A_1017 = arith.constant 0 : i32
        %dma_start3A_1018 = tpu.memref_slice %arg4[%dma_start3A_1017, %add3A_1016] : memref<6x204800xi32, #tpu.memory_space<hbm>> -> memref<6x128xi32, #tpu.memory_space<hbm>>
        %dma_start3A_1019 = arith.constant 0 : i32
        %dma_start3A_1020 = tpu.memref_slice %arg4[%dma_start3A_1019, %add3A_1016] : memref<6x204800xi32, #tpu.memory_space<hbm>> -> memref<6x128xi32, #tpu.memory_space<hbm>>
        tpu.enqueue_dma source(%dma_start3A_1020 : memref<6x128xi32, #tpu.memory_space<hbm>>) target(%arg6 : memref<6x128xi32, #tpu.memory_space<vmem>>) target_semaphore(%arg16 : memref<!tpu.dma_semaphore, #tpu.memory_space<semaphore_mem>>)
      } else {
      }
      %ge3A_1007 = arith.constant 1 : i32
      %ge3A_1008 = arith.cmpi sge, %add3A_526, %ge3A_1007 : i32
      %convert_element_type3A_1009 = arith.extui %ge3A_1008 : i1 to i32
      %cond3A_1010 = arith.constant 0 : i32
      %cond3A_1011 = arith.cmpi ne, %convert_element_type3A_1009, %cond3A_1010 : i32
      scf.if %cond3A_1011 {
        %dma_wait3A_1012 = arith.constant 0 : i32
        %dma_wait3A_1013 = arith.constant 0 : i32
        %dma_wait3A_1014 = tpu.memref_slice %arg2[%dma_wait3A_1012, %dma_wait3A_1013] : memref<8400x128xf32, #tpu.memory_space<hbm>> -> memref<8400x128xf32, #tpu.memory_space<hbm>>
        tpu.wait_indirect_dma semaphore(%arg18 : memref<!tpu.dma_semaphore, #tpu.memory_space<semaphore_mem>>) src(%dma_wait3A_1014 : memref<8400x128xf32, #tpu.memory_space<hbm>>) dst(%arg12 : memref<128x128xf32, #tpu.memory_space<vmem>>)
        %dma_wait3A_1015 = arith.constant 0 : i32
        %dma_wait3A_1016 = arith.constant 0 : i32
        %dma_wait3A_1017 = tpu.memref_slice %arg3[%dma_wait3A_1015, %dma_wait3A_1016] : memref<9216x128xf32, #tpu.memory_space<hbm>> -> memref<9216x128xf32, #tpu.memory_space<hbm>>
        tpu.wait_indirect_dma semaphore(%arg20 : memref<!tpu.dma_semaphore, #tpu.memory_space<semaphore_mem>>) src(%dma_wait3A_1017 : memref<9216x128xf32, #tpu.memory_space<hbm>>) dst(%arg14 : memref<128x128xf32, #tpu.memory_space<vmem>>)
        %scan3A_1018 = arith.constant 0 : i32
        %scan3A_1019 = arith.constant 128 : i32
        %scan3A_1020 = arith.addi %scan3A_1018, %scan3A_1019 : i32
        %scan3A_1021 = arith.constant 2 : i32
        scf.for %scan3A_1032 = %scan3A_1018 to %scan3A_1020 step %scan3A_1021  : i32 {
          %get3A_1033 = arith.index_cast %scan3A_1032 : i32 to index
          %get3A_1034 = arith.constant 0 : index
          %get3A_1035 = tpu.vector_load %arg14[%get3A_1033, %get3A_1034] {strides = array<i32>} : memref<128x128xf32, #tpu.memory_space<vmem>>, vector<1x16xf32>,
          %get3A_1036 = vector.shape_cast %get3A_1035 : vector<1x16xf32> to vector<16xf32>
          %swap3A_1037 = arith.index_cast %scan3A_1032 : i32 to index
          %swap3A_1038 = arith.constant 0 : index
          %swap3A_1039 = tpu.vector_load %arg12[%swap3A_1037, %swap3A_1038] {strides = array<i32>} : memref<128x128xf32, #tpu.memory_space<vmem>>, vector<1x16xf32>,
          %swap3A_1040 = vector.shape_cast %swap3A_1039 : vector<1x16xf32> to vector<16xf32>
          %swap3A_1041 = vector.shape_cast %get3A_1036 : vector<16xf32> to vector<1x16xf32>
          tpu.vector_store %arg12[%swap3A_1037, %swap3A_1038], %swap3A_1041 {add = true, strides = array<i32>} : memref<128x128xf32, #tpu.memory_space<vmem>>, vector<1x16xf32>,
          %get3A_1042 = arith.index_cast %scan3A_1032 : i32 to index
          %get3A_1043 = arith.constant 16 : index
          %get3A_1044 = tpu.vector_load %arg14[%get3A_1042, %get3A_1043] {strides = array<i32>} : memref<128x128xf32, #tpu.memory_space<vmem>>, vector<1x16xf32>,
          %get3A_1045 = vector.shape_cast %get3A_1044 : vector<1x16xf32> to vector<16xf32>
          %swap3A_1046 = arith.index_cast %scan3A_1032 : i32 to index
          %swap3A_1047 = arith.constant 16 : index
          %swap3A_1048 = tpu.vector_load %arg12[%swap3A_1046, %swap3A_1047] {strides = array<i32>} : memref<128x128xf32, #tpu.memory_space<vmem>>, vector<1x16xf32>,
          %swap3A_1049 = vector.shape_cast %swap3A_1048 : vector<1x16xf32> to vector<16xf32>
          %swap3A_1050 = vector.shape_cast %get3A_1045 : vector<16xf32> to vector<1x16xf32>
          tpu.vector_store %arg12[%swap3A_1046, %swap3A_1047], %swap3A_1050 {add = true, strides = array<i32>} : memref<128x128xf32, #tpu.memory_space<vmem>>, vector<1x16xf32>,
          %get3A_1051 = arith.index_cast %scan3A_1032 : i32 to index
          %get3A_1052 = arith.constant 32 : index
          %get3A_1053 = tpu.vector_load %arg14[%get3A_1051, %get3A_1052] {strides = array<i32>} : memref<128x128xf32, #tpu.memory_space<vmem>>, vector<1x16xf32>,
          %get3A_1054 = vector.shape_cast %get3A_1053 : vector<1x16xf32> to vector<16xf32>
          %swap3A_1055 = arith.index_cast %scan3A_1032 : i32 to index
          %swap3A_1056 = arith.constant 32 : index
          %swap3A_1057 = tpu.vector_load %arg12[%swap3A_1055, %swap3A_1056] {strides = array<i32>} : memref<128x128xf32, #tpu.memory_space<vmem>>, vector<1x16xf32>,
          %swap3A_1058 = vector.shape_cast %swap3A_1057 : vector<1x16xf32> to vector<16xf32>
          %swap3A_1059 = vector.shape_cast %get3A_1054 : vector<16xf32> to vector<1x16xf32>
          tpu.vector_store %arg12[%swap3A_1055, %swap3A_1056], %swap3A_1059 {add = true, strides = array<i32>} : memref<128x128xf32, #tpu.memory_space<vmem>>, vector<1x16xf32>,
          %get3A_1060 = arith.index_cast %scan3A_1032 : i32 to index
          %get3A_1061 = arith.constant 48 : index
          %get3A_1062 = tpu.vector_load %arg14[%get3A_1060, %get3A_1061] {strides = array<i32>} : memref<128x128xf32, #tpu.memory_space<vmem>>, vector<1x16xf32>,
          %get3A_1063 = vector.shape_cast %get3A_1062 : vector<1x16xf32> to vector<16xf32>
          %swap3A_1064 = arith.index_cast %scan3A_1032 : i32 to index
          %swap3A_1065 = arith.constant 48 : index
          %swap3A_1066 = tpu.vector_load %arg12[%swap3A_1064, %swap3A_1065] {strides = array<i32>} : memref<128x128xf32, #tpu.memory_space<vmem>>, vector<1x16xf32>,
          %swap3A_1067 = vector.shape_cast %swap3A_1066 : vector<1x16xf32> to vector<16xf32>
          %swap3A_1068 = vector.shape_cast %get3A_1063 : vector<16xf32> to vector<1x16xf32>
          tpu.vector_store %arg12[%swap3A_1064, %swap3A_1065], %swap3A_1068 {add = true, strides = array<i32>} : memref<128x128xf32, #tpu.memory_space<vmem>>, vector<1x16xf32>,
          %get3A_1069 = arith.index_cast %scan3A_1032 : i32 to index
          %get3A_1070 = arith.constant 64 : index
          %get3A_1071 = tpu.vector_load %arg14[%get3A_1069, %get3A_1070] {strides = array<i32>} : memref<128x128xf32, #tpu.memory_space<vmem>>, vector<1x16xf32>,
          %get3A_1072 = vector.shape_cast %get3A_1071 : vector<1x16xf32> to vector<16xf32>
          %swap3A_1073 = arith.index_cast %scan3A_1032 : i32 to index
          %swap3A_1074 = arith.constant 64 : index
          %swap3A_1075 = tpu.vector_load %arg12[%swap3A_1073, %swap3A_1074] {strides = array<i32>} : memref<128x128xf32, #tpu.memory_space<vmem>>, vector<1x16xf32>,
          %swap3A_1076 = vector.shape_cast %swap3A_1075 : vector<1x16xf32> to vector<16xf32>
          %swap3A_1077 = vector.shape_cast %get3A_1072 : vector<16xf32> to vector<1x16xf32>
          tpu.vector_store %arg12[%swap3A_1073, %swap3A_1074], %swap3A_1077 {add = true, strides = array<i32>} : memref<128x128xf32, #tpu.memory_space<vmem>>, vector<1x16xf32>,
          %get3A_1078 = arith.index_cast %scan3A_1032 : i32 to index
          %get3A_1079 = arith.constant 80 : index
          %get3A_1080 = tpu.vector_load %arg14[%get3A_1078, %get3A_1079] {strides = array<i32>} : memref<128x128xf32, #tpu.memory_space<vmem>>, vector<1x16xf32>,
          %get3A_1081 = vector.shape_cast %get3A_1080 : vector<1x16xf32> to vector<16xf32>
          %swap3A_1082 = arith.index_cast %scan3A_1032 : i32 to index
          %swap3A_1083 = arith.constant 80 : index
          %swap3A_1084 = tpu.vector_load %arg12[%swap3A_1082, %swap3A_1083] {strides = array<i32>} : memref<128x128xf32, #tpu.memory_space<vmem>>, vector<1x16xf32>,
          %swap3A_1085 = vector.shape_cast %swap3A_1084 : vector<1x16xf32> to vector<16xf32>
          %swap3A_1086 = vector.shape_cast %get3A_1081 : vector<16xf32> to vector<1x16xf32>
          tpu.vector_store %arg12[%swap3A_1082, %swap3A_1083], %swap3A_1086 {add = true, strides = array<i32>} : memref<128x128xf32, #tpu.memory_space<vmem>>, vector<1x16xf32>,
          %get3A_1087 = arith.index_cast %scan3A_1032 : i32 to index
          %get3A_1088 = arith.constant 96 : index
          %get3A_1089 = tpu.vector_load %arg14[%get3A_1087, %get3A_1088] {strides = array<i32>} : memref<128x128xf32, #tpu.memory_space<vmem>>, vector<1x16xf32>,
          %get3A_1090 = vector.shape_cast %get3A_1089 : vector<1x16xf32> to vector<16xf32>
          %swap3A_1091 = arith.index_cast %scan3A_1032 : i32 to index
          %swap3A_1092 = arith.constant 96 : index
          %swap3A_1093 = tpu.vector_load %arg12[%swap3A_1091, %swap3A_1092] {strides = array<i32>} : memref<128x128xf32, #tpu.memory_space<vmem>>, vector<1x16xf32>,
          %swap3A_1094 = vector.shape_cast %swap3A_1093 : vector<1x16xf32> to vector<16xf32>
          %swap3A_1095 = vector.shape_cast %get3A_1090 : vector<16xf32> to vector<1x16xf32>
          tpu.vector_store %arg12[%swap3A_1091, %swap3A_1092], %swap3A_1095 {add = true, strides = array<i32>} : memref<128x128xf32, #tpu.memory_space<vmem>>, vector<1x16xf32>,
          %get3A_1096 = arith.index_cast %scan3A_1032 : i32 to index
          %get3A_1097 = arith.constant 112 : index
          %get3A_1098 = tpu.vector_load %arg14[%get3A_1096, %get3A_1097] {strides = array<i32>} : memref<128x128xf32, #tpu.memory_space<vmem>>, vector<1x16xf32>,
          %get3A_1099 = vector.shape_cast %get3A_1098 : vector<1x16xf32> to vector<16xf32>
          %swap3A_1100 = arith.index_cast %scan3A_1032 : i32 to index
          %swap3A_1101 = arith.constant 112 : index
          %swap3A_1102 = tpu.vector_load %arg12[%swap3A_1100, %swap3A_1101] {strides = array<i32>} : memref<128x128xf32, #tpu.memory_space<vmem>>, vector<1x16xf32>,
          %swap3A_1103 = vector.shape_cast %swap3A_1102 : vector<1x16xf32> to vector<16xf32>
          %swap3A_1104 = vector.shape_cast %get3A_1099 : vector<16xf32> to vector<1x16xf32>
          tpu.vector_store %arg12[%swap3A_1100, %swap3A_1101], %swap3A_1104 {add = true, strides = array<i32>} : memref<128x128xf32, #tpu.memory_space<vmem>>, vector<1x16xf32>,
          %scan3A_1105 = arith.constant 1 : i32
          %scan3A_1106 = arith.addi %scan3A_1032, %scan3A_1105 : i32
          %get3A_1107 = arith.index_cast %scan3A_1106 : i32 to index
          %get3A_1108 = arith.constant 0 : index
          %get3A_1109 = tpu.vector_load %arg14[%get3A_1107, %get3A_1108] {strides = array<i32>} : memref<128x128xf32, #tpu.memory_space<vmem>>, vector<1x16xf32>,
          %get3A_1110 = vector.shape_cast %get3A_1109 : vector<1x16xf32> to vector<16xf32>
          %swap3A_1111 = arith.index_cast %scan3A_1106 : i32 to index
          %swap3A_1112 = arith.constant 0 : index
          %swap3A_1113 = tpu.vector_load %arg12[%swap3A_1111, %swap3A_1112] {strides = array<i32>} : memref<128x128xf32, #tpu.memory_space<vmem>>, vector<1x16xf32>,
          %swap3A_1114 = vector.shape_cast %swap3A_1113 : vector<1x16xf32> to vector<16xf32>
          %swap3A_1115 = vector.shape_cast %get3A_1110 : vector<16xf32> to vector<1x16xf32>
          tpu.vector_store %arg12[%swap3A_1111, %swap3A_1112], %swap3A_1115 {add = true, strides = array<i32>} : memref<128x128xf32, #tpu.memory_space<vmem>>, vector<1x16xf32>,
          %get3A_1116 = arith.index_cast %scan3A_1106 : i32 to index
          %get3A_1117 = arith.constant 16 : index
          %get3A_1118 = tpu.vector_load %arg14[%get3A_1116, %get3A_1117] {strides = array<i32>} : memref<128x128xf32, #tpu.memory_space<vmem>>, vector<1x16xf32>,
          %get3A_1119 = vector.shape_cast %get3A_1118 : vector<1x16xf32> to vector<16xf32>
          %swap3A_1120 = arith.index_cast %scan3A_1106 : i32 to index
          %swap3A_1121 = arith.constant 16 : index
          %swap3A_1122 = tpu.vector_load %arg12[%swap3A_1120, %swap3A_1121] {strides = array<i32>} : memref<128x128xf32, #tpu.memory_space<vmem>>, vector<1x16xf32>,
          %swap3A_1123 = vector.shape_cast %swap3A_1122 : vector<1x16xf32> to vector<16xf32>
          %swap3A_1124 = vector.shape_cast %get3A_1119 : vector<16xf32> to vector<1x16xf32>
          tpu.vector_store %arg12[%swap3A_1120, %swap3A_1121], %swap3A_1124 {add = true, strides = array<i32>} : memref<128x128xf32, #tpu.memory_space<vmem>>, vector<1x16xf32>,
          %get3A_1125 = arith.index_cast %scan3A_1106 : i32 to index
          %get3A_1126 = arith.constant 32 : index
          %get3A_1127 = tpu.vector_load %arg14[%get3A_1125, %get3A_1126] {strides = array<i32>} : memref<128x128xf32, #tpu.memory_space<vmem>>, vector<1x16xf32>,
          %get3A_1128 = vector.shape_cast %get3A_1127 : vector<1x16xf32> to vector<16xf32>
          %swap3A_1129 = arith.index_cast %scan3A_1106 : i32 to index
          %swap3A_1130 = arith.constant 32 : index
          %swap3A_1131 = tpu.vector_load %arg12[%swap3A_1129, %swap3A_1130] {strides = array<i32>} : memref<128x128xf32, #tpu.memory_space<vmem>>, vector<1x16xf32>,
          %swap3A_1132 = vector.shape_cast %swap3A_1131 : vector<1x16xf32> to vector<16xf32>
          %swap3A_1133 = vector.shape_cast %get3A_1128 : vector<16xf32> to vector<1x16xf32>
          tpu.vector_store %arg12[%swap3A_1129, %swap3A_1130], %swap3A_1133 {add = true, strides = array<i32>} : memref<128x128xf32, #tpu.memory_space<vmem>>, vector<1x16xf32>,
          %get3A_1134 = arith.index_cast %scan3A_1106 : i32 to index
          %get3A_1135 = arith.constant 48 : index
          %get3A_1136 = tpu.vector_load %arg14[%get3A_1134, %get3A_1135] {strides = array<i32>} : memref<128x128xf32, #tpu.memory_space<vmem>>, vector<1x16xf32>,
          %get3A_1137 = vector.shape_cast %get3A_1136 : vector<1x16xf32> to vector<16xf32>
          %swap3A_1138 = arith.index_cast %scan3A_1106 : i32 to index
          %swap3A_1139 = arith.constant 48 : index
          %swap3A_1140 = tpu.vector_load %arg12[%swap3A_1138, %swap3A_1139] {strides = array<i32>} : memref<128x128xf32, #tpu.memory_space<vmem>>, vector<1x16xf32>,
          %swap3A_1141 = vector.shape_cast %swap3A_1140 : vector<1x16xf32> to vector<16xf32>
          %swap3A_1142 = vector.shape_cast %get3A_1137 : vector<16xf32> to vector<1x16xf32>
          tpu.vector_store %arg12[%swap3A_1138, %swap3A_1139], %swap3A_1142 {add = true, strides = array<i32>} : memref<128x128xf32, #tpu.memory_space<vmem>>, vector<1x16xf32>,
          %get3A_1143 = arith.index_cast %scan3A_1106 : i32 to index
          %get3A_1144 = arith.constant 64 : index
          %get3A_1145 = tpu.vector_load %arg14[%get3A_1143, %get3A_1144] {strides = array<i32>} : memref<128x128xf32, #tpu.memory_space<vmem>>, vector<1x16xf32>,
          %get3A_1146 = vector.shape_cast %get3A_1145 : vector<1x16xf32> to vector<16xf32>
          %swap3A_1147 = arith.index_cast %scan3A_1106 : i32 to index
          %swap3A_1148 = arith.constant 64 : index
          %swap3A_1149 = tpu.vector_load %arg12[%swap3A_1147, %swap3A_1148] {strides = array<i32>} : memref<128x128xf32, #tpu.memory_space<vmem>>, vector<1x16xf32>,
          %swap3A_1150 = vector.shape_cast %swap3A_1149 : vector<1x16xf32> to vector<16xf32>
          %swap3A_1151 = vector.shape_cast %get3A_1146 : vector<16xf32> to vector<1x16xf32>
          tpu.vector_store %arg12[%swap3A_1147, %swap3A_1148], %swap3A_1151 {add = true, strides = array<i32>} : memref<128x128xf32, #tpu.memory_space<vmem>>, vector<1x16xf32>,
          %get3A_1152 = arith.index_cast %scan3A_1106 : i32 to index
          %get3A_1153 = arith.constant 80 : index
          %get3A_1154 = tpu.vector_load %arg14[%get3A_1152, %get3A_1153] {strides = array<i32>} : memref<128x128xf32, #tpu.memory_space<vmem>>, vector<1x16xf32>,
          %get3A_1155 = vector.shape_cast %get3A_1154 : vector<1x16xf32> to vector<16xf32>
          %swap3A_1156 = arith.index_cast %scan3A_1106 : i32 to index
          %swap3A_1157 = arith.constant 80 : index
          %swap3A_1158 = tpu.vector_load %arg12[%swap3A_1156, %swap3A_1157] {strides = array<i32>} : memref<128x128xf32, #tpu.memory_space<vmem>>, vector<1x16xf32>,
          %swap3A_1159 = vector.shape_cast %swap3A_1158 : vector<1x16xf32> to vector<16xf32>
          %swap3A_1160 = vector.shape_cast %get3A_1155 : vector<16xf32> to vector<1x16xf32>
          tpu.vector_store %arg12[%swap3A_1156, %swap3A_1157], %swap3A_1160 {add = true, strides = array<i32>} : memref<128x128xf32, #tpu.memory_space<vmem>>, vector<1x16xf32>,
          %get3A_1161 = arith.index_cast %scan3A_1106 : i32 to index
          %get3A_1162 = arith.constant 96 : index
          %get3A_1163 = tpu.vector_load %arg14[%get3A_1161, %get3A_1162] {strides = array<i32>} : memref<128x128xf32, #tpu.memory_space<vmem>>, vector<1x16xf32>,
          %get3A_1164 = vector.shape_cast %get3A_1163 : vector<1x16xf32> to vector<16xf32>
          %swap3A_1165 = arith.index_cast %scan3A_1106 : i32 to index
          %swap3A_1166 = arith.constant 96 : index
          %swap3A_1167 = tpu.vector_load %arg12[%swap3A_1165, %swap3A_1166] {strides = array<i32>} : memref<128x128xf32, #tpu.memory_space<vmem>>, vector<1x16xf32>,
          %swap3A_1168 = vector.shape_cast %swap3A_1167 : vector<1x16xf32> to vector<16xf32>
          %swap3A_1169 = vector.shape_cast %get3A_1164 : vector<16xf32> to vector<1x16xf32>
          tpu.vector_store %arg12[%swap3A_1165, %swap3A_1166], %swap3A_1169 {add = true, strides = array<i32>} : memref<128x128xf32, #tpu.memory_space<vmem>>, vector<1x16xf32>,
          %get3A_1170 = arith.index_cast %scan3A_1106 : i32 to index
          %get3A_1171 = arith.constant 112 : index
          %get3A_1172 = tpu.vector_load %arg14[%get3A_1170, %get3A_1171] {strides = array<i32>} : memref<128x128xf32, #tpu.memory_space<vmem>>, vector<1x16xf32>,
          %get3A_1173 = vector.shape_cast %get3A_1172 : vector<1x16xf32> to vector<16xf32>
          %swap3A_1174 = arith.index_cast %scan3A_1106 : i32 to index
          %swap3A_1175 = arith.constant 112 : index
          %swap3A_1176 = tpu.vector_load %arg12[%swap3A_1174, %swap3A_1175] {strides = array<i32>} : memref<128x128xf32, #tpu.memory_space<vmem>>, vector<1x16xf32>,
          %swap3A_1177 = vector.shape_cast %swap3A_1176 : vector<1x16xf32> to vector<16xf32>
          %swap3A_1178 = vector.shape_cast %get3A_1173 : vector<16xf32> to vector<1x16xf32>
          tpu.vector_store %arg12[%swap3A_1174, %swap3A_1175], %swap3A_1178 {add = true, strides = array<i32>} : memref<128x128xf32, #tpu.memory_space<vmem>>, vector<1x16xf32>,
        }
        %scan3A_1022 = arith.constant 128 : i32
        %sub3A_1023 = arith.constant 1 : i32
        %sub3A_1024 = arith.subi %add3A_526, %sub3A_1023 : i32
        %mul3A_1025 = arith.constant 128 : i32
        %mul3A_1026 = arith.muli %sub3A_1024, %mul3A_1025 : i32
        %add3A_1027 = arith.addi %mul3A_2, %mul3A_1026 : i32
        %dma_start3A_1028 = arith.constant 0 : i32
        %dma_start3A_1029 = tpu.memref_slice %arg5[%add3A_1027, %dma_start3A_1028] : memref<204800x128xf32, #tpu.memory_space<hbm>> -> memref<128x128xf32, #tpu.memory_space<hbm>>
        %dma_start3A_1030 = arith.constant 0 : i32
        %dma_start3A_1031 = tpu.memref_slice %arg5[%add3A_1027, %dma_start3A_1030] : memref<204800x128xf32, #tpu.memory_space<hbm>> -> memref<128x128xf32, #tpu.memory_space<hbm>>
        tpu.enqueue_dma source(%arg12 : memref<128x128xf32, #tpu.memory_space<vmem>>) target(%dma_start3A_1031 : memref<128x128xf32, #tpu.memory_space<hbm>>) target_semaphore(%arg22 : memref<!tpu.dma_semaphore, #tpu.memory_space<semaphore_mem>>)
      } else {
      }
    }
    %scan3A_11 = arith.constant 25 : i32
    %dma_wait3A = arith.constant 0 : i32
    %dma_wait3A_12 = arith.constant 0 : i32
    %dma_wait3A_13 = tpu.memref_slice %arg2[%dma_wait3A, %dma_wait3A_12] : memref<8400x128xf32, #tpu.memory_space<hbm>> -> memref<8400x128xf32, #tpu.memory_space<hbm>>
    tpu.wait_indirect_dma semaphore(%arg19 : memref<!tpu.dma_semaphore, #tpu.memory_space<semaphore_mem>>) src(%dma_wait3A_13 : memref<8400x128xf32, #tpu.memory_space<hbm>>) dst(%arg13 : memref<128x128xf32, #tpu.memory_space<vmem>>)
    %dma_wait3A_14 = arith.constant 0 : i32
    %dma_wait3A_15 = arith.constant 0 : i32
    %dma_wait3A_16 = tpu.memref_slice %arg3[%dma_wait3A_14, %dma_wait3A_15] : memref<9216x128xf32, #tpu.memory_space<hbm>> -> memref<9216x128xf32, #tpu.memory_space<hbm>>
    tpu.wait_indirect_dma semaphore(%arg21 : memref<!tpu.dma_semaphore, #tpu.memory_space<semaphore_mem>>) src(%dma_wait3A_16 : memref<9216x128xf32, #tpu.memory_space<hbm>>) dst(%arg15 : memref<128x128xf32, #tpu.memory_space<vmem>>)
    %scan3A_17 = arith.constant 0 : i32
    %scan3A_18 = arith.constant 128 : i32
    %scan3A_19 = arith.addi %scan3A_17, %scan3A_18 : i32
    %scan3A_20 = arith.constant 2 : i32
    scf.for %scan3A_40 = %scan3A_17 to %scan3A_19 step %scan3A_20  : i32 {
      %get3A = arith.index_cast %scan3A_40 : i32 to index
      %get3A_41 = arith.constant 0 : index
      %get3A_42 = tpu.vector_load %arg15[%get3A, %get3A_41] {strides = array<i32>} : memref<128x128xf32, #tpu.memory_space<vmem>>, vector<1x16xf32>,
      %get3A_43 = vector.shape_cast %get3A_42 : vector<1x16xf32> to vector<16xf32>
      %swap3A = arith.index_cast %scan3A_40 : i32 to index
      %swap3A_44 = arith.constant 0 : index
      %swap3A_45 = tpu.vector_load %arg13[%swap3A, %swap3A_44] {strides = array<i32>} : memref<128x128xf32, #tpu.memory_space<vmem>>, vector<1x16xf32>,
      %swap3A_46 = vector.shape_cast %swap3A_45 : vector<1x16xf32> to vector<16xf32>
      %swap3A_47 = vector.shape_cast %get3A_43 : vector<16xf32> to vector<1x16xf32>
      tpu.vector_store %arg13[%swap3A, %swap3A_44], %swap3A_47 {add = true, strides = array<i32>} : memref<128x128xf32, #tpu.memory_space<vmem>>, vector<1x16xf32>,
      %get3A_48 = arith.index_cast %scan3A_40 : i32 to index
      %get3A_49 = arith.constant 16 : index
      %get3A_50 = tpu.vector_load %arg15[%get3A_48, %get3A_49] {strides = array<i32>} : memref<128x128xf32, #tpu.memory_space<vmem>>, vector<1x16xf32>,
      %get3A_51 = vector.shape_cast %get3A_50 : vector<1x16xf32> to vector<16xf32>
      %swap3A_52 = arith.index_cast %scan3A_40 : i32 to index
      %swap3A_53 = arith.constant 16 : index
      %swap3A_54 = tpu.vector_load %arg13[%swap3A_52, %swap3A_53] {strides = array<i32>} : memref<128x128xf32, #tpu.memory_space<vmem>>, vector<1x16xf32>,
      %swap3A_55 = vector.shape_cast %swap3A_54 : vector<1x16xf32> to vector<16xf32>
      %swap3A_56 = vector.shape_cast %get3A_51 : vector<16xf32> to vector<1x16xf32>
      tpu.vector_store %arg13[%swap3A_52, %swap3A_53], %swap3A_56 {add = true, strides = array<i32>} : memref<128x128xf32, #tpu.memory_space<vmem>>, vector<1x16xf32>,
      %get3A_57 = arith.index_cast %scan3A_40 : i32 to index
      %get3A_58 = arith.constant 32 : index
      %get3A_59 = tpu.vector_load %arg15[%get3A_57, %get3A_58] {strides = array<i32>} : memref<128x128xf32, #tpu.memory_space<vmem>>, vector<1x16xf32>,
      %get3A_60 = vector.shape_cast %get3A_59 : vector<1x16xf32> to vector<16xf32>
      %swap3A_61 = arith.index_cast %scan3A_40 : i32 to index
      %swap3A_62 = arith.constant 32 : index
      %swap3A_63 = tpu.vector_load %arg13[%swap3A_61, %swap3A_62] {strides = array<i32>} : memref<128x128xf32, #tpu.memory_space<vmem>>, vector<1x16xf32>,
      %swap3A_64 = vector.shape_cast %swap3A_63 : vector<1x16xf32> to vector<16xf32>
      %swap3A_65 = vector.shape_cast %get3A_60 : vector<16xf32> to vector<1x16xf32>
      tpu.vector_store %arg13[%swap3A_61, %swap3A_62], %swap3A_65 {add = true, strides = array<i32>} : memref<128x128xf32, #tpu.memory_space<vmem>>, vector<1x16xf32>,
      %get3A_66 = arith.index_cast %scan3A_40 : i32 to index
      %get3A_67 = arith.constant 48 : index
      %get3A_68 = tpu.vector_load %arg15[%get3A_66, %get3A_67] {strides = array<i32>} : memref<128x128xf32, #tpu.memory_space<vmem>>, vector<1x16xf32>,
      %get3A_69 = vector.shape_cast %get3A_68 : vector<1x16xf32> to vector<16xf32>
      %swap3A_70 = arith.index_cast %scan3A_40 : i32 to index
      %swap3A_71 = arith.constant 48 : index
      %swap3A_72 = tpu.vector_load %arg13[%swap3A_70, %swap3A_71] {strides = array<i32>} : memref<128x128xf32, #tpu.memory_space<vmem>>, vector<1x16xf32>,
      %swap3A_73 = vector.shape_cast %swap3A_72 : vector<1x16xf32> to vector<16xf32>
      %swap3A_74 = vector.shape_cast %get3A_69 : vector<16xf32> to vector<1x16xf32>
      tpu.vector_store %arg13[%swap3A_70, %swap3A_71], %swap3A_74 {add = true, strides = array<i32>} : memref<128x128xf32, #tpu.memory_space<vmem>>, vector<1x16xf32>,
      %get3A_75 = arith.index_cast %scan3A_40 : i32 to index
      %get3A_76 = arith.constant 64 : index
      %get3A_77 = tpu.vector_load %arg15[%get3A_75, %get3A_76] {strides = array<i32>} : memref<128x128xf32, #tpu.memory_space<vmem>>, vector<1x16xf32>,
      %get3A_78 = vector.shape_cast %get3A_77 : vector<1x16xf32> to vector<16xf32>
      %swap3A_79 = arith.index_cast %scan3A_40 : i32 to index
      %swap3A_80 = arith.constant 64 : index
      %swap3A_81 = tpu.vector_load %arg13[%swap3A_79, %swap3A_80] {strides = array<i32>} : memref<128x128xf32, #tpu.memory_space<vmem>>, vector<1x16xf32>,
      %swap3A_82 = vector.shape_cast %swap3A_81 : vector<1x16xf32> to vector<16xf32>
      %swap3A_83 = vector.shape_cast %get3A_78 : vector<16xf32> to vector<1x16xf32>
      tpu.vector_store %arg13[%swap3A_79, %swap3A_80], %swap3A_83 {add = true, strides = array<i32>} : memref<128x128xf32, #tpu.memory_space<vmem>>, vector<1x16xf32>,
      %get3A_84 = arith.index_cast %scan3A_40 : i32 to index
      %get3A_85 = arith.constant 80 : index
      %get3A_86 = tpu.vector_load %arg15[%get3A_84, %get3A_85] {strides = array<i32>} : memref<128x128xf32, #tpu.memory_space<vmem>>, vector<1x16xf32>,
      %get3A_87 = vector.shape_cast %get3A_86 : vector<1x16xf32> to vector<16xf32>
      %swap3A_88 = arith.index_cast %scan3A_40 : i32 to index
      %swap3A_89 = arith.constant 80 : index
      %swap3A_90 = tpu.vector_load %arg13[%swap3A_88, %swap3A_89] {strides = array<i32>} : memref<128x128xf32, #tpu.memory_space<vmem>>, vector<1x16xf32>,
      %swap3A_91 = vector.shape_cast %swap3A_90 : vector<1x16xf32> to vector<16xf32>
      %swap3A_92 = vector.shape_cast %get3A_87 : vector<16xf32> to vector<1x16xf32>
      tpu.vector_store %arg13[%swap3A_88, %swap3A_89], %swap3A_92 {add = true, strides = array<i32>} : memref<128x128xf32, #tpu.memory_space<vmem>>, vector<1x16xf32>,
      %get3A_93 = arith.index_cast %scan3A_40 : i32 to index
      %get3A_94 = arith.constant 96 : index
      %get3A_95 = tpu.vector_load %arg15[%get3A_93, %get3A_94] {strides = array<i32>} : memref<128x128xf32, #tpu.memory_space<vmem>>, vector<1x16xf32>,
      %get3A_96 = vector.shape_cast %get3A_95 : vector<1x16xf32> to vector<16xf32>
      %swap3A_97 = arith.index_cast %scan3A_40 : i32 to index
      %swap3A_98 = arith.constant 96 : index
      %swap3A_99 = tpu.vector_load %arg13[%swap3A_97, %swap3A_98] {strides = array<i32>} : memref<128x128xf32, #tpu.memory_space<vmem>>, vector<1x16xf32>,
      %swap3A_100 = vector.shape_cast %swap3A_99 : vector<1x16xf32> to vector<16xf32>
      %swap3A_101 = vector.shape_cast %get3A_96 : vector<16xf32> to vector<1x16xf32>
      tpu.vector_store %arg13[%swap3A_97, %swap3A_98], %swap3A_101 {add = true, strides = array<i32>} : memref<128x128xf32, #tpu.memory_space<vmem>>, vector<1x16xf32>,
      %get3A_102 = arith.index_cast %scan3A_40 : i32 to index
      %get3A_103 = arith.constant 112 : index
      %get3A_104 = tpu.vector_load %arg15[%get3A_102, %get3A_103] {strides = array<i32>} : memref<128x128xf32, #tpu.memory_space<vmem>>, vector<1x16xf32>,
      %get3A_105 = vector.shape_cast %get3A_104 : vector<1x16xf32> to vector<16xf32>
      %swap3A_106 = arith.index_cast %scan3A_40 : i32 to index
      %swap3A_107 = arith.constant 112 : index
      %swap3A_108 = tpu.vector_load %arg13[%swap3A_106, %swap3A_107] {strides = array<i32>} : memref<128x128xf32, #tpu.memory_space<vmem>>, vector<1x16xf32>,
      %swap3A_109 = vector.shape_cast %swap3A_108 : vector<1x16xf32> to vector<16xf32>
      %swap3A_110 = vector.shape_cast %get3A_105 : vector<16xf32> to vector<1x16xf32>
      tpu.vector_store %arg13[%swap3A_106, %swap3A_107], %swap3A_110 {add = true, strides = array<i32>} : memref<128x128xf32, #tpu.memory_space<vmem>>, vector<1x16xf32>,
      %scan3A_111 = arith.constant 1 : i32
      %scan3A_112 = arith.addi %scan3A_40, %scan3A_111 : i32
      %get3A_113 = arith.index_cast %scan3A_112 : i32 to index
      %get3A_114 = arith.constant 0 : index
      %get3A_115 = tpu.vector_load %arg15[%get3A_113, %get3A_114] {strides = array<i32>} : memref<128x128xf32, #tpu.memory_space<vmem>>, vector<1x16xf32>,
      %get3A_116 = vector.shape_cast %get3A_115 : vector<1x16xf32> to vector<16xf32>
      %swap3A_117 = arith.index_cast %scan3A_112 : i32 to index
      %swap3A_118 = arith.constant 0 : index
      %swap3A_119 = tpu.vector_load %arg13[%swap3A_117, %swap3A_118] {strides = array<i32>} : memref<128x128xf32, #tpu.memory_space<vmem>>, vector<1x16xf32>,
      %swap3A_120 = vector.shape_cast %swap3A_119 : vector<1x16xf32> to vector<16xf32>
      %swap3A_121 = vector.shape_cast %get3A_116 : vector<16xf32> to vector<1x16xf32>
      tpu.vector_store %arg13[%swap3A_117, %swap3A_118], %swap3A_121 {add = true, strides = array<i32>} : memref<128x128xf32, #tpu.memory_space<vmem>>, vector<1x16xf32>,
      %get3A_122 = arith.index_cast %scan3A_112 : i32 to index
      %get3A_123 = arith.constant 16 : index
      %get3A_124 = tpu.vector_load %arg15[%get3A_122, %get3A_123] {strides = array<i32>} : memref<128x128xf32, #tpu.memory_space<vmem>>, vector<1x16xf32>,
      %get3A_125 = vector.shape_cast %get3A_124 : vector<1x16xf32> to vector<16xf32>
      %swap3A_126 = arith.index_cast %scan3A_112 : i32 to index
      %swap3A_127 = arith.constant 16 : index
      %swap3A_128 = tpu.vector_load %arg13[%swap3A_126, %swap3A_127] {strides = array<i32>} : memref<128x128xf32, #tpu.memory_space<vmem>>, vector<1x16xf32>,
      %swap3A_129 = vector.shape_cast %swap3A_128 : vector<1x16xf32> to vector<16xf32>
      %swap3A_130 = vector.shape_cast %get3A_125 : vector<16xf32> to vector<1x16xf32>
      tpu.vector_store %arg13[%swap3A_126, %swap3A_127], %swap3A_130 {add = true, strides = array<i32>} : memref<128x128xf32, #tpu.memory_space<vmem>>, vector<1x16xf32>,
      %get3A_131 = arith.index_cast %scan3A_112 : i32 to index
      %get3A_132 = arith.constant 32 : index
      %get3A_133 = tpu.vector_load %arg15[%get3A_131, %get3A_132] {strides = array<i32>} : memref<128x128xf32, #tpu.memory_space<vmem>>, vector<1x16xf32>,
      %get3A_134 = vector.shape_cast %get3A_133 : vector<1x16xf32> to vector<16xf32>
      %swap3A_135 = arith.index_cast %scan3A_112 : i32 to index
      %swap3A_136 = arith.constant 32 : index
      %swap3A_137 = tpu.vector_load %arg13[%swap3A_135, %swap3A_136] {strides = array<i32>} : memref<128x128xf32, #tpu.memory_space<vmem>>, vector<1x16xf32>,
      %swap3A_138 = vector.shape_cast %swap3A_137 : vector<1x16xf32> to vector<16xf32>
      %swap3A_139 = vector.shape_cast %get3A_134 : vector<16xf32> to vector<1x16xf32>
      tpu.vector_store %arg13[%swap3A_135, %swap3A_136], %swap3A_139 {add = true, strides = array<i32>} : memref<128x128xf32, #tpu.memory_space<vmem>>, vector<1x16xf32>,
      %get3A_140 = arith.index_cast %scan3A_112 : i32 to index
      %get3A_141 = arith.constant 48 : index
      %get3A_142 = tpu.vector_load %arg15[%get3A_140, %get3A_141] {strides = array<i32>} : memref<128x128xf32, #tpu.memory_space<vmem>>, vector<1x16xf32>,
      %get3A_143 = vector.shape_cast %get3A_142 : vector<1x16xf32> to vector<16xf32>
      %swap3A_144 = arith.index_cast %scan3A_112 : i32 to index
      %swap3A_145 = arith.constant 48 : index
      %swap3A_146 = tpu.vector_load %arg13[%swap3A_144, %swap3A_145] {strides = array<i32>} : memref<128x128xf32, #tpu.memory_space<vmem>>, vector<1x16xf32>,
      %swap3A_147 = vector.shape_cast %swap3A_146 : vector<1x16xf32> to vector<16xf32>
      %swap3A_148 = vector.shape_cast %get3A_143 : vector<16xf32> to vector<1x16xf32>
      tpu.vector_store %arg13[%swap3A_144, %swap3A_145], %swap3A_148 {add = true, strides = array<i32>} : memref<128x128xf32, #tpu.memory_space<vmem>>, vector<1x16xf32>,
      %get3A_149 = arith.index_cast %scan3A_112 : i32 to index
      %get3A_150 = arith.constant 64 : index
      %get3A_151 = tpu.vector_load %arg15[%get3A_149, %get3A_150] {strides = array<i32>} : memref<128x128xf32, #tpu.memory_space<vmem>>, vector<1x16xf32>,
      %get3A_152 = vector.shape_cast %get3A_151 : vector<1x16xf32> to vector<16xf32>
      %swap3A_153 = arith.index_cast %scan3A_112 : i32 to index
      %swap3A_154 = arith.constant 64 : index
      %swap3A_155 = tpu.vector_load %arg13[%swap3A_153, %swap3A_154] {strides = array<i32>} : memref<128x128xf32, #tpu.memory_space<vmem>>, vector<1x16xf32>,
      %swap3A_156 = vector.shape_cast %swap3A_155 : vector<1x16xf32> to vector<16xf32>
      %swap3A_157 = vector.shape_cast %get3A_152 : vector<16xf32> to vector<1x16xf32>
      tpu.vector_store %arg13[%swap3A_153, %swap3A_154], %swap3A_157 {add = true, strides = array<i32>} : memref<128x128xf32, #tpu.memory_space<vmem>>, vector<1x16xf32>,
      %get3A_158 = arith.index_cast %scan3A_112 : i32 to index
      %get3A_159 = arith.constant 80 : index
      %get3A_160 = tpu.vector_load %arg15[%get3A_158, %get3A_159] {strides = array<i32>} : memref<128x128xf32, #tpu.memory_space<vmem>>, vector<1x16xf32>,
      %get3A_161 = vector.shape_cast %get3A_160 : vector<1x16xf32> to vector<16xf32>
      %swap3A_162 = arith.index_cast %scan3A_112 : i32 to index
      %swap3A_163 = arith.constant 80 : index
      %swap3A_164 = tpu.vector_load %arg13[%swap3A_162, %swap3A_163] {strides = array<i32>} : memref<128x128xf32, #tpu.memory_space<vmem>>, vector<1x16xf32>,
      %swap3A_165 = vector.shape_cast %swap3A_164 : vector<1x16xf32> to vector<16xf32>
      %swap3A_166 = vector.shape_cast %get3A_161 : vector<16xf32> to vector<1x16xf32>
      tpu.vector_store %arg13[%swap3A_162, %swap3A_163], %swap3A_166 {add = true, strides = array<i32>} : memref<128x128xf32, #tpu.memory_space<vmem>>, vector<1x16xf32>,
      %get3A_167 = arith.index_cast %scan3A_112 : i32 to index
      %get3A_168 = arith.constant 96 : index
      %get3A_169 = tpu.vector_load %arg15[%get3A_167, %get3A_168] {strides = array<i32>} : memref<128x128xf32, #tpu.memory_space<vmem>>, vector<1x16xf32>,
      %get3A_170 = vector.shape_cast %get3A_169 : vector<1x16xf32> to vector<16xf32>
      %swap3A_171 = arith.index_cast %scan3A_112 : i32 to index
      %swap3A_172 = arith.constant 96 : index
      %swap3A_173 = tpu.vector_load %arg13[%swap3A_171, %swap3A_172] {strides = array<i32>} : memref<128x128xf32, #tpu.memory_space<vmem>>, vector<1x16xf32>,
      %swap3A_174 = vector.shape_cast %swap3A_173 : vector<1x16xf32> to vector<16xf32>
      %swap3A_175 = vector.shape_cast %get3A_170 : vector<16xf32> to vector<1x16xf32>
      tpu.vector_store %arg13[%swap3A_171, %swap3A_172], %swap3A_175 {add = true, strides = array<i32>} : memref<128x128xf32, #tpu.memory_space<vmem>>, vector<1x16xf32>,
      %get3A_176 = arith.index_cast %scan3A_112 : i32 to index
      %get3A_177 = arith.constant 112 : index
      %get3A_178 = tpu.vector_load %arg15[%get3A_176, %get3A_177] {strides = array<i32>} : memref<128x128xf32, #tpu.memory_space<vmem>>, vector<1x16xf32>,
      %get3A_179 = vector.shape_cast %get3A_178 : vector<1x16xf32> to vector<16xf32>
      %swap3A_180 = arith.index_cast %scan3A_112 : i32 to index
      %swap3A_181 = arith.constant 112 : index
      %swap3A_182 = tpu.vector_load %arg13[%swap3A_180, %swap3A_181] {strides = array<i32>} : memref<128x128xf32, #tpu.memory_space<vmem>>, vector<1x16xf32>,
      %swap3A_183 = vector.shape_cast %swap3A_182 : vector<1x16xf32> to vector<16xf32>
      %swap3A_184 = vector.shape_cast %get3A_179 : vector<16xf32> to vector<1x16xf32>
      tpu.vector_store %arg13[%swap3A_180, %swap3A_181], %swap3A_184 {add = true, strides = array<i32>} : memref<128x128xf32, #tpu.memory_space<vmem>>, vector<1x16xf32>,
    }
    %scan3A_21 = arith.constant 128 : i32
    %add3A_22 = arith.constant 6272 : i32
    %add3A_23 = arith.addi %mul3A_2, %add3A_22 : i32
    %dma_start3A_24 = arith.constant 0 : i32
    %dma_start3A_25 = tpu.memref_slice %arg5[%add3A_23, %dma_start3A_24] : memref<204800x128xf32, #tpu.memory_space<hbm>> -> memref<128x128xf32, #tpu.memory_space<hbm>>
    %dma_start3A_26 = arith.constant 0 : i32
    %dma_start3A_27 = tpu.memref_slice %arg5[%add3A_23, %dma_start3A_26] : memref<204800x128xf32, #tpu.memory_space<hbm>> -> memref<128x128xf32, #tpu.memory_space<hbm>>
    tpu.enqueue_dma source(%arg13 : memref<128x128xf32, #tpu.memory_space<vmem>>) target(%dma_start3A_27 : memref<128x128xf32, #tpu.memory_space<hbm>>) target_semaphore(%arg23 : memref<!tpu.dma_semaphore, #tpu.memory_space<semaphore_mem>>)
    %dma_wait3A_28 = arith.constant 0 : i32
    %dma_wait3A_29 = arith.constant 0 : i32
    %dma_wait3A_30 = tpu.memref_slice %arg5[%dma_wait3A_28, %dma_wait3A_29] : memref<204800x128xf32, #tpu.memory_space<hbm>> -> memref<128x128xf32, #tpu.memory_space<hbm>>
    %dma_wait3A_31 = arith.constant 0 : i32
    %dma_wait3A_32 = arith.constant 0 : i32
    %dma_wait3A_33 = tpu.memref_slice %arg5[%dma_wait3A_31, %dma_wait3A_32] : memref<204800x128xf32, #tpu.memory_space<hbm>> -> memref<128x128xf32, #tpu.memory_space<hbm>>
    tpu.wait_dma2 semaphore(%arg22 : memref<!tpu.dma_semaphore, #tpu.memory_space<semaphore_mem>>) src(%arg12 : memref<128x128xf32, #tpu.memory_space<vmem>>) dst(%dma_wait3A_33 : memref<128x128xf32, #tpu.memory_space<hbm>>)
    %dma_wait3A_34 = arith.constant 0 : i32
    %dma_wait3A_35 = arith.constant 0 : i32
    %dma_wait3A_36 = tpu.memref_slice %arg5[%dma_wait3A_34, %dma_wait3A_35] : memref<204800x128xf32, #tpu.memory_space<hbm>> -> memref<128x128xf32, #tpu.memory_space<hbm>>
    %dma_wait3A_37 = arith.constant 0 : i32
    %dma_wait3A_38 = arith.constant 0 : i32
    %dma_wait3A_39 = tpu.memref_slice %arg5[%dma_wait3A_37, %dma_wait3A_38] : memref<204800x128xf32, #tpu.memory_space<hbm>> -> memref<128x128xf32, #tpu.memory_space<hbm>>
    tpu.wait_dma2 semaphore(%arg23 : memref<!tpu.dma_semaphore, #tpu.memory_space<semaphore_mem>>) src(%arg13 : memref<128x128xf32, #tpu.memory_space<vmem>>) dst(%dma_wait3A_39 : memref<128x128xf32, #tpu.memory_space<hbm>>)
    return
  }
}

</mosaic_0001>

<sc_bundles>
// kernel: kernel.4.cloned.1.call-start
scs
__scs_entry_jumppad:
0x0: {  	(pc) =	sbr.rel $0x88, $3  }
0x1: {  	(tag) =	ssettag $0x0;
	lr =	simm.s32 $0x1  }
0x2: {  	[smem:$0x3F9A] =	sst lr;
	_ =	strace $0xD0000000  }
0x3: {  	_ = 	snop  }
0x4: {  	_ = 	snop  }
0x5: {  	_ = 	snop  }
0x6: {  	_ = 	snop  }
0x7: {  	_ = 	snop  }
__scs_overlays_trampoline_lowered:
0x8: {  	[smem:$0x3FA9] =	sst s0  }
0x9: {  	[smem:$0x3FAA] =	sst s1  }
0xa: {  	[smem:$0x3FAB] =	sst s2  }
0xb: {  	[smem:$0x3FAC] =	sst s3  }
0xc: {  	[smem:$0x3FAD] =	sst s4  }
0xd: {  	[smem:$0x3FAE] =	sst s5  }
0xe: {  	[smem:$0x3FAF] =	sst s6  }
0xf: {  	[smem:$0x3FB0] =	sst s7  }
0x10: {  	[smem:$0x3FB1] =	sst s8  }
0x11: {  	[smem:$0x3FB2] =	sst s9;
	s0 =	simm.s32 @!p0 $0x0  }
0x12: {  	s1 =	sld [smem:$0x3F98];
	s0 =	simm.s32 @p0 $0x1  }
0x13: {  	[smem:$0x3FB3] =	sst s0;
	s0 =	simm.s32 @!p1 $0x0  }
0x14: {  	s2 =	sld [smem:$0x3F97];
	s0 =	simm.s32 @p1 $0x1  }
0x15: {  	[smem:$0x3FB4] =	sst s0;
	s0 =	simm.s32 @!p2 $0x0  }
0x16: {  	s3 =	sld [smem:$0x3FDB];
	s0 =	simm.s32 @p2 $0x1  }
0x17: {  	s4 =	simm.s32 $0x1BF5;
	[smem:$0x3FB6] =	sst s0  }
0x18: {  	s0 =	sld [smem:$0x3F99];
	_ =	swait.ge [sflag:s4], $0x0  }
0x19: {  	s7 =	sld [smem:$0x3F9A]  }
0x1a: {  	s8 =	sadd.s32 $0xFFFFE003, lr  }
0x1b: {  	s9 =	sadd.s32 $0xFFFFFEF7, lr;
	s5 =	simm.s32 $0xFFFFFFFF;
	p2 =	slt.u32 s8, $0xFFFFF086  }
0x1c: {  	p1 =	slt.u32 s9, $0xF7A;
	s5 =	simm.s32 @!p2 $0x0  }
0x1d: {  	s5 =	simm.s32 @p1 $0x1;
	p0 =	seq.s32 s7, s2  }
0x1e: {  	s7 =	smul.u32 @!p0 $0xF7A, s2;
	p2 =	seq.s32 @!p0 s5, $0x0  }
0x1f: {  	s9 =	smul.u32 $0xF7A, s1;
	s8 =	simm.s32 @!p0 $0x1BF5;
	p2 =	por !p2, p0  }
0x20: {  	[sflag:s8] =	ssyncset.s32 @!p0 $0xFFFFF086;
	s6 =	sadd.s32 @!p0 s3, s7;
	s7 =	simm.s32 @!p0 $0x108  }
0x21: {  	s3 =	sadd.s32 s3, s9;
	s6 =	sadd.s32 @!p0 $0x88, s6;
	s7 =	simm.s32 @p2 $0x1082  }
0x22: {  	[simem:s7], [sflag:s8] =	dma.local @!p0 [hbm:s6], $0xF7A  }
0x23: {  	s9 =	sor.u32 $0xD0000000, s2;
	s6 =	simm.s32 $0x108;
	_ =	swait.ge @!p0 [sflag:s8], $0x0  }
0x24: {  	s3 =	sadd.s32 $0x88, s3;
	s6 =	simm.s32 @!p1 $0x1082;
	[sflag:s4] =	ssyncset.s32 $0xFFFFF086  }
0x25: {  	[simem:s6], [sflag:s4] =	dma.local [hbm:s3], $0xF7A  }
0x26: {  	[smem:$0x3F9A] =	sst s1;
	(tag) =	ssettag s2;
	_ =	strace s9  }
0x27: {  	s1 =	sld [smem:$0x3FAA]  }
0x28: {  	s2 =	sld [smem:$0x3FAB]  }
0x29: {  	s4 =	sld [smem:$0x3FAD]  }
0x2a: {  	p0 =	seq.s32 s5, $0x0;
	s5 =	sld [smem:$0x3FAE]  }
0x2b: {  	s6 =	sld [smem:$0x3FAF]  }
0x2c: {  	s7 =	sld [smem:$0x3FB0]  }
0x2d: {  	s3 =	simm.s32 $0x108;
	s8 =	sld [smem:$0x3FB1]  }
0x2e: {  	s3 =	simm.s32 @!p0 $0x1082;
	s9 =	sld [smem:$0x3FB2]  }
0x2f: {  	lr =	sadd.s32 s0, s3;
	s0 =	sld [smem:$0x3FA9]  }
0x30: {  	s3 =	sld [smem:$0x3FAC]  }
0x31: {  	[smem:$0x3FB5] =	sst s10  }
0x32: {  	s10 =	sld [smem:$0x3FB3];
	_ =	sdelay $0x3  }
0x33: {  	p0 =	seq.s32 s10, $0x1;
	s10 =	sld [smem:$0x3FB5];
	_ =	sdelay $0x3  }
0x34: {  	[smem:$0x3FB5] =	sst s10  }
0x35: {  	s10 =	sld [smem:$0x3FB4];
	_ =	sdelay $0x3  }
0x36: {  	p1 =	seq.s32 s10, $0x1;
	s10 =	sld [smem:$0x3FB5];
	_ =	sdelay $0x3  }
0x37: {  	[smem:$0x3FB5] =	sst s10  }
0x38: {  	s10 =	sld [smem:$0x3FB6]  }
0x39: {  	_ = 	snop;
	(pc) =	sbr.ind lr, $3  }
0x3a: {  	_ = 	snop  }
0x3b: {  	_ = 	snop  }
0x3c: {  	p2 =	seq.s32 s10, $0x1;
	s10 =	sld [smem:$0x3FB5]  }
0x3d: {  	_ =	shalt  }
0x3e: {  	_ =	shalt  }
0x3f: {  	_ =	shalt  }
0x40: {  	_ =	shalt  }
0x41: {  	_ =	shalt  }
0x42: {  	_ =	shalt  }
0x43: {  	_ =	shalt  }
0x44: {  	_ =	shalt  }
0x45: {  	_ =	shalt  }
0x46: {  	_ =	shalt  }
0x47: {  	_ =	shalt  }
0x48: {  	_ =	shalt  }
0x49: {  	_ =	shalt  }
0x4a: {  	_ =	shalt  }
0x4b: {  	_ =	shalt  }
0x4c: {  	_ =	shalt  }
0x4d: {  	_ =	shalt  }
0x4e: {  	_ =	shalt  }
0x4f: {  	_ =	shalt  }
0x50: {  	_ =	shalt  }
0x51: {  	_ =	shalt  }
0x52: {  	_ =	shalt  }
0x53: {  	_ =	shalt  }
0x54: {  	_ =	shalt  }
0x55: {  	_ =	shalt  }
0x56: {  	_ =	shalt  }
0x57: {  	_ =	shalt  }
0x58: {  	_ =	shalt  }
0x59: {  	_ =	shalt  }
0x5a: {  	_ =	shalt  }
0x5b: {  	_ =	shalt  }
0x5c: {  	_ =	shalt  }
0x5d: {  	_ =	shalt  }
0x5e: {  	_ =	shalt  }
0x5f: {  	_ =	shalt  }
0x60: {  	_ =	shalt  }
0x61: {  	_ =	shalt  }
0x62: {  	_ =	shalt  }
0x63: {  	_ =	shalt  }
0x64: {  	_ =	shalt  }
0x65: {  	_ =	shalt  }
0x66: {  	_ =	shalt  }
0x67: {  	_ =	shalt  }
0x68: {  	_ =	shalt  }
0x69: {  	_ =	shalt  }
0x6a: {  	_ =	shalt  }
0x6b: {  	_ =	shalt  }
0x6c: {  	_ =	shalt  }
0x6d: {  	_ =	shalt  }
0x6e: {  	_ =	shalt  }
0x6f: {  	_ =	shalt  }
0x70: {  	_ =	shalt  }
0x71: {  	_ =	shalt  }
0x72: {  	_ =	shalt  }
0x73: {  	_ =	shalt  }
0x74: {  	_ =	shalt  }
0x75: {  	_ =	shalt  }
0x76: {  	_ =	shalt  }
0x77: {  	_ =	shalt  }
0x78: {  	_ =	shalt  }
0x79: {  	_ =	shalt  }
0x7a: {  	_ =	shalt  }
0x7b: {  	_ =	shalt  }
0x7c: {  	_ =	shalt  }
0x7d: {  	_ =	shalt  }
0x7e: {  	_ =	shalt  }
0x7f: {  	_ =	shalt  }
0x80: {  	_ =	shalt  }
0x81: {  	_ =	shalt  }
0x82: {  	_ =	shalt  }
0x83: {  	_ =	shalt  }
0x84: {  	_ =	shalt  }
0x85: {  	_ =	shalt  }
0x86: {  	_ =	shalt  }
0x87: {  	_ =	shalt  }
.Lfunc_end0:
.L_simem_size_0:
called_computation_lowered:
.L_overlay_start_0:
0x88: {  	s2 =	sld [smem:$0x3FD9]  }
0x89: {  	s3 =	sld [smem:$0x3FFE];
	_ =	sdelay $0x1  }
0x8a: {  	s1 =	srdreg.scid  }
0x8b: {  	s0 =	sand.u32 $0x1, s1  }
0x8c: {  	s17 =	sshll.u32 s0, $0xA;
	s2 =	sadd.s32 s3, s2  }
0x8d: {  	s2 =	sadd.s32 s2, s17  }
0x8e: {  	[smem:$0x3FC1] =	sst s2  }
0x8f: {  	_ = 	snop  }
0x90: {  	s2 =	sld [smem:$0x3FD0];
	(tm) =	ssettm $0x1  }
0x91: {  	s18 =	sld [smem:$0x3FFB];
	_ =	sdelay $0x3  }
0x92: {  	_ =	strace s18  }
0x93: {  	s3 =	sld [smem:$0x3FFC];
	_ =	sdelay $0x3  }
0x94: {  	_ =	strace s3  }
0x95: {  	s3 =	sld [smem:$0x3FFD];
	_ =	sdelay $0x3  }
0x96: {  	_ =	strace s3  }
0x97: {  	_ =	strace $0x8FFFFFFF  }
0x98: {  	s19 =	sld [smem:$0x3FDB];
	_ =	sdelay $0x1  }
0x99: {  	s4 =	simm.s32 $_scs_section_size  }
0x9a: {  	s5 =	simm.s32 $_size__tile_overlayer_lowered;
	s6 =	simm.s32 $_tile_overlayer_lowered  }
0x9b: {  	s22 =	simm.s32 $0x1BFF;
	s21 =	sshll.u32 s6, $0x1;
	s3 =	sadd.s32 s4, s19  }
0x9c: {  	s7 =	simm.s32 $0x0;
	s20 =	sshll.u32 s5, $0x1;
	s5 =	sadd.s32 s21, s3  }
0x9d: {  	[timem:s7], [sflag:s22] =	dma.local [hbm:s5], s20  }
0x9e: {  	_ =	swait.ge [sflag:s22], s20  }
0x9f: {  	s4 =	ssub.s32 $0x0, s20;
	[sflag:s22] =	ssyncset.done $0x0  }
0xa0: {  	[sflag:s22] =	ssyncadd.s32 s4;
	_ =	sdelay $0x1  }
0xa1: {  	s23 =	simm.s32 $0x1B8B  }
0xa2: {  	_ =	swait.ge [sflag:s23], $0x1  }
0xa3: {  	[sflag:s23] =	ssyncset.done $0x0  }
0xa4: {  	s25 =	simm.s32 $0x1B8E;
	s24 =	sld [smem:$0x3FFE];
	[sflag:s23] =	ssyncadd.s32 $0xFFFFFFFF  }
0xa5: {  	s26 =	simm.s32 $execute0_lowered;
	[smem:$0x3FD2] =	sst s25  }
0xa6: {  	s5 =	sshll.u32 s26, $0x1;
	_ =	strace $0x80000046;
	[dreg:$0x1] =	wrdreg $0xFFFFFFFF  }
0xa7: {  	s28 =	simm.s32 $_size_execute0_lowered;
	s3 =	sadd.s32 s3, s5;
	[dreg:$0x0] =	wrdreg $0x0  }
0xa8: {  	s5 =	sshll.u32 s28, $0x1;
	[dreg:$0x2] =	wrdreg s3  }
0xa9: {  	[dreg:$0x3] =	wrdreg s5  }
0xaa: {  	[dreg:$0x4] =	wrdreg $0xC0  }
0xab: {  	_ =	task [dreg:s7], $0x5FFFF  }
0xac: {  	[dreg:$0x1] =	wrdreg $0xFFFFFFFF  }
0xad: {  	[dreg:$0x0] =	wrdreg $0x60  }
0xae: {  	[dreg:$0x2] =	wrdreg s24  }
0xaf: {  	[dreg:$0x3] =	wrdreg s2  }
0xb0: {  	[dreg:$0x4] =	wrdreg $0x9  }
0xb1: {  	_ =	task.clear_ibuf [dreg:s7], $0x5FFFF;
	_ =	strace $0x90000046  }
0xb2: {  	s29 =	simm.s32 $0x9;
	_ =	strace $0x80000048  }
0xb3: {  	_ =	swait.ge [sflag:s29], $0x1  }
0xb4: {  	[sflag:s29] =	ssyncadd.s32 $0xFFFFFFFF  }
0xb5: {  	_ =	strace $0x90000048  }
0xb6: {  	_ =	sfence  }
0xb7: {  	s30 =	sld [smem:$0x0];
	_ =	sdelay $0x2  }
0xb8: {  	s31 =	sshll.u32 s1, $0xD;
	s1 =	sshrl.u32 s1, $0x2  }
0xb9: {  	s3 =	sand.u32 $0x4000, s31;
	s1 =	sadd.s32 s1, s30  }
0xba: {  	s0 =	sor.u32 s3, s0;
	s1 =	sshll.u32 s1, $0x11  }
0xbb: {  	s0 =	sor.u32 s1, s0  }
0xbc: {  	s0 =	sadd.s32 $0x8F2B, s0  }
0xbd: {  	[sflag:s0] =	ssyncadd.remote.s32 $0x1  }
0xbe: {  	_ =	sfence.sel $0xFFFF  }
0xbf: {  	[dreg:$0x0] =	wrdreg $0xFFFFFFFF;
	(pc) =	sbr.abs _section_cstart, $3  }
0xc0: {  	[dreg:$0x1] =	wrdreg $0xFFFFFFFF  }
0xc1: {  	_ =	task.clear_ibuf [dreg:s7], $0x2FFFF;
	_ =	strace $0x9FFFFFFF  }
0xc2: {  	(tm) =	ssettm $0x7FFFFFFF  }
0xc3: {  	_ =	shalt  }
tec
execute0_lowered:
.L_overlay_start_1:
0x0: {  	(tag) =	ssettag $0x1  }
0x1: {  	s0 =	rddreg [dreg:$0x0]  }
0x2: {  	s1 =	srdreg.scid;
	s3 =	stileid.u32  }
0x3: {  	s2 =	rddreg [dreg:$0x1];
	s13 =	simm.s32 $0x400;
	s14 =	simm.s32 $0x190000  }
0x4: {  	s15 =	simm.s32 $0x1;
	s16 =	simm.s32 $0x80;
	s17 =	simm.s32 $0x800  }
0x5: {  	s18 =	simm.s32 $0xA00;
	s19 =	simm.s32 $0x900;
	s20 =	simm.s32 $0x8A00  }
0x6: {  	s21 =	simm.s32 $0x2;
	s22 =	simm.s32 $0x880;
	s23 =	simm.s32 $0x4A00  }
0x7: {  	s24 =	simm.s32 $0x980;
	s28 =	simm.s32 $0x5;
	s29 =	simm.s32 $0x4  }
0x8: {  	s30 =	simm.s32 $0x6;
	s1 =	sand.u32 $0x1, s1;
	s4 =	sshll.u32 s3, $0x1  }
0x9: {  	s3 =	simm.s32 $0x0;
	s5 =	sadd.s32 $0x1600, s0;
	s4 =	sor.u32 s1, s4  }
0xa: {  	s6 =	sadd.s32 $0x22400, s0;
	s1 =	ssub.s32 $0x2, s1;
	s7 =	smul.u32 $0x1900, s4  }
0xb: {  	[smem:$0x7FF] =	sst s3;
	s4 =	smul.u32 $0xC8000, s4;
	s8 =	sshrl.u32 s1, $0x1  }
0xc: {  	_ =	strace $0x80000047;
	s1 =	ssub.s32 s1, s8;
	s0 =	sadd.s32 s7, s0  }
0xd: {  	s9 =	sshrl.u32 s4, $0x3;
	s31 =	smax.u32 s1, $0x1;
	s1 =	simm.s32 $0x8  }
0xe: {  	s25 =	sadd.s32 $0x46400, s0;
	s8 =	sadd.s32 $0x46480, s0;
	s11 =	sadd.s32 s2, s9  }
0xf: {  	s9 =	sadd.s32 $0xFFFFFF80, s7;
	s10 =	sadd.s32 $0x46500, s0;
	[dreg:$0x5] =	wrdreg s31  }
0x10: {  	s7 =	simm.s32 $0x0;
	[dreg:$0x3] =	wrdreg s25;
	s26 =	sadd.s32 $0x18800, s11  }
0x11: {  	s25 =	simm.s32 $0xCA00;
	[dreg:$0x4] =	wrdreg s26;
	s26 =	simm.s32 $0x3  }
.LBB2_1:
0x12: {  	s0 =	rddreg [dreg:$0x3]  }
0x13: {  	[tilespmem:s3], [sflag:$0x1] =	stream.strided.gather [hbm4b:s0+s13], $0x0, s14, s13, $0x38;
	[tilespmem:$0x10A00] =	vst v63  }
0x14: {  	[dreg:$0x6] =	wrdreg s7;
	s11 =	simm.s32 $0x0  }
0x15: {  	[tilespmem:s3], [sflag:$0x1] =	stream.linear.gather [hbm4b:s0+s3], $0x300, $0x38;
	[tilespmem:$0x10A00] =	vst v63  }
.LBB2_2:
0x16: {  	_ =	swait.ge [sflag:s15], $0x300  }
0x17: {  	[sflag:s15] =	ssyncset.done $0x0  }
0x18: {  	[sflag:s15] =	ssyncadd.s32 $0xFFFFFD00  }
0x19: {  	v0 =	vld [tilespmem:$0x0]  }
0x1a: {  	v1 =	vld [tilespmem:$0x80]  }
0x1b: {  	v2 =	vld [tilespmem:$0x100]  }
0x1c: {  	v3 =	vld [tilespmem:$0x180]  }
0x1d: {  	v4 =	vld [tilespmem:$0x200]  }
0x1e: {  	v5 =	vld [tilespmem:$0x280]  }
0x1f: {  	v6 =	vld [tilespmem:$0x10]  }
0x20: {  	v7 =	vld [tilespmem:$0x90]  }
0x21: {  	v8 =	vld [tilespmem:$0x110]  }
0x22: {  	v9 =	vld [tilespmem:$0x190]  }
0x23: {  	v10 =	vld [tilespmem:$0x210]  }
0x24: {  	v11 =	vld [tilespmem:$0x290]  }
0x25: {  	v12 =	vld [tilespmem:$0x20]  }
0x26: {  	v13 =	vld [tilespmem:$0xA0]  }
0x27: {  	v14 =	vld [tilespmem:$0x120]  }
0x28: {  	v15 =	vld [tilespmem:$0x1A0]  }
0x29: {  	v16 =	vld [tilespmem:$0x220]  }
0x2a: {  	v17 =	vld [tilespmem:$0x2A0]  }
0x2b: {  	v18 =	vld [tilespmem:$0x30]  }
0x2c: {  	v19 =	vld [tilespmem:$0xB0]  }
0x2d: {  	v20 =	vld [tilespmem:$0x130]  }
0x2e: {  	v21 =	vld [tilespmem:$0x1B0]  }
0x2f: {  	v22 =	vld [tilespmem:$0x230]  }
0x30: {  	v23 =	vld [tilespmem:$0x2B0]  }
0x31: {  	v24 =	vld [tilespmem:$0x40]  }
0x32: {  	v25 =	vld [tilespmem:$0xC0]  }
0x33: {  	v26 =	vld [tilespmem:$0x140]  }
0x34: {  	v27 =	vld [tilespmem:$0x1C0]  }
0x35: {  	v28 =	vld [tilespmem:$0x240]  }
0x36: {  	v29 =	vld [tilespmem:$0x2C0]  }
0x37: {  	v42 =	vld [tilespmem:$0x150];
	v2 =	vmul.u32 $0x14, v2;
	v5 =	vmul.u32 $0x8C, v5;
	v3 =	vmul.u32 $0xC, v3  }
0x38: {  	v45 =	vld [tilespmem:$0x1D0];
	v37 =	vmul.u32 $0x180, v4;
	v38 =	vmul.u32 $0x14, v8;
	v39 =	vmul.u32 $0x8C, v11  }
0x39: {  	v48 =	vld [tilespmem:$0x250];
	v41 =	vmul.u32 $0xC, v9;
	v43 =	vmul.u32 $0x180, v10;
	v44 =	vmul.u32 $0x14, v14  }
0x3a: {  	v51 =	vld [tilespmem:$0x2D0];
	v46 =	vmul.u32 $0x8C, v17;
	v47 =	vmul.u32 $0xC, v15;
	v50 =	vmul.u32 $0x180, v16  }
0x3b: {  	v54 =	vld [tilespmem:$0x60];
	v53 =	vmul.u32 $0x14, v20;
	v55 =	vmul.u32 $0x8C, v23;
	v56 =	vmul.u32 $0xC, v21  }
0x3c: {  	v59 =	vld [tilespmem:$0x160];
	v58 =	vmul.u32 $0x180, v22;
	v62 =	vmul.u32 $0x14, v26;
	v30 =	vmul.u32 $0xC, v27  }
0x3d: {  	v31 =	vld [tilespmem:$0x260];
	v32 =	vmul.u32 $0x8C, v29;
	v33 =	vmul.u32 $0x180, v28;
	v0 =	vadd.s32 v2, v0  }
0x3e: {  	v34 =	vld [tilespmem:$0x2E0];
	v1 =	vadd.s32 v1, v3;
	v40 =	vadd.s32 v38, v6;
	v4 =	vadd.s32 v7, v41  }
0x3f: {  	v57 =	vld [tilespmem:$0xE0];
	v49 =	vadd.s32 v44, v12;
	v52 =	vadd.s32 v13, v47;
	v11 =	vadd.s32 v53, v18  }
0x40: {  	v63 =	vld [tilespmem:$0x1E0];
	v61 =	vadd.s32 v19, v56;
	v36 =	vadd.s32 v25, v30;
	v1 =	vadd.s32 v37, v1  }
0x41: {  	v8 =	vld [tilespmem:$0x50];
	v6 =	vmul.u32 $0x14, v42;
	v41 =	vmul.u32 $0xC, v45;
	v3 =	vadd.s32 v43, v4;
	[tilespmem:$0x900] =	vst v1  }
0x42: {  	v42 =	vld [tilespmem:$0x2F0];
	v44 =	vmul.u32 $0x180, v48;
	v45 =	vmul.u32 $0x14, v59;
	v7 =	vadd.s32 v50, v52;
	[tilespmem:$0x910] =	vst v3  }
0x43: {  	v48 =	vmul.u32 $0x8C, v34;
	v53 =	vld [tilespmem:$0xF0];
	v56 =	vmul.u32 $0x180, v31;
	v26 =	vadd.s32 v58, v61;
	[tilespmem:$0x920] =	vst v7  }
0x44: {  	v0 =	vadd.s32 v5, v0;
	v5 =	vld [tilespmem:$0xD0];
	v2 =	vadd.s32 v39, v40;
	v38 =	vadd.s32 v33, v36;
	[tilespmem:$0x930] =	vst v26  }
0x45: {  	v4 =	vadd.s32 v46, v49;
	v60 =	vadd.s32 v55, v11;
	v40 =	vld [tilespmem:$0x170];
	v0 =	vadd.s32 $0xFFFFF818, v0;
	[tilespmem:$0x940] =	vst v38  }
0x46: {  	v11 =	vadd.s32 v62, v24;
	v39 =	vmul.u32 $0x8C, v51;
	v46 =	vld [tilespmem:$0x1F0];
	v23 =	vadd.s32 $0xFFFFF818, v2;
	[tilespmem:$0x800] =	vst v0  }
0x47: {  	v49 =	vld [tilespmem:$0x270];
	v52 =	vmul.u32 $0xC, v63;
	v35 =	vadd.s32 $0xFFFFF818, v4;
	v1 =	vadd.s32 v32, v11;
	[tilespmem:$0x810] =	vst v23  }
0x48: {  	v37 =	vld [tilespmem:$0x70];
	v51 =	vadd.s32 v45, v54;
	[tilespmem:$0x820] =	vst v35;
	v0 =	vadd.s32 $0xFFFFF818, v60;
	v6 =	vadd.s32 v6, v8  }
0x49: {  	v1 =	vadd.s32 $0xFFFFF818, v1;
	v2 =	vadd.s32 v48, v51;
	[tilespmem:$0x830] =	vst v0;
	v43 =	vadd.s32 v39, v6  }
0x4a: {  	v55 =	vadd.s32 v57, v52;
	[tilespmem:$0x840] =	vst v1;
	v2 =	vadd.s32 $0xFFFFF818, v2;
	v0 =	vadd.s32 $0xFFFFF818, v43  }
0x4b: {  	v57 =	vmul.u32 $0x8C, v42;
	[tilespmem:$0x860] =	vst v2;
	v54 =	vmul.u32 $0x14, v40;
	v59 =	vmul.u32 $0xC, v46  }
0x4c: {  	v47 =	vadd.s32 v5, v41;
	[tilespmem:$0x850] =	vst v0;
	v0 =	vadd.s32 v56, v55;
	v60 =	vmul.u32 $0x180, v49  }
0x4d: {  	v50 =	vadd.s32 v44, v47;
	[tilespmem:$0x960] =	vst v0;
	v58 =	vadd.s32 v54, v37;
	v62 =	vadd.s32 v53, v59  }
0x4e: {  	[tilespmem:$0x950] =	vst v50;
	v1 =	vadd.s32 v57, v58;
	v63 =	vadd.s32 v60, v62  }
0x4f: {  	p0 =	seq.s32 s11, $0x0;
	v61 =	vadd.s32 $0xFFFFF818, v1;
	[tilespmem:$0x970] =	vst v63  }
0x50: {  	s0 =	simm.s32 @!p0 $0x7;
	[tilespmem:$0x870] =	vst v61  }
0x51: {  	_ =	swait.ge @!p0 [sflag:s0], $0x4000  }
0x52: {  	[sflag:s0] =	ssyncset.done @!p0 $0x0  }
0x53: {  	[sflag:s0] =	ssyncadd.s32 @!p0 $0xFFFFC000  }
0x54: {  	[tilespmem:s18], [sflag:$0x3] =	stream.indirect.gather [hbm4b:s5+s16], $0x80, s17, s16, $0xb8;
	[tilespmem:$0x10A00] =	vst v63  }
0x55: {  	_ = 	snop  }
0x56: {  	[tilespmem:s20], [sflag:$0x5] =	stream.indirect.gather [hbm4b:s6+s16], $0x80, s19, s16, $0xb8;
	[tilespmem:$0x10A00] =	vst v63  }
.Ltmp0:
0x57: {  	s12 =	sshll.u32 s11, $0x8;
	(pc) =	sbr.rel @p0 .LBB2_6-.Ltmp0, $4  }
0x58: {  	s31 =	sadd.s32 s12, s8  }
0x59: {  	[tilespmem:s13], [sflag:$0x2] =	stream.strided.gather [hbm4b:s31+s13], $0x0, s14, s13, $0x38;
	[tilespmem:$0x10A00] =	vst v63  }
0x5a: {  	_ = 	snop  }
0x5b: {  	[tilespmem:s13], [sflag:$0x2] =	stream.linear.gather [hbm4b:s31+s3], $0x300, $0x38;
	[tilespmem:$0x10A00] =	vst v63  }
0x5c: {  	_ =	swait.ge [sflag:s29], $0x4000  }
0x5d: {  	[sflag:s29] =	ssyncset.done $0x0  }
0x5e: {  	[sflag:s29] =	ssyncadd.s32 $0xFFFFC000  }
0x5f: {  	_ =	swait.ge [sflag:s30], $0x4000  }
0x60: {  	[sflag:s30] =	ssyncset.done $0x0  }
0x61: {  	s31 =	simm.s32 $0x0;
	[sflag:s30] =	ssyncadd.s32 $0xFFFFC000  }
0x62: {  	v0 =	vld [tilespmem:s31+$0xCAF0]  }
0x63: {  	v1 =	vld [tilespmem:s31+$0xCA00]  }
0x64: {  	v2 =	vld [tilespmem:s31+$0xCA10]  }
0x65: {  	v3 =	vld [tilespmem:s31+$0xCA20]  }
0x66: {  	v4 =	vld [tilespmem:s31+$0xCA30]  }
0x67: {  	v5 =	vld [tilespmem:s31+$0xCA40]  }
0x68: {  	v6 =	vld [tilespmem:s31+$0xCA50]  }
0x69: {  	v7 =	vld [tilespmem:s31+$0xCA60]  }
0x6a: {  	v8 =	vld [tilespmem:s31+$0xCA70]  }
0x6b: {  	v9 =	vld [tilespmem:s31+$0xCA80]  }
0x6c: {  	v10 =	vld [tilespmem:s31+$0xCA90]  }
0x6d: {  	v11 =	vld [tilespmem:s31+$0xCAA0]  }
0x6e: {  	v12 =	vld [tilespmem:s31+$0xCAB0]  }
0x6f: {  	v13 =	vld [tilespmem:s31+$0xCAC0]  }
0x70: {  	v14 =	vld [tilespmem:s31+$0xCAD0]  }
0x71: {  	[tilespmem:s31+$0x4AF0] =	vst.add.f32.msk $0xffff, v0  }
0x72: {  	v0 =	vld [tilespmem:s31+$0xCAE0]  }
0x73: {  	[tilespmem:s31+$0x4A00] =	vst.add.f32.msk $0xffff, v1  }
0x74: {  	[tilespmem:s31+$0x4A10] =	vst.add.f32.msk $0xffff, v2  }
0x75: {  	[tilespmem:s31+$0x4A20] =	vst.add.f32.msk $0xffff, v3  }
0x76: {  	[tilespmem:s31+$0x4A30] =	vst.add.f32.msk $0xffff, v4  }
0x77: {  	[tilespmem:s31+$0x4A40] =	vst.add.f32.msk $0xffff, v5  }
0x78: {  	[tilespmem:s31+$0x4A50] =	vst.add.f32.msk $0xffff, v6  }
0x79: {  	[tilespmem:s31+$0x4A60] =	vst.add.f32.msk $0xffff, v7  }
0x7a: {  	[tilespmem:s31+$0x4A70] =	vst.add.f32.msk $0xffff, v8  }
0x7b: {  	[tilespmem:s31+$0x4A80] =	vst.add.f32.msk $0xffff, v9  }
0x7c: {  	[tilespmem:s31+$0x4A90] =	vst.add.f32.msk $0xffff, v10  }
0x7d: {  	[tilespmem:s31+$0x4AA0] =	vst.add.f32.msk $0xffff, v11  }
0x7e: {  	[tilespmem:s31+$0x4AB0] =	vst.add.f32.msk $0xffff, v12  }
0x7f: {  	[tilespmem:s31+$0x4AC0] =	vst.add.f32.msk $0xffff, v13  }
0x80: {  	s7 =	simm.s32 $0x0;
	s0 =	simm.s32 $0x400;
	[tilespmem:s31+$0x4AD0] =	vst.add.f32.msk $0xffff, v14  }
.LBB2_4:
0x81: {  	s7 =	sadd.s32 $0x2, s7;
	[tilespmem:s31+$0x4AE0] =	vst.add.f32.msk $0xffff, v0;
	s31 =	sshra.s32 s0, $0x2  }
0x82: {  	v0 =	vld [tilespmem:s31+$0xCAF0];
	p0 =	slt.u32 s7, $0x7E  }
0x83: {  	v1 =	vld [tilespmem:s31+$0xCA00]  }
0x84: {  	v2 =	vld [tilespmem:s31+$0xCA10]  }
0x85: {  	v3 =	vld [tilespmem:s31+$0xCA20]  }
0x86: {  	v4 =	vld [tilespmem:s31+$0xCA30]  }
0x87: {  	[tilespmem:s31+$0x4AF0] =	vst.add.f32.msk $0xffff, v0  }
0x88: {  	v5 =	vld [tilespmem:s31+$0xCA40]  }
0x89: {  	v6 =	vld [tilespmem:s31+$0xCA50]  }
0x8a: {  	v7 =	vld [tilespmem:s31+$0xCA60]  }
0x8b: {  	v8 =	vld [tilespmem:s31+$0xCA70]  }
0x8c: {  	v9 =	vld [tilespmem:s31+$0xCA80]  }
0x8d: {  	v10 =	vld [tilespmem:s31+$0xCA90]  }
0x8e: {  	v11 =	vld [tilespmem:s31+$0xCAA0]  }
0x8f: {  	v12 =	vld [tilespmem:s31+$0xCAB0]  }
0x90: {  	v13 =	vld [tilespmem:s31+$0xCAC0]  }
0x91: {  	v14 =	vld [tilespmem:s31+$0xCAD0]  }
0x92: {  	v0 =	vld [tilespmem:s31+$0xCAE0]  }
0x93: {  	[tilespmem:s31+$0x4A00] =	vst.add.f32.msk $0xffff, v1  }
0x94: {  	[tilespmem:s31+$0x4A10] =	vst.add.f32.msk $0xffff, v2  }
0x95: {  	[tilespmem:s31+$0x4A20] =	vst.add.f32.msk $0xffff, v3  }
0x96: {  	[tilespmem:s31+$0x4A30] =	vst.add.f32.msk $0xffff, v4  }
0x97: {  	[tilespmem:s31+$0x4A40] =	vst.add.f32.msk $0xffff, v5  }
0x98: {  	[tilespmem:s31+$0x4A50] =	vst.add.f32.msk $0xffff, v6  }
0x99: {  	[tilespmem:s31+$0x4A60] =	vst.add.f32.msk $0xffff, v7  }
0x9a: {  	[tilespmem:s31+$0x4A70] =	vst.add.f32.msk $0xffff, v8  }
0x9b: {  	[tilespmem:s31+$0x4A80] =	vst.add.f32.msk $0xffff, v9  }
.Ltmp1:
0x9c: {  	[tilespmem:s31+$0x4A90] =	vst.add.f32.msk $0xffff, v10;
	(pc) =	sbr.rel @p0 .LBB2_4-.Ltmp1, $4  }
0x9d: {  	[tilespmem:s31+$0x4AA0] =	vst.add.f32.msk $0xffff, v11  }
0x9e: {  	[tilespmem:s31+$0x4AB0] =	vst.add.f32.msk $0xffff, v12  }
0x9f: {  	[tilespmem:s31+$0x4AC0] =	vst.add.f32.msk $0xffff, v13  }
0xa0: {  	s0 =	sadd.s32 $0x400, s0;
	[tilespmem:s31+$0x4AD0] =	vst.add.f32.msk $0xffff, v14  }
0xa1: {  	s0 =	sadd.s32 s12, s9  }
0xa2: {  	s0 =	sshll.u32 s0, $0x4  }
0xa3: {  	[tilespmem:s31+$0x4AE0] =	vst.add.f32.msk $0xffff, v0;
	s0 =	sadd.s32 s2, s0  }
0xa4: {  	[hbm4b:s0+s3] =	stream.linear.scatter [tilespmem:s23], [sflag:$0x8], $0x4000, $0x38;
	[tilespmem:$0x10A00] =	vst v63  }
.LBB2_6:
0xa5: {  	_ =	swait.ge [sflag:s21], $0x300  }
0xa6: {  	[sflag:s21] =	ssyncset.done $0x0  }
0xa7: {  	[sflag:s21] =	ssyncadd.s32 $0xFFFFFD00  }
0xa8: {  	v0 =	vld [tilespmem:$0x400]  }
0xa9: {  	v1 =	vld [tilespmem:$0x480]  }
0xaa: {  	v2 =	vld [tilespmem:$0x500]  }
0xab: {  	v3 =	vld [tilespmem:$0x580]  }
0xac: {  	v4 =	vld [tilespmem:$0x600]  }
0xad: {  	v5 =	vld [tilespmem:$0x680]  }
0xae: {  	v6 =	vld [tilespmem:$0x410]  }
0xaf: {  	v7 =	vld [tilespmem:$0x490]  }
0xb0: {  	v8 =	vld [tilespmem:$0x510]  }
0xb1: {  	v9 =	vld [tilespmem:$0x590]  }
0xb2: {  	v10 =	vld [tilespmem:$0x610]  }
0xb3: {  	v11 =	vld [tilespmem:$0x690]  }
0xb4: {  	v12 =	vld [tilespmem:$0x420]  }
0xb5: {  	v13 =	vld [tilespmem:$0x4A0]  }
0xb6: {  	v14 =	vld [tilespmem:$0x520]  }
0xb7: {  	v15 =	vld [tilespmem:$0x5A0]  }
0xb8: {  	v16 =	vld [tilespmem:$0x620]  }
0xb9: {  	v17 =	vld [tilespmem:$0x6A0]  }
0xba: {  	v18 =	vld [tilespmem:$0x430]  }
0xbb: {  	v19 =	vld [tilespmem:$0x4B0]  }
0xbc: {  	v20 =	vld [tilespmem:$0x530]  }
0xbd: {  	v21 =	vld [tilespmem:$0x5B0]  }
0xbe: {  	v22 =	vld [tilespmem:$0x630]  }
0xbf: {  	v23 =	vld [tilespmem:$0x6B0]  }
0xc0: {  	v24 =	vld [tilespmem:$0x440]  }
0xc1: {  	v25 =	vld [tilespmem:$0x4C0]  }
0xc2: {  	v26 =	vld [tilespmem:$0x540]  }
0xc3: {  	v27 =	vld [tilespmem:$0x5C0]  }
0xc4: {  	v28 =	vld [tilespmem:$0x640]  }
0xc5: {  	v29 =	vld [tilespmem:$0x6C0]  }
0xc6: {  	v42 =	vld [tilespmem:$0x550];
	v2 =	vmul.u32 $0x14, v2;
	v5 =	vmul.u32 $0x8C, v5;
	v3 =	vmul.u32 $0xC, v3  }
0xc7: {  	v45 =	vld [tilespmem:$0x5D0];
	v37 =	vmul.u32 $0x180, v4;
	v38 =	vmul.u32 $0x14, v8;
	v39 =	vmul.u32 $0x8C, v11  }
0xc8: {  	v48 =	vld [tilespmem:$0x650];
	v41 =	vmul.u32 $0xC, v9;
	v43 =	vmul.u32 $0x180, v10;
	v44 =	vmul.u32 $0x14, v14  }
0xc9: {  	v51 =	vld [tilespmem:$0x6D0];
	v46 =	vmul.u32 $0x8C, v17;
	v47 =	vmul.u32 $0xC, v15;
	v50 =	vmul.u32 $0x180, v16  }
0xca: {  	v54 =	vld [tilespmem:$0x460];
	v53 =	vmul.u32 $0x14, v20;
	v55 =	vmul.u32 $0x8C, v23;
	v56 =	vmul.u32 $0xC, v21  }
0xcb: {  	v59 =	vld [tilespmem:$0x560];
	v58 =	vmul.u32 $0x180, v22;
	v62 =	vmul.u32 $0x14, v26;
	v30 =	vmul.u32 $0xC, v27  }
0xcc: {  	v31 =	vld [tilespmem:$0x660];
	v32 =	vmul.u32 $0x8C, v29;
	v33 =	vmul.u32 $0x180, v28;
	v0 =	vadd.s32 v2, v0  }
0xcd: {  	v34 =	vld [tilespmem:$0x6E0];
	v1 =	vadd.s32 v1, v3;
	v40 =	vadd.s32 v38, v6;
	v4 =	vadd.s32 v7, v41  }
0xce: {  	v57 =	vld [tilespmem:$0x4E0];
	v49 =	vadd.s32 v44, v12;
	v52 =	vadd.s32 v13, v47;
	v11 =	vadd.s32 v53, v18  }
0xcf: {  	v63 =	vld [tilespmem:$0x5E0];
	v61 =	vadd.s32 v19, v56;
	v36 =	vadd.s32 v25, v30;
	v1 =	vadd.s32 v37, v1  }
0xd0: {  	v8 =	vld [tilespmem:$0x450];
	v6 =	vmul.u32 $0x14, v42;
	v41 =	vmul.u32 $0xC, v45;
	v3 =	vadd.s32 v43, v4;
	[tilespmem:$0x980] =	vst v1  }
0xd1: {  	v42 =	vld [tilespmem:$0x6F0];
	v44 =	vmul.u32 $0x180, v48;
	v45 =	vmul.u32 $0x14, v59;
	v7 =	vadd.s32 v50, v52;
	[tilespmem:$0x990] =	vst v3  }
0xd2: {  	v48 =	vmul.u32 $0x8C, v34;
	v53 =	vld [tilespmem:$0x4F0];
	v56 =	vmul.u32 $0x180, v31;
	v26 =	vadd.s32 v58, v61;
	[tilespmem:$0x9A0] =	vst v7  }
0xd3: {  	v0 =	vadd.s32 v5, v0;
	v5 =	vld [tilespmem:$0x4D0];
	v2 =	vadd.s32 v39, v40;
	v38 =	vadd.s32 v33, v36;
	[tilespmem:$0x9B0] =	vst v26  }
0xd4: {  	v4 =	vadd.s32 v46, v49;
	v60 =	vadd.s32 v55, v11;
	v40 =	vld [tilespmem:$0x570];
	v0 =	vadd.s32 $0xFFFFF818, v0;
	[tilespmem:$0x9C0] =	vst v38  }
0xd5: {  	v11 =	vadd.s32 v62, v24;
	v39 =	vmul.u32 $0x8C, v51;
	v46 =	vld [tilespmem:$0x5F0];
	v23 =	vadd.s32 $0xFFFFF818, v2;
	[tilespmem:$0x880] =	vst v0  }
0xd6: {  	v49 =	vld [tilespmem:$0x670];
	v52 =	vmul.u32 $0xC, v63;
	v35 =	vadd.s32 $0xFFFFF818, v4;
	v1 =	vadd.s32 v32, v11;
	[tilespmem:$0x890] =	vst v23  }
0xd7: {  	v37 =	vld [tilespmem:$0x470];
	v51 =	vadd.s32 v45, v54;
	[tilespmem:$0x8A0] =	vst v35;
	v0 =	vadd.s32 $0xFFFFF818, v60;
	v6 =	vadd.s32 v6, v8  }
0xd8: {  	v1 =	vadd.s32 $0xFFFFF818, v1;
	v2 =	vadd.s32 v48, v51;
	[tilespmem:$0x8B0] =	vst v0;
	v43 =	vadd.s32 v39, v6  }
0xd9: {  	v55 =	vadd.s32 v57, v52;
	[tilespmem:$0x8C0] =	vst v1;
	v2 =	vadd.s32 $0xFFFFF818, v2;
	v0 =	vadd.s32 $0xFFFFF818, v43  }
0xda: {  	p0 =	sne.s32 s11, $0x0;
	v57 =	vmul.u32 $0x8C, v42;
	[tilespmem:$0x8E0] =	vst v2;
	v54 =	vmul.u32 $0x14, v40;
	v59 =	vmul.u32 $0xC, v46  }
.Ltmp2:
0xdb: {  	v47 =	vadd.s32 v5, v41;
	[tilespmem:$0x8D0] =	vst v0;
	v0 =	vadd.s32 v56, v55;
	v60 =	vmul.u32 $0x180, v49;
	(pc) =	sbr.rel @!p0 .LBB2_7-.Ltmp2, $4  }
0xdc: {  	v50 =	vadd.s32 v44, v47;
	[tilespmem:$0x9E0] =	vst v0;
	v58 =	vadd.s32 v54, v37;
	v62 =	vadd.s32 v53, v59  }
0xdd: {  	[tilespmem:$0x9D0] =	vst v50;
	v1 =	vadd.s32 v57, v58;
	v63 =	vadd.s32 v60, v62  }
0xde: {  	v61 =	vadd.s32 $0xFFFFF818, v1;
	[tilespmem:$0x9F0] =	vst v63  }
0xdf: {  	[tilespmem:$0x8F0] =	vst v61  }
0xe0: {  	_ =	swait.ge [sflag:s1], $0x4000;
	p0 =	seq.s32 s11, $0x18  }
.Ltmp3:
0xe1: {  	[sflag:s1] =	ssyncset.done $0x0;
	(pc) =	sbr.rel @p0 .LBB2_10-.Ltmp3, $4  }
.Ltmp4:
0xe2: {  	[sflag:s1] =	ssyncadd.s32 $0xFFFFC000;
	(pc) =	sbr.rel @!p0 .LBB2_9-.Ltmp4, $4  }
0xe3: {  	[tilespmem:s23], [sflag:$0x4] =	stream.indirect.gather [hbm4b:s5+s16], $0x80, s22, s16, $0xb8;
	[tilespmem:$0x10A00] =	vst v63  }
0xe4: {  	_ = 	snop  }
0xe5: {  	[tilespmem:s25], [sflag:$0x6] =	stream.indirect.gather [hbm4b:s6+s16], $0x80, s24, s16, $0xb8;
	[tilespmem:$0x10A00] =	vst v63  }
0xe6: {  	_ = 	snop  }
.LBB2_7:
0xe7: {  	[tilespmem:s23], [sflag:$0x4] =	stream.indirect.gather [hbm4b:s5+s16], $0x80, s22, s16, $0xb8;
	[tilespmem:$0x10A00] =	vst v63  }
0xe8: {  	_ = 	snop  }
0xe9: {  	[tilespmem:s25], [sflag:$0x6] =	stream.indirect.gather [hbm4b:s6+s16], $0x80, s24, s16, $0xb8;
	[tilespmem:$0x10A00] =	vst v63  }
.LBB2_9:
0xea: {  	s0 =	sadd.s32 s12, s10  }
0xeb: {  	[tilespmem:s3], [sflag:$0x1] =	stream.strided.gather [hbm4b:s0+s13], $0x0, s14, s13, $0x38;
	[tilespmem:$0x10A00] =	vst v63  }
0xec: {  	_ = 	snop  }
0xed: {  	[tilespmem:s3], [sflag:$0x1] =	stream.linear.gather [hbm4b:s0+s3], $0x300, $0x38;
	[tilespmem:$0x10A00] =	vst v63  }
.LBB2_10:
0xee: {  	_ =	swait.ge [sflag:s26], $0x4000  }
0xef: {  	[sflag:s26] =	ssyncset.done $0x0  }
0xf0: {  	[sflag:s26] =	ssyncadd.s32 $0xFFFFC000  }
0xf1: {  	_ =	swait.ge [sflag:s28], $0x4000  }
0xf2: {  	[sflag:s28] =	ssyncset.done $0x0  }
0xf3: {  	s12 =	simm.s32 $0x0;
	[sflag:s28] =	ssyncadd.s32 $0xFFFFC000  }
0xf4: {  	v0 =	vld [tilespmem:s12+$0x8AF0]  }
0xf5: {  	v1 =	vld [tilespmem:s12+$0x8A00]  }
0xf6: {  	v2 =	vld [tilespmem:s12+$0x8A10]  }
0xf7: {  	v3 =	vld [tilespmem:s12+$0x8A20]  }
0xf8: {  	v4 =	vld [tilespmem:s12+$0x8A30]  }
0xf9: {  	v5 =	vld [tilespmem:s12+$0x8A40]  }
0xfa: {  	v6 =	vld [tilespmem:s12+$0x8A50]  }
0xfb: {  	v7 =	vld [tilespmem:s12+$0x8A60]  }
0xfc: {  	v8 =	vld [tilespmem:s12+$0x8A70]  }
0xfd: {  	v9 =	vld [tilespmem:s12+$0x8A80]  }
0xfe: {  	v10 =	vld [tilespmem:s12+$0x8A90]  }
0xff: {  	v11 =	vld [tilespmem:s12+$0x8AA0]  }
0x100: {  	v12 =	vld [tilespmem:s12+$0x8AB0]  }
0x101: {  	v13 =	vld [tilespmem:s12+$0x8AC0]  }
0x102: {  	v14 =	vld [tilespmem:s12+$0x8AD0]  }
0x103: {  	[tilespmem:s12+$0xAF0] =	vst.add.f32.msk $0xffff, v0  }
0x104: {  	v0 =	vld [tilespmem:s12+$0x8AE0]  }
0x105: {  	[tilespmem:s12+$0xA00] =	vst.add.f32.msk $0xffff, v1  }
0x106: {  	[tilespmem:s12+$0xA10] =	vst.add.f32.msk $0xffff, v2  }
0x107: {  	[tilespmem:s12+$0xA20] =	vst.add.f32.msk $0xffff, v3  }
0x108: {  	[tilespmem:s12+$0xA30] =	vst.add.f32.msk $0xffff, v4  }
0x109: {  	[tilespmem:s12+$0xA40] =	vst.add.f32.msk $0xffff, v5  }
0x10a: {  	[tilespmem:s12+$0xA50] =	vst.add.f32.msk $0xffff, v6  }
0x10b: {  	[tilespmem:s12+$0xA60] =	vst.add.f32.msk $0xffff, v7  }
0x10c: {  	[tilespmem:s12+$0xA70] =	vst.add.f32.msk $0xffff, v8  }
0x10d: {  	[tilespmem:s12+$0xA80] =	vst.add.f32.msk $0xffff, v9  }
0x10e: {  	[tilespmem:s12+$0xA90] =	vst.add.f32.msk $0xffff, v10  }
0x10f: {  	[tilespmem:s12+$0xAA0] =	vst.add.f32.msk $0xffff, v11  }
0x110: {  	[tilespmem:s12+$0xAB0] =	vst.add.f32.msk $0xffff, v12  }
0x111: {  	[tilespmem:s12+$0xAC0] =	vst.add.f32.msk $0xffff, v13  }
0x112: {  	s7 =	simm.s32 $0x0;
	s0 =	simm.s32 $0x400;
	[tilespmem:s12+$0xAD0] =	vst.add.f32.msk $0xffff, v14  }
.LBB2_11:
0x113: {  	s7 =	sadd.s32 $0x2, s7;
	[tilespmem:s12+$0xAE0] =	vst.add.f32.msk $0xffff, v0;
	s12 =	sshra.s32 s0, $0x2  }
0x114: {  	v0 =	vld [tilespmem:s12+$0x8AF0];
	p0 =	slt.u32 s7, $0x7E  }
0x115: {  	v1 =	vld [tilespmem:s12+$0x8A00]  }
0x116: {  	v2 =	vld [tilespmem:s12+$0x8A10]  }
0x117: {  	v3 =	vld [tilespmem:s12+$0x8A20]  }
0x118: {  	v4 =	vld [tilespmem:s12+$0x8A30]  }
0x119: {  	[tilespmem:s12+$0xAF0] =	vst.add.f32.msk $0xffff, v0  }
0x11a: {  	v5 =	vld [tilespmem:s12+$0x8A40]  }
0x11b: {  	v6 =	vld [tilespmem:s12+$0x8A50]  }
0x11c: {  	v7 =	vld [tilespmem:s12+$0x8A60]  }
0x11d: {  	v8 =	vld [tilespmem:s12+$0x8A70]  }
0x11e: {  	v9 =	vld [tilespmem:s12+$0x8A80]  }
0x11f: {  	v10 =	vld [tilespmem:s12+$0x8A90]  }
0x120: {  	v11 =	vld [tilespmem:s12+$0x8AA0]  }
0x121: {  	v12 =	vld [tilespmem:s12+$0x8AB0]  }
0x122: {  	v13 =	vld [tilespmem:s12+$0x8AC0]  }
0x123: {  	v14 =	vld [tilespmem:s12+$0x8AD0]  }
0x124: {  	v0 =	vld [tilespmem:s12+$0x8AE0]  }
0x125: {  	[tilespmem:s12+$0xA00] =	vst.add.f32.msk $0xffff, v1  }
0x126: {  	[tilespmem:s12+$0xA10] =	vst.add.f32.msk $0xffff, v2  }
0x127: {  	[tilespmem:s12+$0xA20] =	vst.add.f32.msk $0xffff, v3  }
0x128: {  	[tilespmem:s12+$0xA30] =	vst.add.f32.msk $0xffff, v4  }
0x129: {  	[tilespmem:s12+$0xA40] =	vst.add.f32.msk $0xffff, v5  }
0x12a: {  	[tilespmem:s12+$0xA50] =	vst.add.f32.msk $0xffff, v6  }
0x12b: {  	[tilespmem:s12+$0xA60] =	vst.add.f32.msk $0xffff, v7  }
0x12c: {  	[tilespmem:s12+$0xA70] =	vst.add.f32.msk $0xffff, v8  }
0x12d: {  	[tilespmem:s12+$0xA80] =	vst.add.f32.msk $0xffff, v9  }
.Ltmp5:
0x12e: {  	[tilespmem:s12+$0xA90] =	vst.add.f32.msk $0xffff, v10;
	(pc) =	sbr.rel @p0 .LBB2_11-.Ltmp5, $4  }
0x12f: {  	[tilespmem:s12+$0xAA0] =	vst.add.f32.msk $0xffff, v11  }
0x130: {  	[tilespmem:s12+$0xAB0] =	vst.add.f32.msk $0xffff, v12  }
0x131: {  	[tilespmem:s12+$0xAC0] =	vst.add.f32.msk $0xffff, v13  }
0x132: {  	s0 =	sadd.s32 $0x400, s0;
	[tilespmem:s12+$0xAD0] =	vst.add.f32.msk $0xffff, v14  }
0x133: {  	s0 =	sshll.u32 s11, $0xF;
	s11 =	sadd.s32 $0x1, s11  }
0x134: {  	p0 =	sne.s32 s11, $0x19  }
.Ltmp6:
0x135: {  	_ = 	snop;
	(pc) =	sbr.rel @p0 .LBB2_2-.Ltmp6, $4  }
0x136: {  	s0 =	sadd.s32 s4, s0  }
0x137: {  	s0 =	sshrl.u32 s0, $0x3  }
0x138: {  	[tilespmem:s12+$0xAE0] =	vst.add.f32.msk $0xffff, v0;
	s0 =	sadd.s32 s2, s0  }
0x139: {  	[hbm4b:s0+s3] =	stream.linear.scatter [tilespmem:s18], [sflag:$0x7], $0x4000, $0x38;
	[tilespmem:$0x10A00] =	vst v63  }
0x13a: {  	_ =	swait.ge [sflag:s29], $0x4000  }
0x13b: {  	[sflag:s29] =	ssyncset.done $0x0  }
0x13c: {  	[sflag:s29] =	ssyncadd.s32 $0xFFFFC000  }
0x13d: {  	_ =	swait.ge [sflag:s30], $0x4000  }
0x13e: {  	[sflag:s30] =	ssyncset.done $0x0  }
0x13f: {  	s11 =	simm.s32 $0x0;
	[sflag:s30] =	ssyncadd.s32 $0xFFFFC000  }
0x140: {  	v0 =	vld [tilespmem:s11+$0xCAF0]  }
0x141: {  	v1 =	vld [tilespmem:s11+$0xCA00]  }
0x142: {  	v2 =	vld [tilespmem:s11+$0xCA10]  }
0x143: {  	v3 =	vld [tilespmem:s11+$0xCA20]  }
0x144: {  	v4 =	vld [tilespmem:s11+$0xCA30]  }
0x145: {  	v5 =	vld [tilespmem:s11+$0xCA40]  }
0x146: {  	v6 =	vld [tilespmem:s11+$0xCA50]  }
0x147: {  	v7 =	vld [tilespmem:s11+$0xCA60]  }
0x148: {  	v8 =	vld [tilespmem:s11+$0xCA70]  }
0x149: {  	v9 =	vld [tilespmem:s11+$0xCA80]  }
0x14a: {  	v10 =	vld [tilespmem:s11+$0xCA90]  }
0x14b: {  	v11 =	vld [tilespmem:s11+$0xCAA0]  }
0x14c: {  	v12 =	vld [tilespmem:s11+$0xCAB0]  }
0x14d: {  	v13 =	vld [tilespmem:s11+$0xCAC0]  }
0x14e: {  	v14 =	vld [tilespmem:s11+$0xCAD0]  }
0x14f: {  	[tilespmem:s11+$0x4AF0] =	vst.add.f32.msk $0xffff, v0  }
0x150: {  	v0 =	vld [tilespmem:s11+$0xCAE0]  }
0x151: {  	[tilespmem:s11+$0x4A00] =	vst.add.f32.msk $0xffff, v1  }
0x152: {  	[tilespmem:s11+$0x4A10] =	vst.add.f32.msk $0xffff, v2  }
0x153: {  	[tilespmem:s11+$0x4A20] =	vst.add.f32.msk $0xffff, v3  }
0x154: {  	[tilespmem:s11+$0x4A30] =	vst.add.f32.msk $0xffff, v4  }
0x155: {  	[tilespmem:s11+$0x4A40] =	vst.add.f32.msk $0xffff, v5  }
0x156: {  	[tilespmem:s11+$0x4A50] =	vst.add.f32.msk $0xffff, v6  }
0x157: {  	[tilespmem:s11+$0x4A60] =	vst.add.f32.msk $0xffff, v7  }
0x158: {  	[tilespmem:s11+$0x4A70] =	vst.add.f32.msk $0xffff, v8  }
0x159: {  	[tilespmem:s11+$0x4A80] =	vst.add.f32.msk $0xffff, v9  }
0x15a: {  	[tilespmem:s11+$0x4A90] =	vst.add.f32.msk $0xffff, v10  }
0x15b: {  	[tilespmem:s11+$0x4AA0] =	vst.add.f32.msk $0xffff, v11  }
0x15c: {  	[tilespmem:s11+$0x4AB0] =	vst.add.f32.msk $0xffff, v12  }
0x15d: {  	[tilespmem:s11+$0x4AC0] =	vst.add.f32.msk $0xffff, v13  }
0x15e: {  	s7 =	simm.s32 $0x0;
	s0 =	simm.s32 $0x400;
	[tilespmem:s11+$0x4AD0] =	vst.add.f32.msk $0xffff, v14  }
.LBB2_14:
0x15f: {  	s7 =	sadd.s32 $0x2, s7;
	[tilespmem:s11+$0x4AE0] =	vst.add.f32.msk $0xffff, v0;
	s11 =	sshra.s32 s0, $0x2  }
0x160: {  	v0 =	vld [tilespmem:s11+$0xCAF0];
	p0 =	slt.u32 s7, $0x7E  }
0x161: {  	v1 =	vld [tilespmem:s11+$0xCA00]  }
0x162: {  	v2 =	vld [tilespmem:s11+$0xCA10]  }
0x163: {  	v3 =	vld [tilespmem:s11+$0xCA20]  }
0x164: {  	v4 =	vld [tilespmem:s11+$0xCA30]  }
0x165: {  	[tilespmem:s11+$0x4AF0] =	vst.add.f32.msk $0xffff, v0  }
0x166: {  	v5 =	vld [tilespmem:s11+$0xCA40]  }
0x167: {  	v6 =	vld [tilespmem:s11+$0xCA50]  }
0x168: {  	v7 =	vld [tilespmem:s11+$0xCA60]  }
0x169: {  	v8 =	vld [tilespmem:s11+$0xCA70]  }
0x16a: {  	v9 =	vld [tilespmem:s11+$0xCA80]  }
0x16b: {  	v10 =	vld [tilespmem:s11+$0xCA90]  }
0x16c: {  	v11 =	vld [tilespmem:s11+$0xCAA0]  }
0x16d: {  	v12 =	vld [tilespmem:s11+$0xCAB0]  }
0x16e: {  	v13 =	vld [tilespmem:s11+$0xCAC0]  }
0x16f: {  	v14 =	vld [tilespmem:s11+$0xCAD0]  }
0x170: {  	v0 =	vld [tilespmem:s11+$0xCAE0]  }
0x171: {  	[tilespmem:s11+$0x4A00] =	vst.add.f32.msk $0xffff, v1  }
0x172: {  	[tilespmem:s11+$0x4A10] =	vst.add.f32.msk $0xffff, v2  }
0x173: {  	[tilespmem:s11+$0x4A20] =	vst.add.f32.msk $0xffff, v3  }
0x174: {  	[tilespmem:s11+$0x4A30] =	vst.add.f32.msk $0xffff, v4  }
0x175: {  	[tilespmem:s11+$0x4A40] =	vst.add.f32.msk $0xffff, v5  }
0x176: {  	[tilespmem:s11+$0x4A50] =	vst.add.f32.msk $0xffff, v6  }
0x177: {  	[tilespmem:s11+$0x4A60] =	vst.add.f32.msk $0xffff, v7  }
0x178: {  	[tilespmem:s11+$0x4A70] =	vst.add.f32.msk $0xffff, v8  }
0x179: {  	[tilespmem:s11+$0x4A80] =	vst.add.f32.msk $0xffff, v9  }
.Ltmp7:
0x17a: {  	[tilespmem:s11+$0x4A90] =	vst.add.f32.msk $0xffff, v10;
	(pc) =	sbr.rel @p0 .LBB2_14-.Ltmp7, $4  }
0x17b: {  	[tilespmem:s11+$0x4AA0] =	vst.add.f32.msk $0xffff, v11  }
0x17c: {  	[tilespmem:s11+$0x4AB0] =	vst.add.f32.msk $0xffff, v12  }
0x17d: {  	[tilespmem:s11+$0x4AC0] =	vst.add.f32.msk $0xffff, v13  }
0x17e: {  	s0 =	sadd.s32 $0x400, s0;
	[tilespmem:s11+$0x4AD0] =	vst.add.f32.msk $0xffff, v14  }
0x17f: {  	[tilespmem:s11+$0x4AE0] =	vst.add.f32.msk $0xffff, v0;
	s0 =	rddreg [dreg:$0x4];
	s12 =	simm.s32 $0x7  }
0x180: {  	[hbm4b:s0+s3] =	stream.linear.scatter [tilespmem:s23], [sflag:$0x8], $0x4000, $0x38;
	[tilespmem:$0x10A00] =	vst v63  }
0x181: {  	_ =	swait.ge [sflag:s12], $0x4000  }
0x182: {  	[sflag:s12] =	ssyncset.done $0x0  }
0x183: {  	[sflag:s12] =	ssyncadd.s32 $0xFFFFC000  }
0x184: {  	_ =	swait.ge [sflag:s1], $0x4000  }
0x185: {  	s7 =	rddreg [dreg:$0x6]  }
0x186: {  	s31 =	rddreg [dreg:$0x5];
	s7 =	sadd.s32 $0x1, s7  }
0x187: {  	p0 =	sne.s32 s7, s31  }
.Ltmp8:
0x188: {  	_ = 	snop;
	(pc) =	sbr.rel @p0 .LBB2_1-.Ltmp8, $3  }
0x189: {  	_ =	sdelay $0x1  }
0x18a: {  	[sflag:s1] =	ssyncset.done $0x0  }
0x18b: {  	[sflag:s1] =	ssyncadd.s32 $0xFFFFC000  }
0x18c: {  	_ =	sfence.sel $0x180000  }
0x18d: {  	[bflag:$0x0] =	sbarrier.arrive $0xFFFF  }
0x18e: {  	_ =	strace $0x90000047  }
0x18f: {  	s0 =	stileid.u32;
	[bflag:$0x2] =	sbarrier.arrive $0xFFFF  }
0x190: {  	p0 =	sne.s32 s0, $0x0;
	s0 =	rddreg [dreg:$0x2]  }
0x191: {  	s0 =	sadd.s32 @!p0 $0x100000, s0  }
0x192: {  	[sflag:s0] =	ssyncadd.tile.s32 @!p0 $0x1;
	_ =	shalt  }
.Lfunc_end2:
_tile_overlayer_lowered:
.L_overlay_start_2:
0x193: {  	(tag) =	ssettag $0x2  }
0x194: {  	s0 =	rddreg [dreg:$0x0];
	s2 =	stileid.u32  }
0x195: {  	s1 =	rddreg [dreg:$0x1];
	p0 =	sne.s32 s2, $0x0  }
0x196: {  	s3 =	rddreg [dreg:$0x2];
	[bflag:$0x3] =	sbarrier.arrive $0xFFFF;
	s2 =	simm.s32 @!p0 $0x1C09  }
0x197: {  	[timem:s3], [sflag:s2] =	dma.local @!p0 [hbm:s0], s1  }
0x198: {  	s0 =	simm.s32 @!p0 $0x9  }
0x199: {  	_ =	swait.ge @!p0 [sflag:s0], s1  }
0x19a: {  	s1 =	ssub.s32 @!p0 $0x0, s1;
	[sflag:s0] =	ssyncset.done @!p0 $0x0  }
0x19b: {  	[sflag:s0] =	ssyncadd.s32 @!p0 s1  }
0x19c: {  	[bflag:$0x3] =	sbarrier.arrive $0xFFFF  }
0x19d: {  	_ =	shalt  }

// kernel: kernel.7.cloned.1.call-start
scs
__scs_entry_jumppad:
0x0: {  	(pc) =	sbr.rel $0x88, $3  }
0x1: {  	(tag) =	ssettag $0x0;
	lr =	simm.s32 $0x1  }
0x2: {  	[smem:$0x3F9A] =	sst lr;
	_ =	strace $0xD0000000  }
0x3: {  	_ = 	snop  }
0x4: {  	_ = 	snop  }
0x5: {  	_ = 	snop  }
0x6: {  	_ = 	snop  }
0x7: {  	_ = 	snop  }
__scs_overlays_trampoline_lowered:
0x8: {  	[smem:$0x3FA9] =	sst s0  }
0x9: {  	[smem:$0x3FAA] =	sst s1  }
0xa: {  	[smem:$0x3FAB] =	sst s2  }
0xb: {  	[smem:$0x3FAC] =	sst s3  }
0xc: {  	[smem:$0x3FAD] =	sst s4  }
0xd: {  	[smem:$0x3FAE] =	sst s5  }
0xe: {  	[smem:$0x3FAF] =	sst s6  }
0xf: {  	[smem:$0x3FB0] =	sst s7  }
0x10: {  	[smem:$0x3FB1] =	sst s8  }
0x11: {  	[smem:$0x3FB2] =	sst s9;
	s0 =	simm.s32 @!p0 $0x0  }
0x12: {  	s1 =	sld [smem:$0x3F98];
	s0 =	simm.s32 @p0 $0x1  }
0x13: {  	[smem:$0x3FB3] =	sst s0;
	s0 =	simm.s32 @!p1 $0x0  }
0x14: {  	s2 =	sld [smem:$0x3F97];
	s0 =	simm.s32 @p1 $0x1  }
0x15: {  	[smem:$0x3FB4] =	sst s0;
	s0 =	simm.s32 @!p2 $0x0  }
0x16: {  	s3 =	sld [smem:$0x3FDB];
	s0 =	simm.s32 @p2 $0x1  }
0x17: {  	s4 =	simm.s32 $0x1BF5;
	[smem:$0x3FB6] =	sst s0  }
0x18: {  	s0 =	sld [smem:$0x3F99];
	_ =	swait.ge [sflag:s4], $0x0  }
0x19: {  	s7 =	sld [smem:$0x3F9A]  }
0x1a: {  	s8 =	sadd.s32 $0xFFFFE003, lr  }
0x1b: {  	s9 =	sadd.s32 $0xFFFFFEF7, lr;
	s5 =	simm.s32 $0xFFFFFFFF;
	p2 =	slt.u32 s8, $0xFFFFF086  }
0x1c: {  	p1 =	slt.u32 s9, $0xF7A;
	s5 =	simm.s32 @!p2 $0x0  }
0x1d: {  	s5 =	simm.s32 @p1 $0x1;
	p0 =	seq.s32 s7, s2  }
0x1e: {  	s7 =	smul.u32 @!p0 $0xF7A, s2;
	p2 =	seq.s32 @!p0 s5, $0x0  }
0x1f: {  	s9 =	smul.u32 $0xF7A, s1;
	s8 =	simm.s32 @!p0 $0x1BF5;
	p2 =	por !p2, p0  }
0x20: {  	[sflag:s8] =	ssyncset.s32 @!p0 $0xFFFFF086;
	s6 =	sadd.s32 @!p0 s3, s7;
	s7 =	simm.s32 @!p0 $0x108  }
0x21: {  	s3 =	sadd.s32 s3, s9;
	s6 =	sadd.s32 @!p0 $0x88, s6;
	s7 =	simm.s32 @p2 $0x1082  }
0x22: {  	[simem:s7], [sflag:s8] =	dma.local @!p0 [hbm:s6], $0xF7A  }
0x23: {  	s9 =	sor.u32 $0xD0000000, s2;
	s6 =	simm.s32 $0x108;
	_ =	swait.ge @!p0 [sflag:s8], $0x0  }
0x24: {  	s3 =	sadd.s32 $0x88, s3;
	s6 =	simm.s32 @!p1 $0x1082;
	[sflag:s4] =	ssyncset.s32 $0xFFFFF086  }
0x25: {  	[simem:s6], [sflag:s4] =	dma.local [hbm:s3], $0xF7A  }
0x26: {  	[smem:$0x3F9A] =	sst s1;
	(tag) =	ssettag s2;
	_ =	strace s9  }
0x27: {  	s1 =	sld [smem:$0x3FAA]  }
0x28: {  	s2 =	sld [smem:$0x3FAB]  }
0x29: {  	s4 =	sld [smem:$0x3FAD]  }
0x2a: {  	p0 =	seq.s32 s5, $0x0;
	s5 =	sld [smem:$0x3FAE]  }
0x2b: {  	s6 =	sld [smem:$0x3FAF]  }
0x2c: {  	s7 =	sld [smem:$0x3FB0]  }
0x2d: {  	s3 =	simm.s32 $0x108;
	s8 =	sld [smem:$0x3FB1]  }
0x2e: {  	s3 =	simm.s32 @!p0 $0x1082;
	s9 =	sld [smem:$0x3FB2]  }
0x2f: {  	lr =	sadd.s32 s0, s3;
	s0 =	sld [smem:$0x3FA9]  }
0x30: {  	s3 =	sld [smem:$0x3FAC]  }
0x31: {  	[smem:$0x3FB5] =	sst s10  }
0x32: {  	s10 =	sld [smem:$0x3FB3];
	_ =	sdelay $0x3  }
0x33: {  	p0 =	seq.s32 s10, $0x1;
	s10 =	sld [smem:$0x3FB5];
	_ =	sdelay $0x3  }
0x34: {  	[smem:$0x3FB5] =	sst s10  }
0x35: {  	s10 =	sld [smem:$0x3FB4];
	_ =	sdelay $0x3  }
0x36: {  	p1 =	seq.s32 s10, $0x1;
	s10 =	sld [smem:$0x3FB5];
	_ =	sdelay $0x3  }
0x37: {  	[smem:$0x3FB5] =	sst s10  }
0x38: {  	s10 =	sld [smem:$0x3FB6]  }
0x39: {  	_ = 	snop;
	(pc) =	sbr.ind lr, $3  }
0x3a: {  	_ = 	snop  }
0x3b: {  	_ = 	snop  }
0x3c: {  	p2 =	seq.s32 s10, $0x1;
	s10 =	sld [smem:$0x3FB5]  }
0x3d: {  	_ =	shalt  }
0x3e: {  	_ =	shalt  }
0x3f: {  	_ =	shalt  }
0x40: {  	_ =	shalt  }
0x41: {  	_ =	shalt  }
0x42: {  	_ =	shalt  }
0x43: {  	_ =	shalt  }
0x44: {  	_ =	shalt  }
0x45: {  	_ =	shalt  }
0x46: {  	_ =	shalt  }
0x47: {  	_ =	shalt  }
0x48: {  	_ =	shalt  }
0x49: {  	_ =	shalt  }
0x4a: {  	_ =	shalt  }
0x4b: {  	_ =	shalt  }
0x4c: {  	_ =	shalt  }
0x4d: {  	_ =	shalt  }
0x4e: {  	_ =	shalt  }
0x4f: {  	_ =	shalt  }
0x50: {  	_ =	shalt  }
0x51: {  	_ =	shalt  }
0x52: {  	_ =	shalt  }
0x53: {  	_ =	shalt  }
0x54: {  	_ =	shalt  }
0x55: {  	_ =	shalt  }
0x56: {  	_ =	shalt  }
0x57: {  	_ =	shalt  }
0x58: {  	_ =	shalt  }
0x59: {  	_ =	shalt  }
0x5a: {  	_ =	shalt  }
0x5b: {  	_ =	shalt  }
0x5c: {  	_ =	shalt  }
0x5d: {  	_ =	shalt  }
0x5e: {  	_ =	shalt  }
0x5f: {  	_ =	shalt  }
0x60: {  	_ =	shalt  }
0x61: {  	_ =	shalt  }
0x62: {  	_ =	shalt  }
0x63: {  	_ =	shalt  }
0x64: {  	_ =	shalt  }
0x65: {  	_ =	shalt  }
0x66: {  	_ =	shalt  }
0x67: {  	_ =	shalt  }
0x68: {  	_ =	shalt  }
0x69: {  	_ =	shalt  }
0x6a: {  	_ =	shalt  }
0x6b: {  	_ =	shalt  }
0x6c: {  	_ =	shalt  }
0x6d: {  	_ =	shalt  }
0x6e: {  	_ =	shalt  }
0x6f: {  	_ =	shalt  }
0x70: {  	_ =	shalt  }
0x71: {  	_ =	shalt  }
0x72: {  	_ =	shalt  }
0x73: {  	_ =	shalt  }
0x74: {  	_ =	shalt  }
0x75: {  	_ =	shalt  }
0x76: {  	_ =	shalt  }
0x77: {  	_ =	shalt  }
0x78: {  	_ =	shalt  }
0x79: {  	_ =	shalt  }
0x7a: {  	_ =	shalt  }
0x7b: {  	_ =	shalt  }
0x7c: {  	_ =	shalt  }
0x7d: {  	_ =	shalt  }
0x7e: {  	_ =	shalt  }
0x7f: {  	_ =	shalt  }
0x80: {  	_ =	shalt  }
0x81: {  	_ =	shalt  }
0x82: {  	_ =	shalt  }
0x83: {  	_ =	shalt  }
0x84: {  	_ =	shalt  }
0x85: {  	_ =	shalt  }
0x86: {  	_ =	shalt  }
0x87: {  	_ =	shalt  }
.Lfunc_end0:
.L_simem_size_0:
called_computation.1_lowered:
.L_overlay_start_0:
0x88: {  	s2 =	sld [smem:$0x3FD9]  }
0x89: {  	s3 =	sld [smem:$0x3FFE];
	_ =	sdelay $0x1  }
0x8a: {  	s1 =	srdreg.scid  }
0x8b: {  	s0 =	sand.u32 $0x1, s1  }
0x8c: {  	s17 =	sshll.u32 s0, $0xA;
	s2 =	sadd.s32 s3, s2  }
0x8d: {  	s2 =	sadd.s32 s2, s17  }
0x8e: {  	[smem:$0x3FC1] =	sst s2  }
0x8f: {  	_ = 	snop  }
0x90: {  	s2 =	sld [smem:$0x3FD0];
	(tm) =	ssettm $0x1  }
0x91: {  	s18 =	sld [smem:$0x3FFB];
	_ =	sdelay $0x3  }
0x92: {  	_ =	strace s18  }
0x93: {  	s3 =	sld [smem:$0x3FFC];
	_ =	sdelay $0x3  }
0x94: {  	_ =	strace s3  }
0x95: {  	s3 =	sld [smem:$0x3FFD];
	_ =	sdelay $0x3  }
0x96: {  	_ =	strace s3  }
0x97: {  	_ =	strace $0x8FFFFFFF  }
0x98: {  	s19 =	sld [smem:$0x3FDB];
	_ =	sdelay $0x1  }
0x99: {  	s4 =	simm.s32 $_scs_section_size  }
0x9a: {  	s5 =	simm.s32 $_size__tile_overlayer_lowered;
	s6 =	simm.s32 $_tile_overlayer_lowered  }
0x9b: {  	s22 =	simm.s32 $0x1BFF;
	s21 =	sshll.u32 s6, $0x1;
	s3 =	sadd.s32 s4, s19  }
0x9c: {  	s7 =	simm.s32 $0x0;
	s20 =	sshll.u32 s5, $0x1;
	s5 =	sadd.s32 s21, s3  }
0x9d: {  	[timem:s7], [sflag:s22] =	dma.local [hbm:s5], s20  }
0x9e: {  	_ =	swait.ge [sflag:s22], s20  }
0x9f: {  	s4 =	ssub.s32 $0x0, s20;
	[sflag:s22] =	ssyncset.done $0x0  }
0xa0: {  	[sflag:s22] =	ssyncadd.s32 s4;
	_ =	sdelay $0x1  }
0xa1: {  	s23 =	simm.s32 $0x1B8B  }
0xa2: {  	_ =	swait.ge [sflag:s23], $0x1  }
0xa3: {  	[sflag:s23] =	ssyncset.done $0x0  }
0xa4: {  	s25 =	simm.s32 $0x1B8E;
	s24 =	sld [smem:$0x3FFE];
	[sflag:s23] =	ssyncadd.s32 $0xFFFFFFFF  }
0xa5: {  	s26 =	simm.s32 $execute0_lowered;
	[smem:$0x3FD2] =	sst s25  }
0xa6: {  	s5 =	sshll.u32 s26, $0x1;
	_ =	strace $0x80000049;
	[dreg:$0x1] =	wrdreg $0xFFFFFFFF  }
0xa7: {  	s28 =	simm.s32 $_size_execute0_lowered;
	s3 =	sadd.s32 s3, s5;
	[dreg:$0x0] =	wrdreg $0x0  }
0xa8: {  	s5 =	sshll.u32 s28, $0x1;
	[dreg:$0x2] =	wrdreg s3  }
0xa9: {  	[dreg:$0x3] =	wrdreg s5  }
0xaa: {  	[dreg:$0x4] =	wrdreg $0xC0  }
0xab: {  	_ =	task [dreg:s7], $0x5FFFF  }
0xac: {  	[dreg:$0x1] =	wrdreg $0xFFFFFFFF  }
0xad: {  	[dreg:$0x0] =	wrdreg $0x60  }
0xae: {  	[dreg:$0x2] =	wrdreg s2  }
0xaf: {  	[dreg:$0x3] =	wrdreg s24  }
0xb0: {  	[dreg:$0x4] =	wrdreg $0x9  }
0xb1: {  	_ =	task.clear_ibuf [dreg:s7], $0x5FFFF;
	_ =	strace $0x90000049  }
0xb2: {  	s29 =	simm.s32 $0x9;
	_ =	strace $0x8000004B  }
0xb3: {  	_ =	swait.ge [sflag:s29], $0x1  }
0xb4: {  	[sflag:s29] =	ssyncadd.s32 $0xFFFFFFFF  }
0xb5: {  	_ =	strace $0x9000004B  }
0xb6: {  	_ =	sfence  }
0xb7: {  	s30 =	sld [smem:$0x0];
	_ =	sdelay $0x2  }
0xb8: {  	s31 =	sshll.u32 s1, $0xD;
	s1 =	sshrl.u32 s1, $0x2  }
0xb9: {  	s3 =	sand.u32 $0x4000, s31;
	s1 =	sadd.s32 s1, s30  }
0xba: {  	s0 =	sor.u32 s3, s0;
	s1 =	sshll.u32 s1, $0x11  }
0xbb: {  	s0 =	sor.u32 s1, s0  }
0xbc: {  	s0 =	sadd.s32 $0x8F2B, s0  }
0xbd: {  	[sflag:s0] =	ssyncadd.remote.s32 $0x1  }
0xbe: {  	_ =	sfence.sel $0xFFFF  }
0xbf: {  	[dreg:$0x0] =	wrdreg $0xFFFFFFFF;
	(pc) =	sbr.abs _section_cstart, $3  }
0xc0: {  	[dreg:$0x1] =	wrdreg $0xFFFFFFFF  }
0xc1: {  	_ =	task.clear_ibuf [dreg:s7], $0x2FFFF;
	_ =	strace $0x9FFFFFFF  }
0xc2: {  	(tm) =	ssettm $0x7FFFFFFF  }
0xc3: {  	_ =	shalt  }
tec
execute0_lowered:
.L_overlay_start_1:
0x0: {  	(tag) =	ssettag $0x1  }
0x1: {  	s0 =	rddreg [dreg:$0x0];
	s10 =	stileid.u32  }
0x2: {  	s1 =	srdreg.scid;
	s14 =	smul.u32 $0x1C0000, s10  }
0x3: {  	s3 =	rddreg [dreg:$0x1];
	s16 =	smul.u32 $0x32000, s10  }
0x4: {  	s2 =	simm.s32 $0x0;
	s1 =	sand.u32 $0x1, s1;
	s19 =	smul.u32 $0x38000, s10  }
0x5: {  	s29 =	simm.s32 $0x9600;
	s30 =	simm.s32 $0xAF00;
	s15 =	smul.u32 $0xE0000, s1  }
0x6: {  	s31 =	simm.s32 $0x3;
	s4 =	sshll.u32 s10, $0x1;
	s17 =	smul.u32 $0x19000, s1  }
0x7: {  	s4 =	sor.u32 s1, s4;
	s5 =	ssub.s32 $0x2, s1;
	s1 =	smul.u32 $0x1C000, s1  }
0x8: {  	[smem:$0x7FF] =	sst s2;
	s3 =	sadd.s32 $0x1600, s3;
	s6 =	smul.u32 $0x19000, s4  }
0x9: {  	_ =	strace $0x8000004A;
	s7 =	sshrl.u32 s5, $0x1;
	s4 =	smul.u32 $0xC8000, s4  }
0xa: {  	s5 =	ssub.s32 s5, s7;
	s7 =	simm.s32 $0x17700;
	s8 =	sadd.s32 s0, s6  }
0xb: {  	s4 =	sshrl.u32 s4, $0x3;
	s6 =	sadd.s32 s15, s14;
	s5 =	smax.u32 s5, $0x1  }
0xc: {  	[dreg:$0x3] =	wrdreg s8;
	s8 =	sadd.s32 $0xC80, s8;
	s4 =	sadd.s32 s0, s4  }
0xd: {  	s0 =	sadd.s32 s16, s0;
	s18 =	sor.u32 $0x1A400, s6;
	[dreg:$0x7] =	wrdreg s5  }
0xe: {  	s20 =	sor.u32 $0x18800, s6;
	s21 =	sor.u32 $0x16C00, s6;
	s22 =	sor.u32 $0x13400, s6  }
0xf: {  	s23 =	sor.u32 $0x11800, s6;
	s24 =	sor.u32 $0xC400, s6;
	s25 =	sor.u32 $0xA800, s6  }
0x10: {  	s26 =	sor.u32 $0x8C00, s6;
	s28 =	sor.u32 $0x5400, s6;
	s6 =	simm.s32 $0x15E00  }
0x11: {  	[dreg:$0x4] =	wrdreg s8;
	s9 =	sadd.s32 $0x1900, s4;
	s4 =	sadd.s32 $0x2580, s4  }
0x12: {  	s0 =	sadd.s32 s17, s0;
	s5 =	sshrl.u32 s21, $0x3;
	[dreg:$0x5] =	wrdreg s9  }
0x13: {  	s21 =	simm.s32 $0x12C00;
	s8 =	simm.s32 $0x8;
	[dreg:$0x6] =	wrdreg s4  }
0x14: {  	s4 =	sshrl.u32 s18, $0x3;
	s0 =	sadd.s32 $0x5780, s0;
	s11 =	sadd.s32 s5, s3  }
0x15: {  	s5 =	simm.s32 $0x4;
	[dreg:$0x8] =	wrdreg s0;
	s9 =	sadd.s32 s4, s3  }
0x16: {  	s4 =	sshrl.u32 s20, $0x3;
	s0 =	sadd.s32 s19, s3;
	s20 =	simm.s32 $0x0  }
0x17: {  	s10 =	sadd.s32 s4, s3;
	s12 =	sadd.s32 s1, s0;
	s0 =	sshrl.u32 s22, $0x3  }
0x18: {  	s1 =	sshrl.u32 s23, $0x3;
	s4 =	sshrl.u32 s24, $0x3;
	s22 =	simm.s32 $0x1  }
.Ltmp0:
0x19: {  	s13 =	sadd.s32 s0, s3;
	s14 =	sadd.s32 s1, s3;
	(pc) =	sbr.rel .LBB2_1-.Ltmp0, $4  }
0x1a: {  	s15 =	sadd.s32 s4, s3;
	s0 =	sshrl.u32 s25, $0x3;
	s1 =	sshrl.u32 s26, $0x3  }
0x1b: {  	s4 =	sshrl.u32 s28, $0x3;
	s26 =	simm.s32 $0x2;
	s16 =	sadd.s32 s0, s3  }
0x1c: {  	s17 =	sadd.s32 s1, s3;
	s18 =	sadd.s32 s4, s3;
	s1 =	simm.s32 $0xE100  }
0x1d: {  	s0 =	simm.s32 $0xFA00;
	s4 =	simm.s32 $0x11300;
	s3 =	simm.s32 $0x14500  }
.LBB2_4:
0x1e: {  	s19 =	simm.s32 $0x5  }
0x1f: {  	_ =	swait.ge [sflag:s19], $0x1900  }
0x20: {  	[sflag:s19] =	ssyncset.done $0x0  }
0x21: {  	[sflag:s19] =	ssyncadd.s32 $0xFFFFE700  }
0x22: {  	_ =	swait.ge [sflag:s19], $0x1900  }
0x23: {  	[sflag:s19] =	ssyncset.done $0x0  }
0x24: {  	[sflag:s19] =	ssyncadd.s32 $0xFFFFE700  }
0x25: {  	_ =	swait.ge [sflag:s19], $0x1900  }
0x26: {  	[sflag:s19] =	ssyncset.done $0x0  }
0x27: {  	[sflag:s19] =	ssyncadd.s32 $0xFFFFE700  }
0x28: {  	_ =	swait.ge [sflag:s19], $0x1900  }
0x29: {  	[sflag:s19] =	ssyncset.done $0x0  }
0x2a: {  	s24 =	simm.s32 $0x6;
	[sflag:s19] =	ssyncadd.s32 $0xFFFFE700  }
0x2b: {  	_ =	swait.ge [sflag:s24], $0x1900  }
0x2c: {  	[sflag:s24] =	ssyncset.done $0x0  }
0x2d: {  	[sflag:s24] =	ssyncadd.s32 $0xFFFFE700  }
0x2e: {  	_ =	swait.ge [sflag:s24], $0x1900  }
0x2f: {  	[sflag:s24] =	ssyncset.done $0x0  }
0x30: {  	[sflag:s24] =	ssyncadd.s32 $0xFFFFE700  }
0x31: {  	_ =	swait.ge [sflag:s24], $0x1900  }
0x32: {  	[sflag:s24] =	ssyncset.done $0x0  }
0x33: {  	[sflag:s24] =	ssyncadd.s32 $0xFFFFE700  }
0x34: {  	_ =	swait.ge [sflag:s24], $0x1900  }
0x35: {  	[sflag:s24] =	ssyncset.done $0x0  }
0x36: {  	s25 =	simm.s32 $0x7;
	[sflag:s24] =	ssyncadd.s32 $0xFFFFE700  }
0x37: {  	_ =	swait.ge [sflag:s25], $0x1900  }
0x38: {  	[sflag:s25] =	ssyncset.done $0x0  }
0x39: {  	[sflag:s25] =	ssyncadd.s32 $0xFFFFE700  }
0x3a: {  	_ =	swait.ge [sflag:s25], $0x1900  }
0x3b: {  	[sflag:s25] =	ssyncset.done $0x0  }
0x3c: {  	[sflag:s25] =	ssyncadd.s32 $0xFFFFE700  }
0x3d: {  	_ =	swait.ge [sflag:s25], $0x1900  }
0x3e: {  	[sflag:s25] =	ssyncset.done $0x0  }
0x3f: {  	[sflag:s25] =	ssyncadd.s32 $0xFFFFE700  }
0x40: {  	_ =	swait.ge [sflag:s25], $0x1900  }
0x41: {  	[sflag:s25] =	ssyncset.done $0x0  }
0x42: {  	[sflag:s25] =	ssyncadd.s32 $0xFFFFE700  }
0x43: {  	_ =	swait.ge [sflag:s8], $0x1900  }
0x44: {  	[sflag:s8] =	ssyncset.done $0x0  }
0x45: {  	[sflag:s8] =	ssyncadd.s32 $0xFFFFE700  }
0x46: {  	_ =	swait.ge [sflag:s8], $0x1900  }
0x47: {  	[sflag:s8] =	ssyncset.done $0x0  }
0x48: {  	[sflag:s8] =	ssyncadd.s32 $0xFFFFE700  }
0x49: {  	_ =	swait.ge [sflag:s8], $0x1900  }
0x4a: {  	[sflag:s8] =	ssyncset.done $0x0  }
0x4b: {  	[sflag:s8] =	ssyncadd.s32 $0xFFFFE700  }
0x4c: {  	_ =	swait.ge [sflag:s8], $0x1900  }
0x4d: {  	s20 =	rddreg [dreg:$0x9]  }
0x4e: {  	s28 =	rddreg [dreg:$0x7];
	s20 =	sadd.s32 $0x1, s20  }
0x4f: {  	p0 =	sne.s32 s20, s28  }
.Ltmp1:
0x50: {  	_ = 	snop;
	(pc) =	sbr.rel @!p0 .LBB2_5-.Ltmp1, $3  }
0x51: {  	_ =	sdelay $0x1  }
0x52: {  	[sflag:s8] =	ssyncset.done $0x0  }
0x53: {  	[sflag:s8] =	ssyncadd.s32 $0xFFFFE700  }
.LBB2_1:
0x54: {  	[dreg:$0x9] =	wrdreg s20  }
0x55: {  	s19 =	rddreg [dreg:$0x3]  }
0x56: {  	s20 =	rddreg [dreg:$0x4]  }
0x57: {  	[tilespmem:s2], [sflag:$0x1] =	stream.linear.gather [hbm4b:s19+s2], $0x6400, $0x38;
	[tilespmem:$0x19000] =	vst v63  }
0x58: {  	s23 =	simm.s32 $0x6400;
	s24 =	rddreg [dreg:$0x5]  }
0x59: {  	[tilespmem:s23], [sflag:$0x2] =	stream.linear.gather [hbm4b:s20+s2], $0x6400, $0x38;
	[tilespmem:$0x19000] =	vst v63  }
0x5a: {  	s25 =	simm.s32 $0xC800;
	s28 =	rddreg [dreg:$0x6]  }
0x5b: {  	[tilespmem:s25], [sflag:$0x3] =	stream.linear.gather [hbm4b:s24+s2], $0x6400, $0x38;
	[tilespmem:$0x19000] =	vst v63  }
0x5c: {  	s23 =	simm.s32 $0x0;
	s24 =	rddreg [dreg:$0x8]  }
0x5d: {  	[tilespmem:s21], [sflag:$0x4] =	stream.linear.gather [hbm4b:s28+s2], $0x6400, $0x38;
	[tilespmem:$0x19000] =	vst v63  }
.LBB2_2:
0x5e: {  	_ =	swait.ge [sflag:s22], $0x6400  }
0x5f: {  	[sflag:s22] =	ssyncset.done $0x0  }
0x60: {  	s25 =	sadd.s32 s23, s12;
	[sflag:s22] =	ssyncadd.s32 $0xFFFF9C00  }
0x61: {  	[hbm4b:s25+s2] =	stream.linear.scatter [tilespmem:s2], [sflag:$0x5], $0x1900, $0x38;
	[tilespmem:$0x19000] =	vst v63  }
0x62: {  	s20 =	simm.s32 $0x1900;
	s19 =	sadd.s32 $0x380, s25  }
0x63: {  	[hbm4b:s19+s2] =	stream.linear.scatter [tilespmem:s20], [sflag:$0x5], $0x1900, $0x38;
	[tilespmem:$0x19000] =	vst v63  }
0x64: {  	s28 =	simm.s32 $0x3200;
	p0 =	seq.s32 s23, $0x18800;
	s20 =	sadd.s32 $0x700, s25  }
0x65: {  	[hbm4b:s20+s2] =	stream.linear.scatter [tilespmem:s28], [sflag:$0x5], $0x1900, $0x38;
	[tilespmem:$0x19000] =	vst v63  }
0x66: {  	s19 =	simm.s32 @!p0 $0x5;
	s20 =	sadd.s32 s23, s18;
	s28 =	simm.s32 $0x4B00  }
0x67: {  	[hbm4b:s20+s2] =	stream.linear.scatter [tilespmem:s28], [sflag:$0x5], $0x1900, $0x38;
	[tilespmem:$0x19000] =	vst v63  }
0x68: {  	_ =	swait.ge @!p0 [sflag:s19], $0x1900  }
0x69: {  	[sflag:s19] =	ssyncset.done @!p0 $0x0  }
0x6a: {  	[sflag:s19] =	ssyncadd.s32 @!p0 $0xFFFFE700  }
0x6b: {  	_ =	swait.ge @!p0 [sflag:s19], $0x1900  }
0x6c: {  	[sflag:s19] =	ssyncset.done @!p0 $0x0  }
0x6d: {  	[sflag:s19] =	ssyncadd.s32 @!p0 $0xFFFFE700  }
0x6e: {  	_ =	swait.ge @!p0 [sflag:s19], $0x1900  }
0x6f: {  	[sflag:s19] =	ssyncset.done @!p0 $0x0  }
0x70: {  	[sflag:s19] =	ssyncadd.s32 @!p0 $0xFFFFE700  }
0x71: {  	_ =	swait.ge @!p0 [sflag:s19], $0x1900  }
0x72: {  	[sflag:s19] =	ssyncset.done @!p0 $0x0  }
0x73: {  	s20 =	simm.s32 @!p0 $0x0;
	[sflag:s19] =	ssyncadd.s32 @!p0 $0xFFFFE700;
	s19 =	sadd.s32 @!p0 $0xFFFFDA80, s24  }
0x74: {  	[tilespmem:s20], [sflag:$0x1] =	stream.linear.gather @!p0 [hbm4b:s19+s20], $0x6400, $0x38;
	[tilespmem:$0x19000] =	vst v63  }
0x75: {  	_ =	swait.ge [sflag:s26], $0x6400  }
0x76: {  	[sflag:s26] =	ssyncset.done $0x0  }
0x77: {  	s28 =	simm.s32 $0x6400;
	s19 =	sadd.s32 $0xE00, s25;
	[sflag:s26] =	ssyncadd.s32 $0xFFFF9C00  }
0x78: {  	[hbm4b:s19+s2] =	stream.linear.scatter [tilespmem:s28], [sflag:$0x6], $0x1900, $0x38;
	[tilespmem:$0x19000] =	vst v63  }
0x79: {  	s19 =	sadd.s32 s23, s17;
	s28 =	simm.s32 $0x7D00  }
0x7a: {  	[hbm4b:s19+s2] =	stream.linear.scatter [tilespmem:s28], [sflag:$0x6], $0x1900, $0x38;
	[tilespmem:$0x19000] =	vst v63  }
0x7b: {  	s28 =	sadd.s32 s23, s16  }
0x7c: {  	[hbm4b:s28+s2] =	stream.linear.scatter [tilespmem:s29], [sflag:$0x6], $0x1900, $0x38;
	[tilespmem:$0x19000] =	vst v63  }
0x7d: {  	s19 =	simm.s32 @!p0 $0x6;
	s28 =	sadd.s32 s23, s15  }
0x7e: {  	[hbm4b:s28+s2] =	stream.linear.scatter [tilespmem:s30], [sflag:$0x6], $0x1900, $0x38;
	[tilespmem:$0x19000] =	vst v63  }
0x7f: {  	_ =	swait.ge @!p0 [sflag:s19], $0x1900  }
0x80: {  	[sflag:s19] =	ssyncset.done @!p0 $0x0  }
0x81: {  	[sflag:s19] =	ssyncadd.s32 @!p0 $0xFFFFE700  }
0x82: {  	_ =	swait.ge @!p0 [sflag:s19], $0x1900  }
0x83: {  	[sflag:s19] =	ssyncset.done @!p0 $0x0  }
0x84: {  	[sflag:s19] =	ssyncadd.s32 @!p0 $0xFFFFE700  }
0x85: {  	_ =	swait.ge @!p0 [sflag:s19], $0x1900  }
0x86: {  	[sflag:s19] =	ssyncset.done @!p0 $0x0  }
0x87: {  	[sflag:s19] =	ssyncadd.s32 @!p0 $0xFFFFE700  }
0x88: {  	_ =	swait.ge @!p0 [sflag:s19], $0x1900  }
0x89: {  	[sflag:s19] =	ssyncset.done @!p0 $0x0  }
0x8a: {  	s28 =	simm.s32 @!p0 $0x6400;
	[sflag:s19] =	ssyncadd.s32 @!p0 $0xFFFFE700;
	s19 =	sadd.s32 @!p0 $0xFFFFE700, s24  }
0x8b: {  	[tilespmem:s28], [sflag:$0x2] =	stream.linear.gather @!p0 [hbm4b:s19+s20], $0x6400, $0x38;
	[tilespmem:$0x19000] =	vst v63  }
0x8c: {  	_ =	swait.ge [sflag:s31], $0x6400  }
0x8d: {  	[sflag:s31] =	ssyncset.done $0x0  }
0x8e: {  	s19 =	sadd.s32 $0x1C00, s25;
	s28 =	simm.s32 $0xC800;
	[sflag:s31] =	ssyncadd.s32 $0xFFFF9C00  }
0x8f: {  	[hbm4b:s19+s2] =	stream.linear.scatter [tilespmem:s28], [sflag:$0x7], $0x1900, $0x38;
	[tilespmem:$0x19000] =	vst v63  }
0x90: {  	s28 =	sadd.s32 $0x1F80, s25  }
0x91: {  	[hbm4b:s28+s2] =	stream.linear.scatter [tilespmem:s1], [sflag:$0x7], $0x1900, $0x38;
	[tilespmem:$0x19000] =	vst v63  }
0x92: {  	s28 =	sadd.s32 s23, s14  }
0x93: {  	[hbm4b:s28+s2] =	stream.linear.scatter [tilespmem:s0], [sflag:$0x7], $0x1900, $0x38;
	[tilespmem:$0x19000] =	vst v63  }
0x94: {  	s19 =	simm.s32 @!p0 $0x7;
	s28 =	sadd.s32 s23, s13  }
0x95: {  	[hbm4b:s28+s2] =	stream.linear.scatter [tilespmem:s4], [sflag:$0x7], $0x1900, $0x38;
	[tilespmem:$0x19000] =	vst v63  }
0x96: {  	_ =	swait.ge @!p0 [sflag:s19], $0x1900  }
0x97: {  	[sflag:s19] =	ssyncset.done @!p0 $0x0  }
0x98: {  	[sflag:s19] =	ssyncadd.s32 @!p0 $0xFFFFE700  }
0x99: {  	_ =	swait.ge @!p0 [sflag:s19], $0x1900  }
0x9a: {  	[sflag:s19] =	ssyncset.done @!p0 $0x0  }
0x9b: {  	[sflag:s19] =	ssyncadd.s32 @!p0 $0xFFFFE700  }
0x9c: {  	_ =	swait.ge @!p0 [sflag:s19], $0x1900  }
0x9d: {  	[sflag:s19] =	ssyncset.done @!p0 $0x0  }
0x9e: {  	[sflag:s19] =	ssyncadd.s32 @!p0 $0xFFFFE700  }
0x9f: {  	_ =	swait.ge @!p0 [sflag:s19], $0x1900  }
0xa0: {  	[sflag:s19] =	ssyncset.done @!p0 $0x0  }
0xa1: {  	s28 =	simm.s32 @!p0 $0xC800;
	[sflag:s19] =	ssyncadd.s32 @!p0 $0xFFFFE700;
	s19 =	sadd.s32 @!p0 $0xFFFFF380, s24  }
0xa2: {  	[tilespmem:s28], [sflag:$0x3] =	stream.linear.gather @!p0 [hbm4b:s19+s20], $0x6400, $0x38;
	[tilespmem:$0x19000] =	vst v63  }
0xa3: {  	_ =	swait.ge [sflag:s5], $0x6400  }
0xa4: {  	[sflag:s5] =	ssyncset.done $0x0  }
0xa5: {  	s28 =	sadd.s32 $0x2A00, s25;
	[sflag:s5] =	ssyncadd.s32 $0xFFFF9C00  }
0xa6: {  	[hbm4b:s28+s2] =	stream.linear.scatter [tilespmem:s21], [sflag:$0x8], $0x1900, $0x38;
	[tilespmem:$0x19000] =	vst v63  }
0xa7: {  	s20 =	sadd.s32 s23, s11  }
0xa8: {  	[hbm4b:s20+s2] =	stream.linear.scatter [tilespmem:s3], [sflag:$0x8], $0x1900, $0x38;
	[tilespmem:$0x19000] =	vst v63  }
.Ltmp2:
0xa9: {  	_ = 	snop;
	(pc) =	sbr.rel @p0 .LBB2_4-.Ltmp2, $4  }
0xaa: {  	s25 =	sadd.s32 s23, s10  }
0xab: {  	[hbm4b:s25+s2] =	stream.linear.scatter [tilespmem:s6], [sflag:$0x8], $0x1900, $0x38;
	[tilespmem:$0x19000] =	vst v63  }
0xac: {  	s28 =	sadd.s32 s23, s9  }
0xad: {  	[hbm4b:s28+s2] =	stream.linear.scatter [tilespmem:s7], [sflag:$0x8], $0x1900, $0x38;
	[tilespmem:$0x19000] =	vst v63  }
0xae: {  	_ =	swait.ge [sflag:s8], $0x1900  }
0xaf: {  	[sflag:s8] =	ssyncset.done $0x0  }
0xb0: {  	[sflag:s8] =	ssyncadd.s32 $0xFFFFE700  }
0xb1: {  	_ =	swait.ge [sflag:s8], $0x1900  }
0xb2: {  	[sflag:s8] =	ssyncset.done $0x0  }
0xb3: {  	[sflag:s8] =	ssyncadd.s32 $0xFFFFE700  }
0xb4: {  	_ =	swait.ge [sflag:s8], $0x1900  }
0xb5: {  	[sflag:s8] =	ssyncset.done $0x0  }
0xb6: {  	[sflag:s8] =	ssyncadd.s32 $0xFFFFE700  }
.Ltmp3:
0xb7: {  	_ =	swait.ge [sflag:s8], $0x1900;
	(pc) =	sbr.rel .LBB2_2-.Ltmp3, $4  }
0xb8: {  	[sflag:s8] =	ssyncset.done $0x0  }
0xb9: {  	[sflag:s8] =	ssyncadd.s32 $0xFFFFE700  }
0xba: {  	[tilespmem:s21], [sflag:$0x4] =	stream.linear.gather [hbm4b:s24+s2], $0x6400, $0x38;
	[tilespmem:$0x19000] =	vst v63  }
0xbb: {  	s23 =	sadd.s32 $0x3800, s23;
	s24 =	sadd.s32 $0x3200, s24  }
.LBB2_5:
0xbc: {  	_ =	sfence.sel $0x180000  }
0xbd: {  	[bflag:$0x0] =	sbarrier.arrive $0xFFFF  }
0xbe: {  	_ =	strace $0x9000004A  }
0xbf: {  	s0 =	stileid.u32;
	[bflag:$0x2] =	sbarrier.arrive $0xFFFF  }
0xc0: {  	p0 =	sne.s32 s0, $0x0;
	s0 =	rddreg [dreg:$0x2]  }
0xc1: {  	s0 =	sadd.s32 @!p0 $0x100000, s0  }
0xc2: {  	[sflag:s0] =	ssyncadd.tile.s32 @!p0 $0x1;
	_ =	shalt  }
.Lfunc_end2:
_tile_overlayer_lowered:
.L_overlay_start_2:
0xc3: {  	(tag) =	ssettag $0x2  }
0xc4: {  	s0 =	rddreg [dreg:$0x0];
	s2 =	stileid.u32  }
0xc5: {  	s1 =	rddreg [dreg:$0x1];
	p0 =	sne.s32 s2, $0x0  }
0xc6: {  	s3 =	rddreg [dreg:$0x2];
	[bflag:$0x3] =	sbarrier.arrive $0xFFFF;
	s2 =	simm.s32 @!p0 $0x1C09  }
0xc7: {  	[timem:s3], [sflag:s2] =	dma.local @!p0 [hbm:s0], s1  }
0xc8: {  	s0 =	simm.s32 @!p0 $0x9  }
0xc9: {  	_ =	swait.ge @!p0 [sflag:s0], s1  }
0xca: {  	s1 =	ssub.s32 @!p0 $0x0, s1;
	[sflag:s0] =	ssyncset.done @!p0 $0x0  }
0xcb: {  	[sflag:s0] =	ssyncadd.s32 @!p0 s1  }
0xcc: {  	[bflag:$0x3] =	sbarrier.arrive $0xFFFF  }
0xcd: {  	_ =	shalt  }

</sc_bundles>
